<compile_context>
chip_gen: v7x
topology: tpu7x:2x2x1
jax: 0.10.2.dev20260603
libtpu: 0.0.44.dev20260713+nightly
codegen_flags: <defaults>
</compile_context>

<pallas_src>
import functools

import jax
import jax.numpy as jnp
from jax import lax
from jax.experimental import pallas as pl
from jax.experimental.pallas import tpu as pltpu
from jax.experimental.pallas import tpu_sc as plsc

_INFO = plsc.get_sparse_core_info()
_NC = _INFO.num_cores
_NS = _INFO.num_subcores
_NW = _NC * _NS

_BATCH = 16384
_HIST = 50
_D = 64
_DP = 128
_IW = 128
_NROWS = _BATCH * _HIST // _IW
_ROWS_PER_W = _NROWS // _NW
_KS = 4
_KT = 2
_LEAD = 3
_ROUNDS = _ROWS_PER_W // _KS


@functools.partial(
    pl.kernel,
    mesh=plsc.VectorSubcoreMesh(core_axis_name="c", subcore_axis_name="s"),
    out_type=jax.ShapeDtypeStruct((_HIST, _D, _BATCH), jnp.float32),
    scratch_types=[
        pltpu.VMEM((_ROWS_PER_W, _IW), jnp.int32),
        pltpu.VMEM((_KS, _IW, _DP), jnp.float32),
        pltpu.VMEM((_KT, _D, _IW), jnp.float32),
        pltpu.SemaphoreType.DMA((_KS,)),
        pltpu.SemaphoreType.DMA((_KT,)),
    ],
    compiler_params=pltpu.CompilerParams(
        use_tc_tiling_on_sc=True, needs_layout_passes=False
    ),
)
def _gather_kernel(idx_hbm, table_hbm, out_hbm, idx_v, stage_v, tbuf_v,
                   gsem, wsem):
    wid = lax.axis_index("s") * _NC + lax.axis_index("c")
    base_u = wid * _ROWS_PER_W
    lane = lax.iota(jnp.int32, 16)

    def fire_gather(slot, u):
        pltpu.async_copy(
            table_hbm.at[idx_v.at[u]], stage_v.at[slot], gsem.at[slot]
        )

    def wait_gather(slot, u):
        pltpu.make_async_copy(
            table_hbm.at[idx_v.at[u]], stage_v.at[slot], gsem.at[slot]
        ).wait()

    def _wb_dst(u):
        k = base_u + u
        h = k // _IW
        bb = k % _IW
        return out_hbm.at[pl.ds(h, 1), :, pl.ds(bb * _IW, _IW)]

    def fire_wb(t, u):
        pltpu.async_copy(tbuf_v.at[pl.ds(t, 1)], _wb_dst(u), wsem.at[t])

    def wait_wb(t, u):
        pltpu.make_async_copy(
            tbuf_v.at[pl.ds(t, 1)], _wb_dst(u), wsem.at[t]
        ).wait()

    diags = [(lane + k) & 15 for k in range(16)]

    def transpose(slot, t):
        def block(blk, carry):
            l0 = (blk & 7) * 16
            d0 = (blk >> 3) * 16
            lrow = lane + l0
            for k in range(16):
                dcol = diags[k] + d0
                v = plsc.load_gather(stage_v.at[slot], [lrow, dcol])
                plsc.store_scatter(tbuf_v.at[t], [dcol, lrow], v)
            return carry

        lax.fori_loop(0, (_IW // 16) * (_D // 16), block, 0)

    pltpu.sync_copy(idx_hbm.at[pl.ds(base_u, _ROWS_PER_W)], idx_v)

    for p in range(_LEAD):
        fire_gather(p, p)

    def round_body(r, carry):
        for j in range(_KS):
            u = r * _KS + j
            sf = (j + _LEAD) % _KS
            if j == 0:
                fire_gather(sf, u + _LEAD)
            else:
                @pl.when(r < _ROUNDS - 1)
                def _():
                    fire_gather(sf, u + _LEAD)

            wait_gather(j, u)

            t = j % _KT
            if j >= _KT:
                wait_wb(t, u - _KT)
            else:
                @pl.when(r > 0)
                def _():
                    wait_wb(t, u - _KT)

            transpose(j, t)
            fire_wb(t, u)
        return carry

    lax.fori_loop(0, _ROUNDS, round_body, 0)

    last = _ROUNDS * _KS
    for p in range(_KT):
        wait_wb(p, last - _KT + p)


def kernel(x, W):
    idx = jnp.transpose(x).reshape(_NROWS, _IW).astype(jnp.int32)
    W128 = jnp.pad(W, ((0, 0), (0, _DP - _D)))
    out = _gather_kernel(idx, W128)
    return jnp.transpose(out, (2, 0, 1))

# --- scband reference (transcript-rebuilt; emitter-appended) ---
"""Pipeline reference for scband-embedding-16329465659558 (READ-ONLY COPY).

The authoritative reference and input builder live on the scoring server;
editing this copy changes nothing except your own understanding.
"""

import jax, jax.numpy as jnp
import numpy as np

VOCAB = 1000000
D_MODEL = 64
BATCH = 16384
HIST = 50

def setup_inputs(seed: int = 0) -> dict:
    key = jax.random.key(seed)
    k1, k2 = jax.random.split(key)
    x = jax.random.randint(k1, (BATCH, HIST), 0, VOCAB, dtype=jnp.int64 if jax.config.jax_enable_x64 else jnp.int32)
    W = jax.random.normal(k2, (VOCAB, D_MODEL), dtype=jnp.float32)
    return {"x": x, "W": W}

def reference(x, W):
    # Embedding lookup: W[x] -> gather rows of the table
    return jnp.take(W, x, axis=0)

if __name__ == "__main__":
    import jax
    _d = setup_inputs()
    print(jax.jit(kernel)(*tuple(_d.values())))

</pallas_src>

<mosaic_0001>
#map = affine_map<(d0, d1) -> (0, 0)>
#map1 = affine_map<(d0, d1) -> (0, 0, 0)>
module attributes {stable_mosaic.version = 14 : i64} {
  func.func @_gather_kernel(%arg0: i32, %arg1: i32, %arg2: memref<6400x128xi32, #tpu.memory_space<hbm>>, %arg3: memref<1000000x128xf32, #tpu.memory_space<hbm>>, %arg4: memref<50x64x16384xf32, #tpu.memory_space<hbm>>, %arg5: memref<200x128xi32, #tpu.memory_space<vmem>>, %arg6: memref<4x128x128xf32, #tpu.memory_space<vmem>>, %arg7: memref<2x64x128xf32, #tpu.memory_space<vmem>>, %arg8: memref<4x!tpu.dma_semaphore, #tpu.memory_space<semaphore_mem>>, %arg9: memref<2x!tpu.dma_semaphore, #tpu.memory_space<semaphore_mem>>) attributes {dimension_semantics = [#tpu.dimension_semantics<core_parallel>, #tpu.dimension_semantics<subcore_parallel>], iteration_bounds = array<i64: 2, 16>, scalar_prefetch = 0 : i64, scratch_operands = 5 : i64, tpu.core_type = #tpu.core_type<sc_vector_subcore>, window_params = [{transform_indices = #map}, {transform_indices = #map}, {transform_indices = #map1}]} {
    %mul3A = arith.constant 2 : i32
    %mul3A_0 = arith.muli %arg1, %mul3A : i32
    %add3A = arith.addi %mul3A_0, %arg0 : i32
    %mul3A_1 = arith.constant 200 : i32
    %mul3A_2 = arith.muli %add3A, %mul3A_1 : i32
    %iota3A = tpu.iota {dimensions = array<i32: 0>} : vector<16xi32>
    %add3A_3 = arith.constant 0 : i32
    %add3A_4 = vector.broadcast %add3A_3 : i32 to vector<16xi32>
    %add3A_5 = arith.addi %iota3A, %add3A_4 : vector<16xi32>
    %and3A = arith.constant 15 : i32
    %and3A_6 = vector.broadcast %and3A : i32 to vector<16xi32>
    %and3A_7 = arith.andi %add3A_5, %and3A_6 : vector<16xi32>
    %add3A_8 = arith.constant 1 : i32
    %add3A_9 = vector.broadcast %add3A_8 : i32 to vector<16xi32>
    %add3A_10 = arith.addi %iota3A, %add3A_9 : vector<16xi32>
    %and3A_11 = arith.constant 15 : i32
    %and3A_12 = vector.broadcast %and3A_11 : i32 to vector<16xi32>
    %and3A_13 = arith.andi %add3A_10, %and3A_12 : vector<16xi32>
    %add3A_14 = arith.constant 2 : i32
    %add3A_15 = vector.broadcast %add3A_14 : i32 to vector<16xi32>
    %add3A_16 = arith.addi %iota3A, %add3A_15 : vector<16xi32>
    %and3A_17 = arith.constant 15 : i32
    %and3A_18 = vector.broadcast %and3A_17 : i32 to vector<16xi32>
    %and3A_19 = arith.andi %add3A_16, %and3A_18 : vector<16xi32>
    %add3A_20 = arith.constant 3 : i32
    %add3A_21 = vector.broadcast %add3A_20 : i32 to vector<16xi32>
    %add3A_22 = arith.addi %iota3A, %add3A_21 : vector<16xi32>
    %and3A_23 = arith.constant 15 : i32
    %and3A_24 = vector.broadcast %and3A_23 : i32 to vector<16xi32>
    %and3A_25 = arith.andi %add3A_22, %and3A_24 : vector<16xi32>
    %add3A_26 = arith.constant 4 : i32
    %add3A_27 = vector.broadcast %add3A_26 : i32 to vector<16xi32>
    %add3A_28 = arith.addi %iota3A, %add3A_27 : vector<16xi32>
    %and3A_29 = arith.constant 15 : i32
    %and3A_30 = vector.broadcast %and3A_29 : i32 to vector<16xi32>
    %and3A_31 = arith.andi %add3A_28, %and3A_30 : vector<16xi32>
    %add3A_32 = arith.constant 5 : i32
    %add3A_33 = vector.broadcast %add3A_32 : i32 to vector<16xi32>
    %add3A_34 = arith.addi %iota3A, %add3A_33 : vector<16xi32>
    %and3A_35 = arith.constant 15 : i32
    %and3A_36 = vector.broadcast %and3A_35 : i32 to vector<16xi32>
    %and3A_37 = arith.andi %add3A_34, %and3A_36 : vector<16xi32>
    %add3A_38 = arith.constant 6 : i32
    %add3A_39 = vector.broadcast %add3A_38 : i32 to vector<16xi32>
    %add3A_40 = arith.addi %iota3A, %add3A_39 : vector<16xi32>
    %and3A_41 = arith.constant 15 : i32
    %and3A_42 = vector.broadcast %and3A_41 : i32 to vector<16xi32>
    %and3A_43 = arith.andi %add3A_40, %and3A_42 : vector<16xi32>
    %add3A_44 = arith.constant 7 : i32
    %add3A_45 = vector.broadcast %add3A_44 : i32 to vector<16xi32>
    %add3A_46 = arith.addi %iota3A, %add3A_45 : vector<16xi32>
    %and3A_47 = arith.constant 15 : i32
    %and3A_48 = vector.broadcast %and3A_47 : i32 to vector<16xi32>
    %and3A_49 = arith.andi %add3A_46, %and3A_48 : vector<16xi32>
    %add3A_50 = arith.constant 8 : i32
    %add3A_51 = vector.broadcast %add3A_50 : i32 to vector<16xi32>
    %add3A_52 = arith.addi %iota3A, %add3A_51 : vector<16xi32>
    %and3A_53 = arith.constant 15 : i32
    %and3A_54 = vector.broadcast %and3A_53 : i32 to vector<16xi32>
    %and3A_55 = arith.andi %add3A_52, %and3A_54 : vector<16xi32>
    %add3A_56 = arith.constant 9 : i32
    %add3A_57 = vector.broadcast %add3A_56 : i32 to vector<16xi32>
    %add3A_58 = arith.addi %iota3A, %add3A_57 : vector<16xi32>
    %and3A_59 = arith.constant 15 : i32
    %and3A_60 = vector.broadcast %and3A_59 : i32 to vector<16xi32>
    %and3A_61 = arith.andi %add3A_58, %and3A_60 : vector<16xi32>
    %add3A_62 = arith.constant 10 : i32
    %add3A_63 = vector.broadcast %add3A_62 : i32 to vector<16xi32>
    %add3A_64 = arith.addi %iota3A, %add3A_63 : vector<16xi32>
    %and3A_65 = arith.constant 15 : i32
    %and3A_66 = vector.broadcast %and3A_65 : i32 to vector<16xi32>
    %and3A_67 = arith.andi %add3A_64, %and3A_66 : vector<16xi32>
    %add3A_68 = arith.constant 11 : i32
    %add3A_69 = vector.broadcast %add3A_68 : i32 to vector<16xi32>
    %add3A_70 = arith.addi %iota3A, %add3A_69 : vector<16xi32>
    %and3A_71 = arith.constant 15 : i32
    %and3A_72 = vector.broadcast %and3A_71 : i32 to vector<16xi32>
    %and3A_73 = arith.andi %add3A_70, %and3A_72 : vector<16xi32>
    %add3A_74 = arith.constant 12 : i32
    %add3A_75 = vector.broadcast %add3A_74 : i32 to vector<16xi32>
    %add3A_76 = arith.addi %iota3A, %add3A_75 : vector<16xi32>
    %and3A_77 = arith.constant 15 : i32
    %and3A_78 = vector.broadcast %and3A_77 : i32 to vector<16xi32>
    %and3A_79 = arith.andi %add3A_76, %and3A_78 : vector<16xi32>
    %add3A_80 = arith.constant 13 : i32
    %add3A_81 = vector.broadcast %add3A_80 : i32 to vector<16xi32>
    %add3A_82 = arith.addi %iota3A, %add3A_81 : vector<16xi32>
    %and3A_83 = arith.constant 15 : i32
    %and3A_84 = vector.broadcast %and3A_83 : i32 to vector<16xi32>
    %and3A_85 = arith.andi %add3A_82, %and3A_84 : vector<16xi32>
    %add3A_86 = arith.constant 14 : i32
    %add3A_87 = vector.broadcast %add3A_86 : i32 to vector<16xi32>
    %add3A_88 = arith.addi %iota3A, %add3A_87 : vector<16xi32>
    %and3A_89 = arith.constant 15 : i32
    %and3A_90 = vector.broadcast %and3A_89 : i32 to vector<16xi32>
    %and3A_91 = arith.andi %add3A_88, %and3A_90 : vector<16xi32>
    %add3A_92 = arith.constant 15 : i32
    %add3A_93 = vector.broadcast %add3A_92 : i32 to vector<16xi32>
    %add3A_94 = arith.addi %iota3A, %add3A_93 : vector<16xi32>
    %and3A_95 = arith.constant 15 : i32
    %and3A_96 = vector.broadcast %and3A_95 : i32 to vector<16xi32>
    %and3A_97 = arith.andi %add3A_94, %and3A_96 : vector<16xi32>
    "tpu.region"() ({
      %run_scoped3A = tpu.sem_alloc : memref<!tpu.dma_semaphore, #tpu.memory_space<semaphore_mem>>
      %dma_start3A_255 = arith.constant 0 : i32
      %dma_start3A_256 = tpu.memref_slice %arg2[%mul3A_2, %dma_start3A_255] : memref<6400x128xi32, #tpu.memory_space<hbm>> -> memref<200x128xi32, #tpu.memory_space<hbm>>
      %dma_start3A_257 = arith.constant 0 : i32
      %dma_start3A_258 = tpu.memref_slice %arg2[%mul3A_2, %dma_start3A_257] : memref<6400x128xi32, #tpu.memory_space<hbm>> -> memref<200x128xi32, #tpu.memory_space<hbm>>
      tpu.enqueue_dma source(%dma_start3A_258 : memref<200x128xi32, #tpu.memory_space<hbm>>) target(%arg5 : memref<200x128xi32, #tpu.memory_space<vmem>>) target_semaphore(%run_scoped3A : memref<!tpu.dma_semaphore, #tpu.memory_space<semaphore_mem>>)
      %dma_wait3A_259 = arith.constant 0 : i32
      %dma_wait3A_260 = tpu.memref_slice %arg2[%mul3A_2, %dma_wait3A_259] : memref<6400x128xi32, #tpu.memory_space<hbm>> -> memref<200x128xi32, #tpu.memory_space<hbm>>
      %dma_wait3A_261 = arith.constant 0 : i32
      %dma_wait3A_262 = tpu.memref_slice %arg2[%mul3A_2, %dma_wait3A_261] : memref<6400x128xi32, #tpu.memory_space<hbm>> -> memref<200x128xi32, #tpu.memory_space<hbm>>
      tpu.wait_dma2 semaphore(%run_scoped3A : memref<!tpu.dma_semaphore, #tpu.memory_space<semaphore_mem>>) src(%dma_wait3A_262 : memref<200x128xi32, #tpu.memory_space<hbm>>) dst(%arg5 : memref<200x128xi32, #tpu.memory_space<vmem>>)
      tpu.yield
    }) : () -> ()
    %dma_start3A = arith.constant 0 : i32
    %dma_start3A_98 = arith.constant 0 : i32
    %dma_start3A_99 = arith.constant 0 : i32
    %dma_start3A_100 = arith.constant 0 : i32
    %dma_start3A_101 = arith.constant 0 : i32
    %dma_start3A_102 = tpu.memref_slice %arg6[%dma_start3A_98, %dma_start3A_100, %dma_start3A_101] : memref<4x128x128xf32, #tpu.memory_space<vmem>> -> memref<1x128x128xf32, #tpu.memory_space<vmem>>
    %dma_start3A_103 = tpu.memref_squeeze %dma_start3A_102 : memref<1x128x128xf32, #tpu.memory_space<vmem>> -> memref<128x128xf32, #tpu.memory_space<vmem>>
    %dma_start3A_104 = arith.constant 0 : i32
    %dma_start3A_105 = tpu.memref_slice %arg5[%dma_start3A, %dma_start3A_104] : memref<200x128xi32, #tpu.memory_space<vmem>> -> memref<1x128xi32, #tpu.memory_space<vmem>>
    %dma_start3A_106 = tpu.memref_squeeze %dma_start3A_105 : memref<1x128xi32, #tpu.memory_space<vmem>> -> memref<128xi32, #tpu.memory_space<vmem>>
    %dma_start3A_107 = arith.constant 0 : i32
    %dma_start3A_108 = arith.constant 0 : i32
    %dma_start3A_109 = tpu.memref_slice %arg3[%dma_start3A_107, %dma_start3A_108] : memref<1000000x128xf32, #tpu.memory_space<hbm>> -> memref<1000000x128xf32, #tpu.memory_space<hbm>>
    %dma_start3A_110 = tpu.memref_slice %arg8[%dma_start3A_99] : memref<4x!tpu.dma_semaphore, #tpu.memory_space<semaphore_mem>> -> memref<1x!tpu.dma_semaphore, #tpu.memory_space<semaphore_mem>>
    %dma_start3A_111 = tpu.memref_squeeze %dma_start3A_110 : memref<1x!tpu.dma_semaphore, #tpu.memory_space<semaphore_mem>> -> memref<!tpu.dma_semaphore, #tpu.memory_space<semaphore_mem>>
    tpu.enqueue_indirect_dma source(%dma_start3A_109 : memref<1000000x128xf32, #tpu.memory_space<hbm>>) target(%dma_start3A_103 : memref<128x128xf32, #tpu.memory_space<vmem>>) offsets(%dma_start3A_106 : memref<128xi32, #tpu.memory_space<vmem>>) semaphore(%dma_start3A_111 : memref<!tpu.dma_semaphore, #tpu.memory_space<semaphore_mem>>)
    %dma_start3A_112 = arith.constant 1 : i32
    %dma_start3A_113 = arith.constant 1 : i32
    %dma_start3A_114 = arith.constant 1 : i32
    %dma_start3A_115 = arith.constant 0 : i32
    %dma_start3A_116 = arith.constant 0 : i32
    %dma_start3A_117 = tpu.memref_slice %arg6[%dma_start3A_113, %dma_start3A_115, %dma_start3A_116] : memref<4x128x128xf32, #tpu.memory_space<vmem>> -> memref<1x128x128xf32, #tpu.memory_space<vmem>>
    %dma_start3A_118 = tpu.memref_squeeze %dma_start3A_117 : memref<1x128x128xf32, #tpu.memory_space<vmem>> -> memref<128x128xf32, #tpu.memory_space<vmem>>
    %dma_start3A_119 = arith.constant 0 : i32
    %dma_start3A_120 = tpu.memref_slice %arg5[%dma_start3A_112, %dma_start3A_119] : memref<200x128xi32, #tpu.memory_space<vmem>> -> memref<1x128xi32, #tpu.memory_space<vmem>>
    %dma_start3A_121 = tpu.memref_squeeze %dma_start3A_120 : memref<1x128xi32, #tpu.memory_space<vmem>> -> memref<128xi32, #tpu.memory_space<vmem>>
    %dma_start3A_122 = arith.constant 0 : i32
    %dma_start3A_123 = arith.constant 0 : i32
    %dma_start3A_124 = tpu.memref_slice %arg3[%dma_start3A_122, %dma_start3A_123] : memref<1000000x128xf32, #tpu.memory_space<hbm>> -> memref<1000000x128xf32, #tpu.memory_space<hbm>>
    %dma_start3A_125 = tpu.memref_slice %arg8[%dma_start3A_114] : memref<4x!tpu.dma_semaphore, #tpu.memory_space<semaphore_mem>> -> memref<1x!tpu.dma_semaphore, #tpu.memory_space<semaphore_mem>>
    %dma_start3A_126 = tpu.memref_squeeze %dma_start3A_125 : memref<1x!tpu.dma_semaphore, #tpu.memory_space<semaphore_mem>> -> memref<!tpu.dma_semaphore, #tpu.memory_space<semaphore_mem>>
    tpu.enqueue_indirect_dma source(%dma_start3A_124 : memref<1000000x128xf32, #tpu.memory_space<hbm>>) target(%dma_start3A_118 : memref<128x128xf32, #tpu.memory_space<vmem>>) offsets(%dma_start3A_121 : memref<128xi32, #tpu.memory_space<vmem>>) semaphore(%dma_start3A_126 : memref<!tpu.dma_semaphore, #tpu.memory_space<semaphore_mem>>)
    %dma_start3A_127 = arith.constant 2 : i32
    %dma_start3A_128 = arith.constant 2 : i32
    %dma_start3A_129 = arith.constant 2 : i32
    %dma_start3A_130 = arith.constant 0 : i32
    %dma_start3A_131 = arith.constant 0 : i32
    %dma_start3A_132 = tpu.memref_slice %arg6[%dma_start3A_128, %dma_start3A_130, %dma_start3A_131] : memref<4x128x128xf32, #tpu.memory_space<vmem>> -> memref<1x128x128xf32, #tpu.memory_space<vmem>>
    %dma_start3A_133 = tpu.memref_squeeze %dma_start3A_132 : memref<1x128x128xf32, #tpu.memory_space<vmem>> -> memref<128x128xf32, #tpu.memory_space<vmem>>
    %dma_start3A_134 = arith.constant 0 : i32
    %dma_start3A_135 = tpu.memref_slice %arg5[%dma_start3A_127, %dma_start3A_134] : memref<200x128xi32, #tpu.memory_space<vmem>> -> memref<1x128xi32, #tpu.memory_space<vmem>>
    %dma_start3A_136 = tpu.memref_squeeze %dma_start3A_135 : memref<1x128xi32, #tpu.memory_space<vmem>> -> memref<128xi32, #tpu.memory_space<vmem>>
    %dma_start3A_137 = arith.constant 0 : i32
    %dma_start3A_138 = arith.constant 0 : i32
    %dma_start3A_139 = tpu.memref_slice %arg3[%dma_start3A_137, %dma_start3A_138] : memref<1000000x128xf32, #tpu.memory_space<hbm>> -> memref<1000000x128xf32, #tpu.memory_space<hbm>>
    %dma_start3A_140 = tpu.memref_slice %arg8[%dma_start3A_129] : memref<4x!tpu.dma_semaphore, #tpu.memory_space<semaphore_mem>> -> memref<1x!tpu.dma_semaphore, #tpu.memory_space<semaphore_mem>>
    %dma_start3A_141 = tpu.memref_squeeze %dma_start3A_140 : memref<1x!tpu.dma_semaphore, #tpu.memory_space<semaphore_mem>> -> memref<!tpu.dma_semaphore, #tpu.memory_space<semaphore_mem>>
    tpu.enqueue_indirect_dma source(%dma_start3A_139 : memref<1000000x128xf32, #tpu.memory_space<hbm>>) target(%dma_start3A_133 : memref<128x128xf32, #tpu.memory_space<vmem>>) offsets(%dma_start3A_136 : memref<128xi32, #tpu.memory_space<vmem>>) semaphore(%dma_start3A_141 : memref<!tpu.dma_semaphore, #tpu.memory_space<semaphore_mem>>)
    %scan3A = arith.constant 0 : i32
    %scan3A_142 = arith.constant 0 : i32
    %scan3A_143 = arith.constant 50 : i32
    %scan3A_144 = arith.addi %scan3A_142, %scan3A_143 : i32
    %scan3A_145 = arith.constant 1 : i32
    scf.for %scan3A_255 = %scan3A_142 to %scan3A_144 step %scan3A_145  : i32 {
      %mul3A_256 = arith.constant 4 : i32
      %mul3A_257 = arith.muli %scan3A_255, %mul3A_256 : i32
      %add3A_258 = arith.constant 0 : i32
      %add3A_259 = arith.addi %mul3A_257, %add3A_258 : i32
      %add3A_260 = arith.constant 3 : i32
      %add3A_261 = arith.addi %add3A_259, %add3A_260 : i32
      %dma_start3A_262 = arith.constant 3 : i32
      %dma_start3A_263 = arith.constant 3 : i32
      %dma_start3A_264 = arith.constant 0 : i32
      %dma_start3A_265 = arith.constant 0 : i32
      %dma_start3A_266 = tpu.memref_slice %arg6[%dma_start3A_262, %dma_start3A_264, %dma_start3A_265] : memref<4x128x128xf32, #tpu.memory_space<vmem>> -> memref<1x128x128xf32, #tpu.memory_space<vmem>>
      %dma_start3A_267 = tpu.memref_squeeze %dma_start3A_266 : memref<1x128x128xf32, #tpu.memory_space<vmem>> -> memref<128x128xf32, #tpu.memory_space<vmem>>
      %dma_start3A_268 = arith.constant 0 : i32
      %dma_start3A_269 = tpu.memref_slice %arg5[%add3A_261, %dma_start3A_268] : memref<200x128xi32, #tpu.memory_space<vmem>> -> memref<1x128xi32, #tpu.memory_space<vmem>>
      %dma_start3A_270 = tpu.memref_squeeze %dma_start3A_269 : memref<1x128xi32, #tpu.memory_space<vmem>> -> memref<128xi32, #tpu.memory_space<vmem>>
      %dma_start3A_271 = arith.constant 0 : i32
      %dma_start3A_272 = arith.constant 0 : i32
      %dma_start3A_273 = tpu.memref_slice %arg3[%dma_start3A_271, %dma_start3A_272] : memref<1000000x128xf32, #tpu.memory_space<hbm>> -> memref<1000000x128xf32, #tpu.memory_space<hbm>>
      %dma_start3A_274 = tpu.memref_slice %arg8[%dma_start3A_263] : memref<4x!tpu.dma_semaphore, #tpu.memory_space<semaphore_mem>> -> memref<1x!tpu.dma_semaphore, #tpu.memory_space<semaphore_mem>>
      %dma_start3A_275 = tpu.memref_squeeze %dma_start3A_274 : memref<1x!tpu.dma_semaphore, #tpu.memory_space<semaphore_mem>> -> memref<!tpu.dma_semaphore, #tpu.memory_space<semaphore_mem>>
      tpu.enqueue_indirect_dma source(%dma_start3A_273 : memref<1000000x128xf32, #tpu.memory_space<hbm>>) target(%dma_start3A_267 : memref<128x128xf32, #tpu.memory_space<vmem>>) offsets(%dma_start3A_270 : memref<128xi32, #tpu.memory_space<vmem>>) semaphore(%dma_start3A_275 : memref<!tpu.dma_semaphore, #tpu.memory_space<semaphore_mem>>)
      %dma_wait3A_276 = arith.constant 0 : i32
      %dma_wait3A_277 = arith.constant 0 : i32
      %dma_wait3A_278 = arith.constant 0 : i32
      %dma_wait3A_279 = arith.constant 0 : i32
      %dma_wait3A_280 = tpu.memref_slice %arg6[%dma_wait3A_276, %dma_wait3A_278, %dma_wait3A_279] : memref<4x128x128xf32, #tpu.memory_space<vmem>> -> memref<1x128x128xf32, #tpu.memory_space<vmem>>
      %dma_wait3A_281 = tpu.memref_squeeze %dma_wait3A_280 : memref<1x128x128xf32, #tpu.memory_space<vmem>> -> memref<128x128xf32, #tpu.memory_space<vmem>>
      %dma_wait3A_282 = arith.constant 0 : i32
      %dma_wait3A_283 = tpu.memref_slice %arg5[%add3A_259, %dma_wait3A_282] : memref<200x128xi32, #tpu.memory_space<vmem>> -> memref<1x128xi32, #tpu.memory_space<vmem>>
      %dma_wait3A_284 = tpu.memref_squeeze %dma_wait3A_283 : memref<1x128xi32, #tpu.memory_space<vmem>> -> memref<128xi32, #tpu.memory_space<vmem>>
      %dma_wait3A_285 = arith.constant 0 : i32
      %dma_wait3A_286 = arith.constant 0 : i32
      %dma_wait3A_287 = tpu.memref_slice %arg3[%dma_wait3A_285, %dma_wait3A_286] : memref<1000000x128xf32, #tpu.memory_space<hbm>> -> memref<1000000x128xf32, #tpu.memory_space<hbm>>
      %dma_wait3A_288 = tpu.memref_slice %arg8[%dma_wait3A_277] : memref<4x!tpu.dma_semaphore, #tpu.memory_space<semaphore_mem>> -> memref<1x!tpu.dma_semaphore, #tpu.memory_space<semaphore_mem>>
      %dma_wait3A_289 = tpu.memref_squeeze %dma_wait3A_288 : memref<1x!tpu.dma_semaphore, #tpu.memory_space<semaphore_mem>> -> memref<!tpu.dma_semaphore, #tpu.memory_space<semaphore_mem>>
      tpu.wait_indirect_dma semaphore(%dma_wait3A_289 : memref<!tpu.dma_semaphore, #tpu.memory_space<semaphore_mem>>) src(%dma_wait3A_287 : memref<1000000x128xf32, #tpu.memory_space<hbm>>) dst(%dma_wait3A_281 : memref<128x128xf32, #tpu.memory_space<vmem>>)
      %gt3A = arith.constant 0 : i32
      %gt3A_290 = arith.cmpi sgt, %scan3A_255, %gt3A : i32
      %convert_element_type3A = arith.extui %gt3A_290 : i1 to i32
      %cond3A = arith.constant 0 : i32
      %cond3A_291 = arith.cmpi ne, %convert_element_type3A, %cond3A : i32
      scf.if %cond3A_291 {
        %sub3A_742 = arith.constant 2 : i32
        %sub3A_743 = arith.subi %add3A_259, %sub3A_742 : i32
        %add3A_744 = arith.addi %mul3A_2, %sub3A_743 : i32
        %jit3A_745 = arith.constant 128 : i32
        %div3A_746 = arith.divsi %add3A_744, %jit3A_745 : i32
        %sign3A_747 = arith.constant 0 : i32
        %sign3A_748 = arith.cmpi sgt, %add3A_744, %sign3A_747 : i32
        %sign3A_749 = arith.extui %sign3A_748 : i1 to i32
        %sign3A_750 = arith.constant 0 : i32
        %sign3A_751 = arith.cmpi slt, %add3A_744, %sign3A_750 : i32
        %sign3A_752 = arith.extui %sign3A_751 : i1 to i32
        %sign3A_753 = arith.subi %sign3A_749, %sign3A_752 : i32
        %sign3A_754 = arith.constant 0 : i32
        %sign3A_755 = arith.cmpi sgt, %jit3A_745, %sign3A_754 : i32
        %sign3A_756 = arith.extui %sign3A_755 : i1 to i32
        %sign3A_757 = arith.constant 0 : i32
        %sign3A_758 = arith.cmpi slt, %jit3A_745, %sign3A_757 : i32
        %sign3A_759 = arith.extui %sign3A_758 : i1 to i32
        %sign3A_760 = arith.subi %sign3A_756, %sign3A_759 : i32
        %ne3A_761 = arith.cmpi ne, %sign3A_753, %sign3A_760 : i32
        %rem3A_762 = arith.remsi %add3A_744, %jit3A_745 : i32
        %ne3A_763 = arith.constant 0 : i32
        %ne3A_764 = arith.cmpi ne, %rem3A_762, %ne3A_763 : i32
        %and3A_765 = arith.andi %ne3A_761, %ne3A_764 : i1
        %sub3A_766 = arith.constant 1 : i32
        %sub3A_767 = arith.subi %div3A_746, %sub3A_766 : i32
        %select_n3A_768 = arith.select %and3A_765, %sub3A_767, %div3A_746 : i32
        %jit3A_769 = arith.constant 128 : i32
        %eq3A_770 = arith.constant 0 : i32
        %eq3A_771 = arith.cmpi eq, %jit3A_769, %eq3A_770 : i32
        %jit3A_772 = arith.constant 1 : i32
        %select_n3A_773 = arith.select %eq3A_771, %jit3A_772, %jit3A_769 : i32
        %rem3A_774 = arith.remsi %add3A_744, %select_n3A_773 : i32
        %ne3A_775 = arith.constant 0 : i32
        %ne3A_776 = arith.cmpi ne, %rem3A_774, %ne3A_775 : i32
        %lt3A_777 = arith.constant 0 : i32
        %lt3A_778 = arith.cmpi slt, %rem3A_774, %lt3A_777 : i32
        %lt3A_779 = arith.constant 0 : i32
        %lt3A_780 = arith.cmpi slt, %select_n3A_773, %lt3A_779 : i32
        %ne3A_781 = arith.xori %lt3A_778, %lt3A_780 : i1
        %and3A_782 = arith.andi %ne3A_781, %ne3A_776 : i1
        %add3A_783 = arith.addi %rem3A_774, %select_n3A_773 : i32
        %select_n3A_784 = arith.select %and3A_782, %add3A_783, %rem3A_774 : i32
        %mul3A_785 = arith.constant 128 : i32
        %mul3A_786 = arith.muli %select_n3A_784, %mul3A_785 : i32
        %dma_wait3A_787 = arith.constant 0 : i32
        %dma_wait3A_788 = arith.constant 0 : i32
        %dma_wait3A_789 = arith.constant 0 : i32
        %dma_wait3A_790 = arith.constant 0 : i32
        %dma_wait3A_791 = tpu.memref_slice %arg7[%dma_wait3A_788, %dma_wait3A_789, %dma_wait3A_790] : memref<2x64x128xf32, #tpu.memory_space<vmem>> -> memref<1x64x128xf32, #tpu.memory_space<vmem>>
        %dma_wait3A_792 = arith.constant 0 : i32
        %dma_wait3A_793 = tpu.memref_slice %arg4[%select_n3A_768, %dma_wait3A_792, %mul3A_786] : memref<50x64x16384xf32, #tpu.memory_space<hbm>> -> memref<1x64x128xf32, #tpu.memory_space<hbm>>
        %dma_wait3A_794 = tpu.memref_slice %arg9[%dma_wait3A_787] : memref<2x!tpu.dma_semaphore, #tpu.memory_space<semaphore_mem>> -> memref<1x!tpu.dma_semaphore, #tpu.memory_space<semaphore_mem>>
        %dma_wait3A_795 = tpu.memref_squeeze %dma_wait3A_794 : memref<1x!tpu.dma_semaphore, #tpu.memory_space<semaphore_mem>> -> memref<!tpu.dma_semaphore, #tpu.memory_space<semaphore_mem>>
        %dma_wait3A_796 = arith.constant 0 : i32
        %dma_wait3A_797 = tpu.memref_slice %arg4[%select_n3A_768, %dma_wait3A_796, %mul3A_786] : memref<50x64x16384xf32, #tpu.memory_space<hbm>> -> memref<1x64x128xf32, #tpu.memory_space<hbm>>
        %dma_wait3A_798 = arith.constant 0 : i32
        %dma_wait3A_799 = arith.constant 0 : i32
        %dma_wait3A_800 = arith.constant 0 : i32
        %dma_wait3A_801 = tpu.memref_slice %arg7[%dma_wait3A_798, %dma_wait3A_799, %dma_wait3A_800] : memref<2x64x128xf32, #tpu.memory_space<vmem>> -> memref<1x64x128xf32, #tpu.memory_space<vmem>>
        tpu.wait_dma2 semaphore(%dma_wait3A_795 : memref<!tpu.dma_semaphore, #tpu.memory_space<semaphore_mem>>) src(%dma_wait3A_801 : memref<1x64x128xf32, #tpu.memory_space<vmem>>) dst(%dma_wait3A_797 : memref<1x64x128xf32, #tpu.memory_space<hbm>>)
      } else {
      }
      %scan3A_292 = arith.constant 0 : i32
      %scan3A_293 = arith.constant 0 : i32
      %scan3A_294 = arith.constant 32 : i32
      %scan3A_295 = arith.addi %scan3A_293, %scan3A_294 : i32
      %scan3A_296 = arith.constant 1 : i32
      scf.for %scan3A_742 = %scan3A_293 to %scan3A_295 step %scan3A_296  : i32 {
        %and3A_743 = arith.constant 7 : i32
        %and3A_744 = arith.andi %scan3A_742, %and3A_743 : i32
        %mul3A_745 = arith.constant 16 : i32
        %mul3A_746 = arith.muli %and3A_744, %mul3A_745 : i32
        %shift_right_arithmetic3A = arith.constant 3 : i32
        %shift_right_arithmetic3A_747 = arith.shrsi %scan3A_742, %shift_right_arithmetic3A : i32
        %mul3A_748 = arith.constant 16 : i32
        %mul3A_749 = arith.muli %shift_right_arithmetic3A_747, %mul3A_748 : i32
        %add3A_750 = vector.broadcast %mul3A_746 : i32 to vector<16xi32>
        %add3A_751 = arith.addi %iota3A, %add3A_750 : vector<16xi32>
        %add3A_752 = vector.broadcast %mul3A_749 : i32 to vector<16xi32>
        %add3A_753 = arith.addi %and3A_7, %add3A_752 : vector<16xi32>
        %gather3A = arith.constant 0 : i32
        %gather3A_754 = arith.constant 0 : i32
        %gather3A_755 = arith.constant 0 : i32
        %gather3A_756 = tpu.memref_slice %arg6[%gather3A, %gather3A_754, %gather3A_755] : memref<4x128x128xf32, #tpu.memory_space<vmem>> -> memref<1x128x128xf32, #tpu.memory_space<vmem>>
        %gather3A_757 = tpu.memref_squeeze %gather3A_756 : memref<1x128x128xf32, #tpu.memory_space<vmem>> -> memref<128x128xf32, #tpu.memory_space<vmem>>
        %gather3A_758 = tpu.vector_load_idx %gather3A_757[%add3A_751, %add3A_753] : memref<128x128xf32, #tpu.memory_space<vmem>>[vector<16xi32>, vector<16xi32>], vector<16xf32>,
        %scatter3A = arith.constant 0 : i32
        %scatter3A_759 = arith.constant 0 : i32
        %scatter3A_760 = arith.constant 0 : i32
        %scatter3A_761 = tpu.memref_slice %arg7[%scatter3A, %scatter3A_759, %scatter3A_760] : memref<2x64x128xf32, #tpu.memory_space<vmem>> -> memref<1x64x128xf32, #tpu.memory_space<vmem>>
        %scatter3A_762 = tpu.memref_squeeze %scatter3A_761 : memref<1x64x128xf32, #tpu.memory_space<vmem>> -> memref<64x128xf32, #tpu.memory_space<vmem>>
        tpu.vector_store_idx %scatter3A_762[%add3A_753, %add3A_751], %gather3A_758 : memref<64x128xf32, #tpu.memory_space<vmem>>[vector<16xi32>, vector<16xi32>], vector<16xf32>,
        %add3A_763 = vector.broadcast %mul3A_749 : i32 to vector<16xi32>
        %add3A_764 = arith.addi %and3A_13, %add3A_763 : vector<16xi32>
        %gather3A_765 = arith.constant 0 : i32
        %gather3A_766 = arith.constant 0 : i32
        %gather3A_767 = arith.constant 0 : i32
        %gather3A_768 = tpu.memref_slice %arg6[%gather3A_765, %gather3A_766, %gather3A_767] : memref<4x128x128xf32, #tpu.memory_space<vmem>> -> memref<1x128x128xf32, #tpu.memory_space<vmem>>
        %gather3A_769 = tpu.memref_squeeze %gather3A_768 : memref<1x128x128xf32, #tpu.memory_space<vmem>> -> memref<128x128xf32, #tpu.memory_space<vmem>>
        %gather3A_770 = tpu.vector_load_idx %gather3A_769[%add3A_751, %add3A_764] : memref<128x128xf32, #tpu.memory_space<vmem>>[vector<16xi32>, vector<16xi32>], vector<16xf32>,
        %scatter3A_771 = arith.constant 0 : i32
        %scatter3A_772 = arith.constant 0 : i32
        %scatter3A_773 = arith.constant 0 : i32
        %scatter3A_774 = tpu.memref_slice %arg7[%scatter3A_771, %scatter3A_772, %scatter3A_773] : memref<2x64x128xf32, #tpu.memory_space<vmem>> -> memref<1x64x128xf32, #tpu.memory_space<vmem>>
        %scatter3A_775 = tpu.memref_squeeze %scatter3A_774 : memref<1x64x128xf32, #tpu.memory_space<vmem>> -> memref<64x128xf32, #tpu.memory_space<vmem>>
        tpu.vector_store_idx %scatter3A_775[%add3A_764, %add3A_751], %gather3A_770 : memref<64x128xf32, #tpu.memory_space<vmem>>[vector<16xi32>, vector<16xi32>], vector<16xf32>,
        %add3A_776 = vector.broadcast %mul3A_749 : i32 to vector<16xi32>
        %add3A_777 = arith.addi %and3A_19, %add3A_776 : vector<16xi32>
        %gather3A_778 = arith.constant 0 : i32
        %gather3A_779 = arith.constant 0 : i32
        %gather3A_780 = arith.constant 0 : i32
        %gather3A_781 = tpu.memref_slice %arg6[%gather3A_778, %gather3A_779, %gather3A_780] : memref<4x128x128xf32, #tpu.memory_space<vmem>> -> memref<1x128x128xf32, #tpu.memory_space<vmem>>
        %gather3A_782 = tpu.memref_squeeze %gather3A_781 : memref<1x128x128xf32, #tpu.memory_space<vmem>> -> memref<128x128xf32, #tpu.memory_space<vmem>>
        %gather3A_783 = tpu.vector_load_idx %gather3A_782[%add3A_751, %add3A_777] : memref<128x128xf32, #tpu.memory_space<vmem>>[vector<16xi32>, vector<16xi32>], vector<16xf32>,
        %scatter3A_784 = arith.constant 0 : i32
        %scatter3A_785 = arith.constant 0 : i32
        %scatter3A_786 = arith.constant 0 : i32
        %scatter3A_787 = tpu.memref_slice %arg7[%scatter3A_784, %scatter3A_785, %scatter3A_786] : memref<2x64x128xf32, #tpu.memory_space<vmem>> -> memref<1x64x128xf32, #tpu.memory_space<vmem>>
        %scatter3A_788 = tpu.memref_squeeze %scatter3A_787 : memref<1x64x128xf32, #tpu.memory_space<vmem>> -> memref<64x128xf32, #tpu.memory_space<vmem>>
        tpu.vector_store_idx %scatter3A_788[%add3A_777, %add3A_751], %gather3A_783 : memref<64x128xf32, #tpu.memory_space<vmem>>[vector<16xi32>, vector<16xi32>], vector<16xf32>,
        %add3A_789 = vector.broadcast %mul3A_749 : i32 to vector<16xi32>
        %add3A_790 = arith.addi %and3A_25, %add3A_789 : vector<16xi32>
        %gather3A_791 = arith.constant 0 : i32
        %gather3A_792 = arith.constant 0 : i32
        %gather3A_793 = arith.constant 0 : i32
        %gather3A_794 = tpu.memref_slice %arg6[%gather3A_791, %gather3A_792, %gather3A_793] : memref<4x128x128xf32, #tpu.memory_space<vmem>> -> memref<1x128x128xf32, #tpu.memory_space<vmem>>
        %gather3A_795 = tpu.memref_squeeze %gather3A_794 : memref<1x128x128xf32, #tpu.memory_space<vmem>> -> memref<128x128xf32, #tpu.memory_space<vmem>>
        %gather3A_796 = tpu.vector_load_idx %gather3A_795[%add3A_751, %add3A_790] : memref<128x128xf32, #tpu.memory_space<vmem>>[vector<16xi32>, vector<16xi32>], vector<16xf32>,
        %scatter3A_797 = arith.constant 0 : i32
        %scatter3A_798 = arith.constant 0 : i32
        %scatter3A_799 = arith.constant 0 : i32
        %scatter3A_800 = tpu.memref_slice %arg7[%scatter3A_797, %scatter3A_798, %scatter3A_799] : memref<2x64x128xf32, #tpu.memory_space<vmem>> -> memref<1x64x128xf32, #tpu.memory_space<vmem>>
        %scatter3A_801 = tpu.memref_squeeze %scatter3A_800 : memref<1x64x128xf32, #tpu.memory_space<vmem>> -> memref<64x128xf32, #tpu.memory_space<vmem>>
        tpu.vector_store_idx %scatter3A_801[%add3A_790, %add3A_751], %gather3A_796 : memref<64x128xf32, #tpu.memory_space<vmem>>[vector<16xi32>, vector<16xi32>], vector<16xf32>,
        %add3A_802 = vector.broadcast %mul3A_749 : i32 to vector<16xi32>
        %add3A_803 = arith.addi %and3A_31, %add3A_802 : vector<16xi32>
        %gather3A_804 = arith.constant 0 : i32
        %gather3A_805 = arith.constant 0 : i32
        %gather3A_806 = arith.constant 0 : i32
        %gather3A_807 = tpu.memref_slice %arg6[%gather3A_804, %gather3A_805, %gather3A_806] : memref<4x128x128xf32, #tpu.memory_space<vmem>> -> memref<1x128x128xf32, #tpu.memory_space<vmem>>
        %gather3A_808 = tpu.memref_squeeze %gather3A_807 : memref<1x128x128xf32, #tpu.memory_space<vmem>> -> memref<128x128xf32, #tpu.memory_space<vmem>>
        %gather3A_809 = tpu.vector_load_idx %gather3A_808[%add3A_751, %add3A_803] : memref<128x128xf32, #tpu.memory_space<vmem>>[vector<16xi32>, vector<16xi32>], vector<16xf32>,
        %scatter3A_810 = arith.constant 0 : i32
        %scatter3A_811 = arith.constant 0 : i32
        %scatter3A_812 = arith.constant 0 : i32
        %scatter3A_813 = tpu.memref_slice %arg7[%scatter3A_810, %scatter3A_811, %scatter3A_812] : memref<2x64x128xf32, #tpu.memory_space<vmem>> -> memref<1x64x128xf32, #tpu.memory_space<vmem>>
        %scatter3A_814 = tpu.memref_squeeze %scatter3A_813 : memref<1x64x128xf32, #tpu.memory_space<vmem>> -> memref<64x128xf32, #tpu.memory_space<vmem>>
        tpu.vector_store_idx %scatter3A_814[%add3A_803, %add3A_751], %gather3A_809 : memref<64x128xf32, #tpu.memory_space<vmem>>[vector<16xi32>, vector<16xi32>], vector<16xf32>,
        %add3A_815 = vector.broadcast %mul3A_749 : i32 to vector<16xi32>
        %add3A_816 = arith.addi %and3A_37, %add3A_815 : vector<16xi32>
        %gather3A_817 = arith.constant 0 : i32
        %gather3A_818 = arith.constant 0 : i32
        %gather3A_819 = arith.constant 0 : i32
        %gather3A_820 = tpu.memref_slice %arg6[%gather3A_817, %gather3A_818, %gather3A_819] : memref<4x128x128xf32, #tpu.memory_space<vmem>> -> memref<1x128x128xf32, #tpu.memory_space<vmem>>
        %gather3A_821 = tpu.memref_squeeze %gather3A_820 : memref<1x128x128xf32, #tpu.memory_space<vmem>> -> memref<128x128xf32, #tpu.memory_space<vmem>>
        %gather3A_822 = tpu.vector_load_idx %gather3A_821[%add3A_751, %add3A_816] : memref<128x128xf32, #tpu.memory_space<vmem>>[vector<16xi32>, vector<16xi32>], vector<16xf32>,
        %scatter3A_823 = arith.constant 0 : i32
        %scatter3A_824 = arith.constant 0 : i32
        %scatter3A_825 = arith.constant 0 : i32
        %scatter3A_826 = tpu.memref_slice %arg7[%scatter3A_823, %scatter3A_824, %scatter3A_825] : memref<2x64x128xf32, #tpu.memory_space<vmem>> -> memref<1x64x128xf32, #tpu.memory_space<vmem>>
        %scatter3A_827 = tpu.memref_squeeze %scatter3A_826 : memref<1x64x128xf32, #tpu.memory_space<vmem>> -> memref<64x128xf32, #tpu.memory_space<vmem>>
        tpu.vector_store_idx %scatter3A_827[%add3A_816, %add3A_751], %gather3A_822 : memref<64x128xf32, #tpu.memory_space<vmem>>[vector<16xi32>, vector<16xi32>], vector<16xf32>,
        %add3A_828 = vector.broadcast %mul3A_749 : i32 to vector<16xi32>
        %add3A_829 = arith.addi %and3A_43, %add3A_828 : vector<16xi32>
        %gather3A_830 = arith.constant 0 : i32
        %gather3A_831 = arith.constant 0 : i32
        %gather3A_832 = arith.constant 0 : i32
        %gather3A_833 = tpu.memref_slice %arg6[%gather3A_830, %gather3A_831, %gather3A_832] : memref<4x128x128xf32, #tpu.memory_space<vmem>> -> memref<1x128x128xf32, #tpu.memory_space<vmem>>
        %gather3A_834 = tpu.memref_squeeze %gather3A_833 : memref<1x128x128xf32, #tpu.memory_space<vmem>> -> memref<128x128xf32, #tpu.memory_space<vmem>>
        %gather3A_835 = tpu.vector_load_idx %gather3A_834[%add3A_751, %add3A_829] : memref<128x128xf32, #tpu.memory_space<vmem>>[vector<16xi32>, vector<16xi32>], vector<16xf32>,
        %scatter3A_836 = arith.constant 0 : i32
        %scatter3A_837 = arith.constant 0 : i32
        %scatter3A_838 = arith.constant 0 : i32
        %scatter3A_839 = tpu.memref_slice %arg7[%scatter3A_836, %scatter3A_837, %scatter3A_838] : memref<2x64x128xf32, #tpu.memory_space<vmem>> -> memref<1x64x128xf32, #tpu.memory_space<vmem>>
        %scatter3A_840 = tpu.memref_squeeze %scatter3A_839 : memref<1x64x128xf32, #tpu.memory_space<vmem>> -> memref<64x128xf32, #tpu.memory_space<vmem>>
        tpu.vector_store_idx %scatter3A_840[%add3A_829, %add3A_751], %gather3A_835 : memref<64x128xf32, #tpu.memory_space<vmem>>[vector<16xi32>, vector<16xi32>], vector<16xf32>,
        %add3A_841 = vector.broadcast %mul3A_749 : i32 to vector<16xi32>
        %add3A_842 = arith.addi %and3A_49, %add3A_841 : vector<16xi32>
        %gather3A_843 = arith.constant 0 : i32
        %gather3A_844 = arith.constant 0 : i32
        %gather3A_845 = arith.constant 0 : i32
        %gather3A_846 = tpu.memref_slice %arg6[%gather3A_843, %gather3A_844, %gather3A_845] : memref<4x128x128xf32, #tpu.memory_space<vmem>> -> memref<1x128x128xf32, #tpu.memory_space<vmem>>
        %gather3A_847 = tpu.memref_squeeze %gather3A_846 : memref<1x128x128xf32, #tpu.memory_space<vmem>> -> memref<128x128xf32, #tpu.memory_space<vmem>>
        %gather3A_848 = tpu.vector_load_idx %gather3A_847[%add3A_751, %add3A_842] : memref<128x128xf32, #tpu.memory_space<vmem>>[vector<16xi32>, vector<16xi32>], vector<16xf32>,
        %scatter3A_849 = arith.constant 0 : i32
        %scatter3A_850 = arith.constant 0 : i32
        %scatter3A_851 = arith.constant 0 : i32
        %scatter3A_852 = tpu.memref_slice %arg7[%scatter3A_849, %scatter3A_850, %scatter3A_851] : memref<2x64x128xf32, #tpu.memory_space<vmem>> -> memref<1x64x128xf32, #tpu.memory_space<vmem>>
        %scatter3A_853 = tpu.memref_squeeze %scatter3A_852 : memref<1x64x128xf32, #tpu.memory_space<vmem>> -> memref<64x128xf32, #tpu.memory_space<vmem>>
        tpu.vector_store_idx %scatter3A_853[%add3A_842, %add3A_751], %gather3A_848 : memref<64x128xf32, #tpu.memory_space<vmem>>[vector<16xi32>, vector<16xi32>], vector<16xf32>,
        %add3A_854 = vector.broadcast %mul3A_749 : i32 to vector<16xi32>
        %add3A_855 = arith.addi %and3A_55, %add3A_854 : vector<16xi32>
        %gather3A_856 = arith.constant 0 : i32
        %gather3A_857 = arith.constant 0 : i32
        %gather3A_858 = arith.constant 0 : i32
        %gather3A_859 = tpu.memref_slice %arg6[%gather3A_856, %gather3A_857, %gather3A_858] : memref<4x128x128xf32, #tpu.memory_space<vmem>> -> memref<1x128x128xf32, #tpu.memory_space<vmem>>
        %gather3A_860 = tpu.memref_squeeze %gather3A_859 : memref<1x128x128xf32, #tpu.memory_space<vmem>> -> memref<128x128xf32, #tpu.memory_space<vmem>>
        %gather3A_861 = tpu.vector_load_idx %gather3A_860[%add3A_751, %add3A_855] : memref<128x128xf32, #tpu.memory_space<vmem>>[vector<16xi32>, vector<16xi32>], vector<16xf32>,
        %scatter3A_862 = arith.constant 0 : i32
        %scatter3A_863 = arith.constant 0 : i32
        %scatter3A_864 = arith.constant 0 : i32
        %scatter3A_865 = tpu.memref_slice %arg7[%scatter3A_862, %scatter3A_863, %scatter3A_864] : memref<2x64x128xf32, #tpu.memory_space<vmem>> -> memref<1x64x128xf32, #tpu.memory_space<vmem>>
        %scatter3A_866 = tpu.memref_squeeze %scatter3A_865 : memref<1x64x128xf32, #tpu.memory_space<vmem>> -> memref<64x128xf32, #tpu.memory_space<vmem>>
        tpu.vector_store_idx %scatter3A_866[%add3A_855, %add3A_751], %gather3A_861 : memref<64x128xf32, #tpu.memory_space<vmem>>[vector<16xi32>, vector<16xi32>], vector<16xf32>,
        %add3A_867 = vector.broadcast %mul3A_749 : i32 to vector<16xi32>
        %add3A_868 = arith.addi %and3A_61, %add3A_867 : vector<16xi32>
        %gather3A_869 = arith.constant 0 : i32
        %gather3A_870 = arith.constant 0 : i32
        %gather3A_871 = arith.constant 0 : i32
        %gather3A_872 = tpu.memref_slice %arg6[%gather3A_869, %gather3A_870, %gather3A_871] : memref<4x128x128xf32, #tpu.memory_space<vmem>> -> memref<1x128x128xf32, #tpu.memory_space<vmem>>
        %gather3A_873 = tpu.memref_squeeze %gather3A_872 : memref<1x128x128xf32, #tpu.memory_space<vmem>> -> memref<128x128xf32, #tpu.memory_space<vmem>>
        %gather3A_874 = tpu.vector_load_idx %gather3A_873[%add3A_751, %add3A_868] : memref<128x128xf32, #tpu.memory_space<vmem>>[vector<16xi32>, vector<16xi32>], vector<16xf32>,
        %scatter3A_875 = arith.constant 0 : i32
        %scatter3A_876 = arith.constant 0 : i32
        %scatter3A_877 = arith.constant 0 : i32
        %scatter3A_878 = tpu.memref_slice %arg7[%scatter3A_875, %scatter3A_876, %scatter3A_877] : memref<2x64x128xf32, #tpu.memory_space<vmem>> -> memref<1x64x128xf32, #tpu.memory_space<vmem>>
        %scatter3A_879 = tpu.memref_squeeze %scatter3A_878 : memref<1x64x128xf32, #tpu.memory_space<vmem>> -> memref<64x128xf32, #tpu.memory_space<vmem>>
        tpu.vector_store_idx %scatter3A_879[%add3A_868, %add3A_751], %gather3A_874 : memref<64x128xf32, #tpu.memory_space<vmem>>[vector<16xi32>, vector<16xi32>], vector<16xf32>,
        %add3A_880 = vector.broadcast %mul3A_749 : i32 to vector<16xi32>
        %add3A_881 = arith.addi %and3A_67, %add3A_880 : vector<16xi32>
        %gather3A_882 = arith.constant 0 : i32
        %gather3A_883 = arith.constant 0 : i32
        %gather3A_884 = arith.constant 0 : i32
        %gather3A_885 = tpu.memref_slice %arg6[%gather3A_882, %gather3A_883, %gather3A_884] : memref<4x128x128xf32, #tpu.memory_space<vmem>> -> memref<1x128x128xf32, #tpu.memory_space<vmem>>
        %gather3A_886 = tpu.memref_squeeze %gather3A_885 : memref<1x128x128xf32, #tpu.memory_space<vmem>> -> memref<128x128xf32, #tpu.memory_space<vmem>>
        %gather3A_887 = tpu.vector_load_idx %gather3A_886[%add3A_751, %add3A_881] : memref<128x128xf32, #tpu.memory_space<vmem>>[vector<16xi32>, vector<16xi32>], vector<16xf32>,
        %scatter3A_888 = arith.constant 0 : i32
        %scatter3A_889 = arith.constant 0 : i32
        %scatter3A_890 = arith.constant 0 : i32
        %scatter3A_891 = tpu.memref_slice %arg7[%scatter3A_888, %scatter3A_889, %scatter3A_890] : memref<2x64x128xf32, #tpu.memory_space<vmem>> -> memref<1x64x128xf32, #tpu.memory_space<vmem>>
        %scatter3A_892 = tpu.memref_squeeze %scatter3A_891 : memref<1x64x128xf32, #tpu.memory_space<vmem>> -> memref<64x128xf32, #tpu.memory_space<vmem>>
        tpu.vector_store_idx %scatter3A_892[%add3A_881, %add3A_751], %gather3A_887 : memref<64x128xf32, #tpu.memory_space<vmem>>[vector<16xi32>, vector<16xi32>], vector<16xf32>,
        %add3A_893 = vector.broadcast %mul3A_749 : i32 to vector<16xi32>
        %add3A_894 = arith.addi %and3A_73, %add3A_893 : vector<16xi32>
        %gather3A_895 = arith.constant 0 : i32
        %gather3A_896 = arith.constant 0 : i32
        %gather3A_897 = arith.constant 0 : i32
        %gather3A_898 = tpu.memref_slice %arg6[%gather3A_895, %gather3A_896, %gather3A_897] : memref<4x128x128xf32, #tpu.memory_space<vmem>> -> memref<1x128x128xf32, #tpu.memory_space<vmem>>
        %gather3A_899 = tpu.memref_squeeze %gather3A_898 : memref<1x128x128xf32, #tpu.memory_space<vmem>> -> memref<128x128xf32, #tpu.memory_space<vmem>>
        %gather3A_900 = tpu.vector_load_idx %gather3A_899[%add3A_751, %add3A_894] : memref<128x128xf32, #tpu.memory_space<vmem>>[vector<16xi32>, vector<16xi32>], vector<16xf32>,
        %scatter3A_901 = arith.constant 0 : i32
        %scatter3A_902 = arith.constant 0 : i32
        %scatter3A_903 = arith.constant 0 : i32
        %scatter3A_904 = tpu.memref_slice %arg7[%scatter3A_901, %scatter3A_902, %scatter3A_903] : memref<2x64x128xf32, #tpu.memory_space<vmem>> -> memref<1x64x128xf32, #tpu.memory_space<vmem>>
        %scatter3A_905 = tpu.memref_squeeze %scatter3A_904 : memref<1x64x128xf32, #tpu.memory_space<vmem>> -> memref<64x128xf32, #tpu.memory_space<vmem>>
        tpu.vector_store_idx %scatter3A_905[%add3A_894, %add3A_751], %gather3A_900 : memref<64x128xf32, #tpu.memory_space<vmem>>[vector<16xi32>, vector<16xi32>], vector<16xf32>,
        %add3A_906 = vector.broadcast %mul3A_749 : i32 to vector<16xi32>
        %add3A_907 = arith.addi %and3A_79, %add3A_906 : vector<16xi32>
        %gather3A_908 = arith.constant 0 : i32
        %gather3A_909 = arith.constant 0 : i32
        %gather3A_910 = arith.constant 0 : i32
        %gather3A_911 = tpu.memref_slice %arg6[%gather3A_908, %gather3A_909, %gather3A_910] : memref<4x128x128xf32, #tpu.memory_space<vmem>> -> memref<1x128x128xf32, #tpu.memory_space<vmem>>
        %gather3A_912 = tpu.memref_squeeze %gather3A_911 : memref<1x128x128xf32, #tpu.memory_space<vmem>> -> memref<128x128xf32, #tpu.memory_space<vmem>>
        %gather3A_913 = tpu.vector_load_idx %gather3A_912[%add3A_751, %add3A_907] : memref<128x128xf32, #tpu.memory_space<vmem>>[vector<16xi32>, vector<16xi32>], vector<16xf32>,
        %scatter3A_914 = arith.constant 0 : i32
        %scatter3A_915 = arith.constant 0 : i32
        %scatter3A_916 = arith.constant 0 : i32
        %scatter3A_917 = tpu.memref_slice %arg7[%scatter3A_914, %scatter3A_915, %scatter3A_916] : memref<2x64x128xf32, #tpu.memory_space<vmem>> -> memref<1x64x128xf32, #tpu.memory_space<vmem>>
        %scatter3A_918 = tpu.memref_squeeze %scatter3A_917 : memref<1x64x128xf32, #tpu.memory_space<vmem>> -> memref<64x128xf32, #tpu.memory_space<vmem>>
        tpu.vector_store_idx %scatter3A_918[%add3A_907, %add3A_751], %gather3A_913 : memref<64x128xf32, #tpu.memory_space<vmem>>[vector<16xi32>, vector<16xi32>], vector<16xf32>,
        %add3A_919 = vector.broadcast %mul3A_749 : i32 to vector<16xi32>
        %add3A_920 = arith.addi %and3A_85, %add3A_919 : vector<16xi32>
        %gather3A_921 = arith.constant 0 : i32
        %gather3A_922 = arith.constant 0 : i32
        %gather3A_923 = arith.constant 0 : i32
        %gather3A_924 = tpu.memref_slice %arg6[%gather3A_921, %gather3A_922, %gather3A_923] : memref<4x128x128xf32, #tpu.memory_space<vmem>> -> memref<1x128x128xf32, #tpu.memory_space<vmem>>
        %gather3A_925 = tpu.memref_squeeze %gather3A_924 : memref<1x128x128xf32, #tpu.memory_space<vmem>> -> memref<128x128xf32, #tpu.memory_space<vmem>>
        %gather3A_926 = tpu.vector_load_idx %gather3A_925[%add3A_751, %add3A_920] : memref<128x128xf32, #tpu.memory_space<vmem>>[vector<16xi32>, vector<16xi32>], vector<16xf32>,
        %scatter3A_927 = arith.constant 0 : i32
        %scatter3A_928 = arith.constant 0 : i32
        %scatter3A_929 = arith.constant 0 : i32
        %scatter3A_930 = tpu.memref_slice %arg7[%scatter3A_927, %scatter3A_928, %scatter3A_929] : memref<2x64x128xf32, #tpu.memory_space<vmem>> -> memref<1x64x128xf32, #tpu.memory_space<vmem>>
        %scatter3A_931 = tpu.memref_squeeze %scatter3A_930 : memref<1x64x128xf32, #tpu.memory_space<vmem>> -> memref<64x128xf32, #tpu.memory_space<vmem>>
        tpu.vector_store_idx %scatter3A_931[%add3A_920, %add3A_751], %gather3A_926 : memref<64x128xf32, #tpu.memory_space<vmem>>[vector<16xi32>, vector<16xi32>], vector<16xf32>,
        %add3A_932 = vector.broadcast %mul3A_749 : i32 to vector<16xi32>
        %add3A_933 = arith.addi %and3A_91, %add3A_932 : vector<16xi32>
        %gather3A_934 = arith.constant 0 : i32
        %gather3A_935 = arith.constant 0 : i32
        %gather3A_936 = arith.constant 0 : i32
        %gather3A_937 = tpu.memref_slice %arg6[%gather3A_934, %gather3A_935, %gather3A_936] : memref<4x128x128xf32, #tpu.memory_space<vmem>> -> memref<1x128x128xf32, #tpu.memory_space<vmem>>
        %gather3A_938 = tpu.memref_squeeze %gather3A_937 : memref<1x128x128xf32, #tpu.memory_space<vmem>> -> memref<128x128xf32, #tpu.memory_space<vmem>>
        %gather3A_939 = tpu.vector_load_idx %gather3A_938[%add3A_751, %add3A_933] : memref<128x128xf32, #tpu.memory_space<vmem>>[vector<16xi32>, vector<16xi32>], vector<16xf32>,
        %scatter3A_940 = arith.constant 0 : i32
        %scatter3A_941 = arith.constant 0 : i32
        %scatter3A_942 = arith.constant 0 : i32
        %scatter3A_943 = tpu.memref_slice %arg7[%scatter3A_940, %scatter3A_941, %scatter3A_942] : memref<2x64x128xf32, #tpu.memory_space<vmem>> -> memref<1x64x128xf32, #tpu.memory_space<vmem>>
        %scatter3A_944 = tpu.memref_squeeze %scatter3A_943 : memref<1x64x128xf32, #tpu.memory_space<vmem>> -> memref<64x128xf32, #tpu.memory_space<vmem>>
        tpu.vector_store_idx %scatter3A_944[%add3A_933, %add3A_751], %gather3A_939 : memref<64x128xf32, #tpu.memory_space<vmem>>[vector<16xi32>, vector<16xi32>], vector<16xf32>,
        %add3A_945 = vector.broadcast %mul3A_749 : i32 to vector<16xi32>
        %add3A_946 = arith.addi %and3A_97, %add3A_945 : vector<16xi32>
        %gather3A_947 = arith.constant 0 : i32
        %gather3A_948 = arith.constant 0 : i32
        %gather3A_949 = arith.constant 0 : i32
        %gather3A_950 = tpu.memref_slice %arg6[%gather3A_947, %gather3A_948, %gather3A_949] : memref<4x128x128xf32, #tpu.memory_space<vmem>> -> memref<1x128x128xf32, #tpu.memory_space<vmem>>
        %gather3A_951 = tpu.memref_squeeze %gather3A_950 : memref<1x128x128xf32, #tpu.memory_space<vmem>> -> memref<128x128xf32, #tpu.memory_space<vmem>>
        %gather3A_952 = tpu.vector_load_idx %gather3A_951[%add3A_751, %add3A_946] : memref<128x128xf32, #tpu.memory_space<vmem>>[vector<16xi32>, vector<16xi32>], vector<16xf32>,
        %scatter3A_953 = arith.constant 0 : i32
        %scatter3A_954 = arith.constant 0 : i32
        %scatter3A_955 = arith.constant 0 : i32
        %scatter3A_956 = tpu.memref_slice %arg7[%scatter3A_953, %scatter3A_954, %scatter3A_955] : memref<2x64x128xf32, #tpu.memory_space<vmem>> -> memref<1x64x128xf32, #tpu.memory_space<vmem>>
        %scatter3A_957 = tpu.memref_squeeze %scatter3A_956 : memref<1x64x128xf32, #tpu.memory_space<vmem>> -> memref<64x128xf32, #tpu.memory_space<vmem>>
        tpu.vector_store_idx %scatter3A_957[%add3A_946, %add3A_751], %gather3A_952 : memref<64x128xf32, #tpu.memory_space<vmem>>[vector<16xi32>, vector<16xi32>], vector<16xf32>,
      }
      %scan3A_297 = arith.constant 32 : i32
      %add3A_298 = arith.addi %mul3A_2, %add3A_259 : i32
      %jit3A_299 = arith.constant 128 : i32
      %div3A_300 = arith.divsi %add3A_298, %jit3A_299 : i32
      %sign3A_301 = arith.constant 0 : i32
      %sign3A_302 = arith.cmpi sgt, %add3A_298, %sign3A_301 : i32
      %sign3A_303 = arith.extui %sign3A_302 : i1 to i32
      %sign3A_304 = arith.constant 0 : i32
      %sign3A_305 = arith.cmpi slt, %add3A_298, %sign3A_304 : i32
      %sign3A_306 = arith.extui %sign3A_305 : i1 to i32
      %sign3A_307 = arith.subi %sign3A_303, %sign3A_306 : i32
      %sign3A_308 = arith.constant 0 : i32
      %sign3A_309 = arith.cmpi sgt, %jit3A_299, %sign3A_308 : i32
      %sign3A_310 = arith.extui %sign3A_309 : i1 to i32
      %sign3A_311 = arith.constant 0 : i32
      %sign3A_312 = arith.cmpi slt, %jit3A_299, %sign3A_311 : i32
      %sign3A_313 = arith.extui %sign3A_312 : i1 to i32
      %sign3A_314 = arith.subi %sign3A_310, %sign3A_313 : i32
      %ne3A_315 = arith.cmpi ne, %sign3A_307, %sign3A_314 : i32
      %rem3A_316 = arith.remsi %add3A_298, %jit3A_299 : i32
      %ne3A_317 = arith.constant 0 : i32
      %ne3A_318 = arith.cmpi ne, %rem3A_316, %ne3A_317 : i32
      %and3A_319 = arith.andi %ne3A_315, %ne3A_318 : i1
      %sub3A_320 = arith.constant 1 : i32
      %sub3A_321 = arith.subi %div3A_300, %sub3A_320 : i32
      %select_n3A_322 = arith.select %and3A_319, %sub3A_321, %div3A_300 : i32
      %jit3A_323 = arith.constant 128 : i32
      %eq3A_324 = arith.constant 0 : i32
      %eq3A_325 = arith.cmpi eq, %jit3A_323, %eq3A_324 : i32
      %jit3A_326 = arith.constant 1 : i32
      %select_n3A_327 = arith.select %eq3A_325, %jit3A_326, %jit3A_323 : i32
      %rem3A_328 = arith.remsi %add3A_298, %select_n3A_327 : i32
      %ne3A_329 = arith.constant 0 : i32
      %ne3A_330 = arith.cmpi ne, %rem3A_328, %ne3A_329 : i32
      %lt3A_331 = arith.constant 0 : i32
      %lt3A_332 = arith.cmpi slt, %rem3A_328, %lt3A_331 : i32
      %lt3A_333 = arith.constant 0 : i32
      %lt3A_334 = arith.cmpi slt, %select_n3A_327, %lt3A_333 : i32
      %ne3A_335 = arith.xori %lt3A_332, %lt3A_334 : i1
      %and3A_336 = arith.andi %ne3A_335, %ne3A_330 : i1
      %add3A_337 = arith.addi %rem3A_328, %select_n3A_327 : i32
      %select_n3A_338 = arith.select %and3A_336, %add3A_337, %rem3A_328 : i32
      %mul3A_339 = arith.constant 128 : i32
      %mul3A_340 = arith.muli %select_n3A_338, %mul3A_339 : i32
      %dma_start3A_341 = arith.constant 0 : i32
      %dma_start3A_342 = arith.constant 0 : i32
      %dma_start3A_343 = arith.constant 0 : i32
      %dma_start3A_344 = arith.constant 0 : i32
      %dma_start3A_345 = tpu.memref_slice %arg7[%dma_start3A_342, %dma_start3A_343, %dma_start3A_344] : memref<2x64x128xf32, #tpu.memory_space<vmem>> -> memref<1x64x128xf32, #tpu.memory_space<vmem>>
      %dma_start3A_346 = arith.constant 0 : i32
      %dma_start3A_347 = tpu.memref_slice %arg4[%select_n3A_322, %dma_start3A_346, %mul3A_340] : memref<50x64x16384xf32, #tpu.memory_space<hbm>> -> memref<1x64x128xf32, #tpu.memory_space<hbm>>
      %dma_start3A_348 = tpu.memref_slice %arg9[%dma_start3A_341] : memref<2x!tpu.dma_semaphore, #tpu.memory_space<semaphore_mem>> -> memref<1x!tpu.dma_semaphore, #tpu.memory_space<semaphore_mem>>
      %dma_start3A_349 = tpu.memref_squeeze %dma_start3A_348 : memref<1x!tpu.dma_semaphore, #tpu.memory_space<semaphore_mem>> -> memref<!tpu.dma_semaphore, #tpu.memory_space<semaphore_mem>>
      %dma_start3A_350 = arith.constant 0 : i32
      %dma_start3A_351 = tpu.memref_slice %arg4[%select_n3A_322, %dma_start3A_350, %mul3A_340] : memref<50x64x16384xf32, #tpu.memory_space<hbm>> -> memref<1x64x128xf32, #tpu.memory_space<hbm>>
      %dma_start3A_352 = arith.constant 0 : i32
      %dma_start3A_353 = arith.constant 0 : i32
      %dma_start3A_354 = arith.constant 0 : i32
      %dma_start3A_355 = tpu.memref_slice %arg7[%dma_start3A_352, %dma_start3A_353, %dma_start3A_354] : memref<2x64x128xf32, #tpu.memory_space<vmem>> -> memref<1x64x128xf32, #tpu.memory_space<vmem>>
      tpu.enqueue_dma source(%dma_start3A_355 : memref<1x64x128xf32, #tpu.memory_space<vmem>>) target(%dma_start3A_351 : memref<1x64x128xf32, #tpu.memory_space<hbm>>) target_semaphore(%dma_start3A_349 : memref<!tpu.dma_semaphore, #tpu.memory_space<semaphore_mem>>)
      %mul3A_356 = arith.constant 4 : i32
      %mul3A_357 = arith.muli %scan3A_255, %mul3A_356 : i32
      %add3A_358 = arith.constant 1 : i32
      %add3A_359 = arith.addi %mul3A_357, %add3A_358 : i32
      %lt3A_360 = arith.constant 49 : i32
      %lt3A_361 = arith.cmpi slt, %scan3A_255, %lt3A_360 : i32
      %convert_element_type3A_362 = arith.extui %lt3A_361 : i1 to i32
      %cond3A_363 = arith.constant 0 : i32
      %cond3A_364 = arith.cmpi ne, %convert_element_type3A_362, %cond3A_363 : i32
      scf.if %cond3A_364 {
        %add3A_742 = arith.constant 3 : i32
        %add3A_743 = arith.addi %add3A_359, %add3A_742 : i32
        %dma_start3A_744 = arith.constant 0 : i32
        %dma_start3A_745 = arith.constant 0 : i32
        %dma_start3A_746 = arith.constant 0 : i32
        %dma_start3A_747 = arith.constant 0 : i32
        %dma_start3A_748 = tpu.memref_slice %arg6[%dma_start3A_744, %dma_start3A_746, %dma_start3A_747] : memref<4x128x128xf32, #tpu.memory_space<vmem>> -> memref<1x128x128xf32, #tpu.memory_space<vmem>>
        %dma_start3A_749 = tpu.memref_squeeze %dma_start3A_748 : memref<1x128x128xf32, #tpu.memory_space<vmem>> -> memref<128x128xf32, #tpu.memory_space<vmem>>
        %dma_start3A_750 = arith.constant 0 : i32
        %dma_start3A_751 = tpu.memref_slice %arg5[%add3A_743, %dma_start3A_750] : memref<200x128xi32, #tpu.memory_space<vmem>> -> memref<1x128xi32, #tpu.memory_space<vmem>>
        %dma_start3A_752 = tpu.memref_squeeze %dma_start3A_751 : memref<1x128xi32, #tpu.memory_space<vmem>> -> memref<128xi32, #tpu.memory_space<vmem>>
        %dma_start3A_753 = arith.constant 0 : i32
        %dma_start3A_754 = arith.constant 0 : i32
        %dma_start3A_755 = tpu.memref_slice %arg3[%dma_start3A_753, %dma_start3A_754] : memref<1000000x128xf32, #tpu.memory_space<hbm>> -> memref<1000000x128xf32, #tpu.memory_space<hbm>>
        %dma_start3A_756 = tpu.memref_slice %arg8[%dma_start3A_745] : memref<4x!tpu.dma_semaphore, #tpu.memory_space<semaphore_mem>> -> memref<1x!tpu.dma_semaphore, #tpu.memory_space<semaphore_mem>>
        %dma_start3A_757 = tpu.memref_squeeze %dma_start3A_756 : memref<1x!tpu.dma_semaphore, #tpu.memory_space<semaphore_mem>> -> memref<!tpu.dma_semaphore, #tpu.memory_space<semaphore_mem>>
        tpu.enqueue_indirect_dma source(%dma_start3A_755 : memref<1000000x128xf32, #tpu.memory_space<hbm>>) target(%dma_start3A_749 : memref<128x128xf32, #tpu.memory_space<vmem>>) offsets(%dma_start3A_752 : memref<128xi32, #tpu.memory_space<vmem>>) semaphore(%dma_start3A_757 : memref<!tpu.dma_semaphore, #tpu.memory_space<semaphore_mem>>)
      } else {
      }
      %dma_wait3A_365 = arith.constant 1 : i32
      %dma_wait3A_366 = arith.constant 1 : i32
      %dma_wait3A_367 = arith.constant 0 : i32
      %dma_wait3A_368 = arith.constant 0 : i32
      %dma_wait3A_369 = tpu.memref_slice %arg6[%dma_wait3A_365, %dma_wait3A_367, %dma_wait3A_368] : memref<4x128x128xf32, #tpu.memory_space<vmem>> -> memref<1x128x128xf32, #tpu.memory_space<vmem>>
      %dma_wait3A_370 = tpu.memref_squeeze %dma_wait3A_369 : memref<1x128x128xf32, #tpu.memory_space<vmem>> -> memref<128x128xf32, #tpu.memory_space<vmem>>
      %dma_wait3A_371 = arith.constant 0 : i32
      %dma_wait3A_372 = tpu.memref_slice %arg5[%add3A_359, %dma_wait3A_371] : memref<200x128xi32, #tpu.memory_space<vmem>> -> memref<1x128xi32, #tpu.memory_space<vmem>>
      %dma_wait3A_373 = tpu.memref_squeeze %dma_wait3A_372 : memref<1x128xi32, #tpu.memory_space<vmem>> -> memref<128xi32, #tpu.memory_space<vmem>>
      %dma_wait3A_374 = arith.constant 0 : i32
      %dma_wait3A_375 = arith.constant 0 : i32
      %dma_wait3A_376 = tpu.memref_slice %arg3[%dma_wait3A_374, %dma_wait3A_375] : memref<1000000x128xf32, #tpu.memory_space<hbm>> -> memref<1000000x128xf32, #tpu.memory_space<hbm>>
      %dma_wait3A_377 = tpu.memref_slice %arg8[%dma_wait3A_366] : memref<4x!tpu.dma_semaphore, #tpu.memory_space<semaphore_mem>> -> memref<1x!tpu.dma_semaphore, #tpu.memory_space<semaphore_mem>>
      %dma_wait3A_378 = tpu.memref_squeeze %dma_wait3A_377 : memref<1x!tpu.dma_semaphore, #tpu.memory_space<semaphore_mem>> -> memref<!tpu.dma_semaphore, #tpu.memory_space<semaphore_mem>>
      tpu.wait_indirect_dma semaphore(%dma_wait3A_378 : memref<!tpu.dma_semaphore, #tpu.memory_space<semaphore_mem>>) src(%dma_wait3A_376 : memref<1000000x128xf32, #tpu.memory_space<hbm>>) dst(%dma_wait3A_370 : memref<128x128xf32, #tpu.memory_space<vmem>>)
      %gt3A_379 = arith.constant 0 : i32
      %gt3A_380 = arith.cmpi sgt, %scan3A_255, %gt3A_379 : i32
      %convert_element_type3A_381 = arith.extui %gt3A_380 : i1 to i32
      %cond3A_382 = arith.constant 0 : i32
      %cond3A_383 = arith.cmpi ne, %convert_element_type3A_381, %cond3A_382 : i32
      scf.if %cond3A_383 {
        %sub3A_742 = arith.constant 2 : i32
        %sub3A_743 = arith.subi %add3A_359, %sub3A_742 : i32
        %add3A_744 = arith.addi %mul3A_2, %sub3A_743 : i32
        %jit3A_745 = arith.constant 128 : i32
        %div3A_746 = arith.divsi %add3A_744, %jit3A_745 : i32
        %sign3A_747 = arith.constant 0 : i32
        %sign3A_748 = arith.cmpi sgt, %add3A_744, %sign3A_747 : i32
        %sign3A_749 = arith.extui %sign3A_748 : i1 to i32
        %sign3A_750 = arith.constant 0 : i32
        %sign3A_751 = arith.cmpi slt, %add3A_744, %sign3A_750 : i32
        %sign3A_752 = arith.extui %sign3A_751 : i1 to i32
        %sign3A_753 = arith.subi %sign3A_749, %sign3A_752 : i32
        %sign3A_754 = arith.constant 0 : i32
        %sign3A_755 = arith.cmpi sgt, %jit3A_745, %sign3A_754 : i32
        %sign3A_756 = arith.extui %sign3A_755 : i1 to i32
        %sign3A_757 = arith.constant 0 : i32
        %sign3A_758 = arith.cmpi slt, %jit3A_745, %sign3A_757 : i32
        %sign3A_759 = arith.extui %sign3A_758 : i1 to i32
        %sign3A_760 = arith.subi %sign3A_756, %sign3A_759 : i32
        %ne3A_761 = arith.cmpi ne, %sign3A_753, %sign3A_760 : i32
        %rem3A_762 = arith.remsi %add3A_744, %jit3A_745 : i32
        %ne3A_763 = arith.constant 0 : i32
        %ne3A_764 = arith.cmpi ne, %rem3A_762, %ne3A_763 : i32
        %and3A_765 = arith.andi %ne3A_761, %ne3A_764 : i1
        %sub3A_766 = arith.constant 1 : i32
        %sub3A_767 = arith.subi %div3A_746, %sub3A_766 : i32
        %select_n3A_768 = arith.select %and3A_765, %sub3A_767, %div3A_746 : i32
        %jit3A_769 = arith.constant 128 : i32
        %eq3A_770 = arith.constant 0 : i32
        %eq3A_771 = arith.cmpi eq, %jit3A_769, %eq3A_770 : i32
        %jit3A_772 = arith.constant 1 : i32
        %select_n3A_773 = arith.select %eq3A_771, %jit3A_772, %jit3A_769 : i32
        %rem3A_774 = arith.remsi %add3A_744, %select_n3A_773 : i32
        %ne3A_775 = arith.constant 0 : i32
        %ne3A_776 = arith.cmpi ne, %rem3A_774, %ne3A_775 : i32
        %lt3A_777 = arith.constant 0 : i32
        %lt3A_778 = arith.cmpi slt, %rem3A_774, %lt3A_777 : i32
        %lt3A_779 = arith.constant 0 : i32
        %lt3A_780 = arith.cmpi slt, %select_n3A_773, %lt3A_779 : i32
        %ne3A_781 = arith.xori %lt3A_778, %lt3A_780 : i1
        %and3A_782 = arith.andi %ne3A_781, %ne3A_776 : i1
        %add3A_783 = arith.addi %rem3A_774, %select_n3A_773 : i32
        %select_n3A_784 = arith.select %and3A_782, %add3A_783, %rem3A_774 : i32
        %mul3A_785 = arith.constant 128 : i32
        %mul3A_786 = arith.muli %select_n3A_784, %mul3A_785 : i32
        %dma_wait3A_787 = arith.constant 1 : i32
        %dma_wait3A_788 = arith.constant 1 : i32
        %dma_wait3A_789 = arith.constant 0 : i32
        %dma_wait3A_790 = arith.constant 0 : i32
        %dma_wait3A_791 = tpu.memref_slice %arg7[%dma_wait3A_788, %dma_wait3A_789, %dma_wait3A_790] : memref<2x64x128xf32, #tpu.memory_space<vmem>> -> memref<1x64x128xf32, #tpu.memory_space<vmem>>
        %dma_wait3A_792 = arith.constant 0 : i32
        %dma_wait3A_793 = tpu.memref_slice %arg4[%select_n3A_768, %dma_wait3A_792, %mul3A_786] : memref<50x64x16384xf32, #tpu.memory_space<hbm>> -> memref<1x64x128xf32, #tpu.memory_space<hbm>>
        %dma_wait3A_794 = tpu.memref_slice %arg9[%dma_wait3A_787] : memref<2x!tpu.dma_semaphore, #tpu.memory_space<semaphore_mem>> -> memref<1x!tpu.dma_semaphore, #tpu.memory_space<semaphore_mem>>
        %dma_wait3A_795 = tpu.memref_squeeze %dma_wait3A_794 : memref<1x!tpu.dma_semaphore, #tpu.memory_space<semaphore_mem>> -> memref<!tpu.dma_semaphore, #tpu.memory_space<semaphore_mem>>
        %dma_wait3A_796 = arith.constant 0 : i32
        %dma_wait3A_797 = tpu.memref_slice %arg4[%select_n3A_768, %dma_wait3A_796, %mul3A_786] : memref<50x64x16384xf32, #tpu.memory_space<hbm>> -> memref<1x64x128xf32, #tpu.memory_space<hbm>>
        %dma_wait3A_798 = arith.constant 1 : i32
        %dma_wait3A_799 = arith.constant 0 : i32
        %dma_wait3A_800 = arith.constant 0 : i32
        %dma_wait3A_801 = tpu.memref_slice %arg7[%dma_wait3A_798, %dma_wait3A_799, %dma_wait3A_800] : memref<2x64x128xf32, #tpu.memory_space<vmem>> -> memref<1x64x128xf32, #tpu.memory_space<vmem>>
        tpu.wait_dma2 semaphore(%dma_wait3A_795 : memref<!tpu.dma_semaphore, #tpu.memory_space<semaphore_mem>>) src(%dma_wait3A_801 : memref<1x64x128xf32, #tpu.memory_space<vmem>>) dst(%dma_wait3A_797 : memref<1x64x128xf32, #tpu.memory_space<hbm>>)
      } else {
      }
      %scan3A_384 = arith.constant 0 : i32
      %scan3A_385 = arith.constant 0 : i32
      %scan3A_386 = arith.constant 32 : i32
      %scan3A_387 = arith.addi %scan3A_385, %scan3A_386 : i32
      %scan3A_388 = arith.constant 1 : i32
      scf.for %scan3A_742 = %scan3A_385 to %scan3A_387 step %scan3A_388  : i32 {
        %and3A_743 = arith.constant 7 : i32
        %and3A_744 = arith.andi %scan3A_742, %and3A_743 : i32
        %mul3A_745 = arith.constant 16 : i32
        %mul3A_746 = arith.muli %and3A_744, %mul3A_745 : i32
        %shift_right_arithmetic3A = arith.constant 3 : i32
        %shift_right_arithmetic3A_747 = arith.shrsi %scan3A_742, %shift_right_arithmetic3A : i32
        %mul3A_748 = arith.constant 16 : i32
        %mul3A_749 = arith.muli %shift_right_arithmetic3A_747, %mul3A_748 : i32
        %add3A_750 = vector.broadcast %mul3A_746 : i32 to vector<16xi32>
        %add3A_751 = arith.addi %iota3A, %add3A_750 : vector<16xi32>
        %add3A_752 = vector.broadcast %mul3A_749 : i32 to vector<16xi32>
        %add3A_753 = arith.addi %and3A_7, %add3A_752 : vector<16xi32>
        %gather3A = arith.constant 1 : i32
        %gather3A_754 = arith.constant 0 : i32
        %gather3A_755 = arith.constant 0 : i32
        %gather3A_756 = tpu.memref_slice %arg6[%gather3A, %gather3A_754, %gather3A_755] : memref<4x128x128xf32, #tpu.memory_space<vmem>> -> memref<1x128x128xf32, #tpu.memory_space<vmem>>
        %gather3A_757 = tpu.memref_squeeze %gather3A_756 : memref<1x128x128xf32, #tpu.memory_space<vmem>> -> memref<128x128xf32, #tpu.memory_space<vmem>>
        %gather3A_758 = tpu.vector_load_idx %gather3A_757[%add3A_751, %add3A_753] : memref<128x128xf32, #tpu.memory_space<vmem>>[vector<16xi32>, vector<16xi32>], vector<16xf32>,
        %scatter3A = arith.constant 1 : i32
        %scatter3A_759 = arith.constant 0 : i32
        %scatter3A_760 = arith.constant 0 : i32
        %scatter3A_761 = tpu.memref_slice %arg7[%scatter3A, %scatter3A_759, %scatter3A_760] : memref<2x64x128xf32, #tpu.memory_space<vmem>> -> memref<1x64x128xf32, #tpu.memory_space<vmem>>
        %scatter3A_762 = tpu.memref_squeeze %scatter3A_761 : memref<1x64x128xf32, #tpu.memory_space<vmem>> -> memref<64x128xf32, #tpu.memory_space<vmem>>
        tpu.vector_store_idx %scatter3A_762[%add3A_753, %add3A_751], %gather3A_758 : memref<64x128xf32, #tpu.memory_space<vmem>>[vector<16xi32>, vector<16xi32>], vector<16xf32>,
        %add3A_763 = vector.broadcast %mul3A_749 : i32 to vector<16xi32>
        %add3A_764 = arith.addi %and3A_13, %add3A_763 : vector<16xi32>
        %gather3A_765 = arith.constant 1 : i32
        %gather3A_766 = arith.constant 0 : i32
        %gather3A_767 = arith.constant 0 : i32
        %gather3A_768 = tpu.memref_slice %arg6[%gather3A_765, %gather3A_766, %gather3A_767] : memref<4x128x128xf32, #tpu.memory_space<vmem>> -> memref<1x128x128xf32, #tpu.memory_space<vmem>>
        %gather3A_769 = tpu.memref_squeeze %gather3A_768 : memref<1x128x128xf32, #tpu.memory_space<vmem>> -> memref<128x128xf32, #tpu.memory_space<vmem>>
        %gather3A_770 = tpu.vector_load_idx %gather3A_769[%add3A_751, %add3A_764] : memref<128x128xf32, #tpu.memory_space<vmem>>[vector<16xi32>, vector<16xi32>], vector<16xf32>,
        %scatter3A_771 = arith.constant 1 : i32
        %scatter3A_772 = arith.constant 0 : i32
        %scatter3A_773 = arith.constant 0 : i32
        %scatter3A_774 = tpu.memref_slice %arg7[%scatter3A_771, %scatter3A_772, %scatter3A_773] : memref<2x64x128xf32, #tpu.memory_space<vmem>> -> memref<1x64x128xf32, #tpu.memory_space<vmem>>
        %scatter3A_775 = tpu.memref_squeeze %scatter3A_774 : memref<1x64x128xf32, #tpu.memory_space<vmem>> -> memref<64x128xf32, #tpu.memory_space<vmem>>
        tpu.vector_store_idx %scatter3A_775[%add3A_764, %add3A_751], %gather3A_770 : memref<64x128xf32, #tpu.memory_space<vmem>>[vector<16xi32>, vector<16xi32>], vector<16xf32>,
        %add3A_776 = vector.broadcast %mul3A_749 : i32 to vector<16xi32>
        %add3A_777 = arith.addi %and3A_19, %add3A_776 : vector<16xi32>
        %gather3A_778 = arith.constant 1 : i32
        %gather3A_779 = arith.constant 0 : i32
        %gather3A_780 = arith.constant 0 : i32
        %gather3A_781 = tpu.memref_slice %arg6[%gather3A_778, %gather3A_779, %gather3A_780] : memref<4x128x128xf32, #tpu.memory_space<vmem>> -> memref<1x128x128xf32, #tpu.memory_space<vmem>>
        %gather3A_782 = tpu.memref_squeeze %gather3A_781 : memref<1x128x128xf32, #tpu.memory_space<vmem>> -> memref<128x128xf32, #tpu.memory_space<vmem>>
        %gather3A_783 = tpu.vector_load_idx %gather3A_782[%add3A_751, %add3A_777] : memref<128x128xf32, #tpu.memory_space<vmem>>[vector<16xi32>, vector<16xi32>], vector<16xf32>,
        %scatter3A_784 = arith.constant 1 : i32
        %scatter3A_785 = arith.constant 0 : i32
        %scatter3A_786 = arith.constant 0 : i32
        %scatter3A_787 = tpu.memref_slice %arg7[%scatter3A_784, %scatter3A_785, %scatter3A_786] : memref<2x64x128xf32, #tpu.memory_space<vmem>> -> memref<1x64x128xf32, #tpu.memory_space<vmem>>
        %scatter3A_788 = tpu.memref_squeeze %scatter3A_787 : memref<1x64x128xf32, #tpu.memory_space<vmem>> -> memref<64x128xf32, #tpu.memory_space<vmem>>
        tpu.vector_store_idx %scatter3A_788[%add3A_777, %add3A_751], %gather3A_783 : memref<64x128xf32, #tpu.memory_space<vmem>>[vector<16xi32>, vector<16xi32>], vector<16xf32>,
        %add3A_789 = vector.broadcast %mul3A_749 : i32 to vector<16xi32>
        %add3A_790 = arith.addi %and3A_25, %add3A_789 : vector<16xi32>
        %gather3A_791 = arith.constant 1 : i32
        %gather3A_792 = arith.constant 0 : i32
        %gather3A_793 = arith.constant 0 : i32
        %gather3A_794 = tpu.memref_slice %arg6[%gather3A_791, %gather3A_792, %gather3A_793] : memref<4x128x128xf32, #tpu.memory_space<vmem>> -> memref<1x128x128xf32, #tpu.memory_space<vmem>>
        %gather3A_795 = tpu.memref_squeeze %gather3A_794 : memref<1x128x128xf32, #tpu.memory_space<vmem>> -> memref<128x128xf32, #tpu.memory_space<vmem>>
        %gather3A_796 = tpu.vector_load_idx %gather3A_795[%add3A_751, %add3A_790] : memref<128x128xf32, #tpu.memory_space<vmem>>[vector<16xi32>, vector<16xi32>], vector<16xf32>,
        %scatter3A_797 = arith.constant 1 : i32
        %scatter3A_798 = arith.constant 0 : i32
        %scatter3A_799 = arith.constant 0 : i32
        %scatter3A_800 = tpu.memref_slice %arg7[%scatter3A_797, %scatter3A_798, %scatter3A_799] : memref<2x64x128xf32, #tpu.memory_space<vmem>> -> memref<1x64x128xf32, #tpu.memory_space<vmem>>
        %scatter3A_801 = tpu.memref_squeeze %scatter3A_800 : memref<1x64x128xf32, #tpu.memory_space<vmem>> -> memref<64x128xf32, #tpu.memory_space<vmem>>
        tpu.vector_store_idx %scatter3A_801[%add3A_790, %add3A_751], %gather3A_796 : memref<64x128xf32, #tpu.memory_space<vmem>>[vector<16xi32>, vector<16xi32>], vector<16xf32>,
        %add3A_802 = vector.broadcast %mul3A_749 : i32 to vector<16xi32>
        %add3A_803 = arith.addi %and3A_31, %add3A_802 : vector<16xi32>
        %gather3A_804 = arith.constant 1 : i32
        %gather3A_805 = arith.constant 0 : i32
        %gather3A_806 = arith.constant 0 : i32
        %gather3A_807 = tpu.memref_slice %arg6[%gather3A_804, %gather3A_805, %gather3A_806] : memref<4x128x128xf32, #tpu.memory_space<vmem>> -> memref<1x128x128xf32, #tpu.memory_space<vmem>>
        %gather3A_808 = tpu.memref_squeeze %gather3A_807 : memref<1x128x128xf32, #tpu.memory_space<vmem>> -> memref<128x128xf32, #tpu.memory_space<vmem>>
        %gather3A_809 = tpu.vector_load_idx %gather3A_808[%add3A_751, %add3A_803] : memref<128x128xf32, #tpu.memory_space<vmem>>[vector<16xi32>, vector<16xi32>], vector<16xf32>,
        %scatter3A_810 = arith.constant 1 : i32
        %scatter3A_811 = arith.constant 0 : i32
        %scatter3A_812 = arith.constant 0 : i32
        %scatter3A_813 = tpu.memref_slice %arg7[%scatter3A_810, %scatter3A_811, %scatter3A_812] : memref<2x64x128xf32, #tpu.memory_space<vmem>> -> memref<1x64x128xf32, #tpu.memory_space<vmem>>
        %scatter3A_814 = tpu.memref_squeeze %scatter3A_813 : memref<1x64x128xf32, #tpu.memory_space<vmem>> -> memref<64x128xf32, #tpu.memory_space<vmem>>
        tpu.vector_store_idx %scatter3A_814[%add3A_803, %add3A_751], %gather3A_809 : memref<64x128xf32, #tpu.memory_space<vmem>>[vector<16xi32>, vector<16xi32>], vector<16xf32>,
        %add3A_815 = vector.broadcast %mul3A_749 : i32 to vector<16xi32>
        %add3A_816 = arith.addi %and3A_37, %add3A_815 : vector<16xi32>
        %gather3A_817 = arith.constant 1 : i32
        %gather3A_818 = arith.constant 0 : i32
        %gather3A_819 = arith.constant 0 : i32
        %gather3A_820 = tpu.memref_slice %arg6[%gather3A_817, %gather3A_818, %gather3A_819] : memref<4x128x128xf32, #tpu.memory_space<vmem>> -> memref<1x128x128xf32, #tpu.memory_space<vmem>>
        %gather3A_821 = tpu.memref_squeeze %gather3A_820 : memref<1x128x128xf32, #tpu.memory_space<vmem>> -> memref<128x128xf32, #tpu.memory_space<vmem>>
        %gather3A_822 = tpu.vector_load_idx %gather3A_821[%add3A_751, %add3A_816] : memref<128x128xf32, #tpu.memory_space<vmem>>[vector<16xi32>, vector<16xi32>], vector<16xf32>,
        %scatter3A_823 = arith.constant 1 : i32
        %scatter3A_824 = arith.constant 0 : i32
        %scatter3A_825 = arith.constant 0 : i32
        %scatter3A_826 = tpu.memref_slice %arg7[%scatter3A_823, %scatter3A_824, %scatter3A_825] : memref<2x64x128xf32, #tpu.memory_space<vmem>> -> memref<1x64x128xf32, #tpu.memory_space<vmem>>
        %scatter3A_827 = tpu.memref_squeeze %scatter3A_826 : memref<1x64x128xf32, #tpu.memory_space<vmem>> -> memref<64x128xf32, #tpu.memory_space<vmem>>
        tpu.vector_store_idx %scatter3A_827[%add3A_816, %add3A_751], %gather3A_822 : memref<64x128xf32, #tpu.memory_space<vmem>>[vector<16xi32>, vector<16xi32>], vector<16xf32>,
        %add3A_828 = vector.broadcast %mul3A_749 : i32 to vector<16xi32>
        %add3A_829 = arith.addi %and3A_43, %add3A_828 : vector<16xi32>
        %gather3A_830 = arith.constant 1 : i32
        %gather3A_831 = arith.constant 0 : i32
        %gather3A_832 = arith.constant 0 : i32
        %gather3A_833 = tpu.memref_slice %arg6[%gather3A_830, %gather3A_831, %gather3A_832] : memref<4x128x128xf32, #tpu.memory_space<vmem>> -> memref<1x128x128xf32, #tpu.memory_space<vmem>>
        %gather3A_834 = tpu.memref_squeeze %gather3A_833 : memref<1x128x128xf32, #tpu.memory_space<vmem>> -> memref<128x128xf32, #tpu.memory_space<vmem>>
        %gather3A_835 = tpu.vector_load_idx %gather3A_834[%add3A_751, %add3A_829] : memref<128x128xf32, #tpu.memory_space<vmem>>[vector<16xi32>, vector<16xi32>], vector<16xf32>,
        %scatter3A_836 = arith.constant 1 : i32
        %scatter3A_837 = arith.constant 0 : i32
        %scatter3A_838 = arith.constant 0 : i32
        %scatter3A_839 = tpu.memref_slice %arg7[%scatter3A_836, %scatter3A_837, %scatter3A_838] : memref<2x64x128xf32, #tpu.memory_space<vmem>> -> memref<1x64x128xf32, #tpu.memory_space<vmem>>
        %scatter3A_840 = tpu.memref_squeeze %scatter3A_839 : memref<1x64x128xf32, #tpu.memory_space<vmem>> -> memref<64x128xf32, #tpu.memory_space<vmem>>
        tpu.vector_store_idx %scatter3A_840[%add3A_829, %add3A_751], %gather3A_835 : memref<64x128xf32, #tpu.memory_space<vmem>>[vector<16xi32>, vector<16xi32>], vector<16xf32>,
        %add3A_841 = vector.broadcast %mul3A_749 : i32 to vector<16xi32>
        %add3A_842 = arith.addi %and3A_49, %add3A_841 : vector<16xi32>
        %gather3A_843 = arith.constant 1 : i32
        %gather3A_844 = arith.constant 0 : i32
        %gather3A_845 = arith.constant 0 : i32
        %gather3A_846 = tpu.memref_slice %arg6[%gather3A_843, %gather3A_844, %gather3A_845] : memref<4x128x128xf32, #tpu.memory_space<vmem>> -> memref<1x128x128xf32, #tpu.memory_space<vmem>>
        %gather3A_847 = tpu.memref_squeeze %gather3A_846 : memref<1x128x128xf32, #tpu.memory_space<vmem>> -> memref<128x128xf32, #tpu.memory_space<vmem>>
        %gather3A_848 = tpu.vector_load_idx %gather3A_847[%add3A_751, %add3A_842] : memref<128x128xf32, #tpu.memory_space<vmem>>[vector<16xi32>, vector<16xi32>], vector<16xf32>,
        %scatter3A_849 = arith.constant 1 : i32
        %scatter3A_850 = arith.constant 0 : i32
        %scatter3A_851 = arith.constant 0 : i32
        %scatter3A_852 = tpu.memref_slice %arg7[%scatter3A_849, %scatter3A_850, %scatter3A_851] : memref<2x64x128xf32, #tpu.memory_space<vmem>> -> memref<1x64x128xf32, #tpu.memory_space<vmem>>
        %scatter3A_853 = tpu.memref_squeeze %scatter3A_852 : memref<1x64x128xf32, #tpu.memory_space<vmem>> -> memref<64x128xf32, #tpu.memory_space<vmem>>
        tpu.vector_store_idx %scatter3A_853[%add3A_842, %add3A_751], %gather3A_848 : memref<64x128xf32, #tpu.memory_space<vmem>>[vector<16xi32>, vector<16xi32>], vector<16xf32>,
        %add3A_854 = vector.broadcast %mul3A_749 : i32 to vector<16xi32>
        %add3A_855 = arith.addi %and3A_55, %add3A_854 : vector<16xi32>
        %gather3A_856 = arith.constant 1 : i32
        %gather3A_857 = arith.constant 0 : i32
        %gather3A_858 = arith.constant 0 : i32
        %gather3A_859 = tpu.memref_slice %arg6[%gather3A_856, %gather3A_857, %gather3A_858] : memref<4x128x128xf32, #tpu.memory_space<vmem>> -> memref<1x128x128xf32, #tpu.memory_space<vmem>>
        %gather3A_860 = tpu.memref_squeeze %gather3A_859 : memref<1x128x128xf32, #tpu.memory_space<vmem>> -> memref<128x128xf32, #tpu.memory_space<vmem>>
        %gather3A_861 = tpu.vector_load_idx %gather3A_860[%add3A_751, %add3A_855] : memref<128x128xf32, #tpu.memory_space<vmem>>[vector<16xi32>, vector<16xi32>], vector<16xf32>,
        %scatter3A_862 = arith.constant 1 : i32
        %scatter3A_863 = arith.constant 0 : i32
        %scatter3A_864 = arith.constant 0 : i32
        %scatter3A_865 = tpu.memref_slice %arg7[%scatter3A_862, %scatter3A_863, %scatter3A_864] : memref<2x64x128xf32, #tpu.memory_space<vmem>> -> memref<1x64x128xf32, #tpu.memory_space<vmem>>
        %scatter3A_866 = tpu.memref_squeeze %scatter3A_865 : memref<1x64x128xf32, #tpu.memory_space<vmem>> -> memref<64x128xf32, #tpu.memory_space<vmem>>
        tpu.vector_store_idx %scatter3A_866[%add3A_855, %add3A_751], %gather3A_861 : memref<64x128xf32, #tpu.memory_space<vmem>>[vector<16xi32>, vector<16xi32>], vector<16xf32>,
        %add3A_867 = vector.broadcast %mul3A_749 : i32 to vector<16xi32>
        %add3A_868 = arith.addi %and3A_61, %add3A_867 : vector<16xi32>
        %gather3A_869 = arith.constant 1 : i32
        %gather3A_870 = arith.constant 0 : i32
        %gather3A_871 = arith.constant 0 : i32
        %gather3A_872 = tpu.memref_slice %arg6[%gather3A_869, %gather3A_870, %gather3A_871] : memref<4x128x128xf32, #tpu.memory_space<vmem>> -> memref<1x128x128xf32, #tpu.memory_space<vmem>>
        %gather3A_873 = tpu.memref_squeeze %gather3A_872 : memref<1x128x128xf32, #tpu.memory_space<vmem>> -> memref<128x128xf32, #tpu.memory_space<vmem>>
        %gather3A_874 = tpu.vector_load_idx %gather3A_873[%add3A_751, %add3A_868] : memref<128x128xf32, #tpu.memory_space<vmem>>[vector<16xi32>, vector<16xi32>], vector<16xf32>,
        %scatter3A_875 = arith.constant 1 : i32
        %scatter3A_876 = arith.constant 0 : i32
        %scatter3A_877 = arith.constant 0 : i32
        %scatter3A_878 = tpu.memref_slice %arg7[%scatter3A_875, %scatter3A_876, %scatter3A_877] : memref<2x64x128xf32, #tpu.memory_space<vmem>> -> memref<1x64x128xf32, #tpu.memory_space<vmem>>
        %scatter3A_879 = tpu.memref_squeeze %scatter3A_878 : memref<1x64x128xf32, #tpu.memory_space<vmem>> -> memref<64x128xf32, #tpu.memory_space<vmem>>
        tpu.vector_store_idx %scatter3A_879[%add3A_868, %add3A_751], %gather3A_874 : memref<64x128xf32, #tpu.memory_space<vmem>>[vector<16xi32>, vector<16xi32>], vector<16xf32>,
        %add3A_880 = vector.broadcast %mul3A_749 : i32 to vector<16xi32>
        %add3A_881 = arith.addi %and3A_67, %add3A_880 : vector<16xi32>
        %gather3A_882 = arith.constant 1 : i32
        %gather3A_883 = arith.constant 0 : i32
        %gather3A_884 = arith.constant 0 : i32
        %gather3A_885 = tpu.memref_slice %arg6[%gather3A_882, %gather3A_883, %gather3A_884] : memref<4x128x128xf32, #tpu.memory_space<vmem>> -> memref<1x128x128xf32, #tpu.memory_space<vmem>>
        %gather3A_886 = tpu.memref_squeeze %gather3A_885 : memref<1x128x128xf32, #tpu.memory_space<vmem>> -> memref<128x128xf32, #tpu.memory_space<vmem>>
        %gather3A_887 = tpu.vector_load_idx %gather3A_886[%add3A_751, %add3A_881] : memref<128x128xf32, #tpu.memory_space<vmem>>[vector<16xi32>, vector<16xi32>], vector<16xf32>,
        %scatter3A_888 = arith.constant 1 : i32
        %scatter3A_889 = arith.constant 0 : i32
        %scatter3A_890 = arith.constant 0 : i32
        %scatter3A_891 = tpu.memref_slice %arg7[%scatter3A_888, %scatter3A_889, %scatter3A_890] : memref<2x64x128xf32, #tpu.memory_space<vmem>> -> memref<1x64x128xf32, #tpu.memory_space<vmem>>
        %scatter3A_892 = tpu.memref_squeeze %scatter3A_891 : memref<1x64x128xf32, #tpu.memory_space<vmem>> -> memref<64x128xf32, #tpu.memory_space<vmem>>
        tpu.vector_store_idx %scatter3A_892[%add3A_881, %add3A_751], %gather3A_887 : memref<64x128xf32, #tpu.memory_space<vmem>>[vector<16xi32>, vector<16xi32>], vector<16xf32>,
        %add3A_893 = vector.broadcast %mul3A_749 : i32 to vector<16xi32>
        %add3A_894 = arith.addi %and3A_73, %add3A_893 : vector<16xi32>
        %gather3A_895 = arith.constant 1 : i32
        %gather3A_896 = arith.constant 0 : i32
        %gather3A_897 = arith.constant 0 : i32
        %gather3A_898 = tpu.memref_slice %arg6[%gather3A_895, %gather3A_896, %gather3A_897] : memref<4x128x128xf32, #tpu.memory_space<vmem>> -> memref<1x128x128xf32, #tpu.memory_space<vmem>>
        %gather3A_899 = tpu.memref_squeeze %gather3A_898 : memref<1x128x128xf32, #tpu.memory_space<vmem>> -> memref<128x128xf32, #tpu.memory_space<vmem>>
        %gather3A_900 = tpu.vector_load_idx %gather3A_899[%add3A_751, %add3A_894] : memref<128x128xf32, #tpu.memory_space<vmem>>[vector<16xi32>, vector<16xi32>], vector<16xf32>,
        %scatter3A_901 = arith.constant 1 : i32
        %scatter3A_902 = arith.constant 0 : i32
        %scatter3A_903 = arith.constant 0 : i32
        %scatter3A_904 = tpu.memref_slice %arg7[%scatter3A_901, %scatter3A_902, %scatter3A_903] : memref<2x64x128xf32, #tpu.memory_space<vmem>> -> memref<1x64x128xf32, #tpu.memory_space<vmem>>
        %scatter3A_905 = tpu.memref_squeeze %scatter3A_904 : memref<1x64x128xf32, #tpu.memory_space<vmem>> -> memref<64x128xf32, #tpu.memory_space<vmem>>
        tpu.vector_store_idx %scatter3A_905[%add3A_894, %add3A_751], %gather3A_900 : memref<64x128xf32, #tpu.memory_space<vmem>>[vector<16xi32>, vector<16xi32>], vector<16xf32>,
        %add3A_906 = vector.broadcast %mul3A_749 : i32 to vector<16xi32>
        %add3A_907 = arith.addi %and3A_79, %add3A_906 : vector<16xi32>
        %gather3A_908 = arith.constant 1 : i32
        %gather3A_909 = arith.constant 0 : i32
        %gather3A_910 = arith.constant 0 : i32
        %gather3A_911 = tpu.memref_slice %arg6[%gather3A_908, %gather3A_909, %gather3A_910] : memref<4x128x128xf32, #tpu.memory_space<vmem>> -> memref<1x128x128xf32, #tpu.memory_space<vmem>>
        %gather3A_912 = tpu.memref_squeeze %gather3A_911 : memref<1x128x128xf32, #tpu.memory_space<vmem>> -> memref<128x128xf32, #tpu.memory_space<vmem>>
        %gather3A_913 = tpu.vector_load_idx %gather3A_912[%add3A_751, %add3A_907] : memref<128x128xf32, #tpu.memory_space<vmem>>[vector<16xi32>, vector<16xi32>], vector<16xf32>,
        %scatter3A_914 = arith.constant 1 : i32
        %scatter3A_915 = arith.constant 0 : i32
        %scatter3A_916 = arith.constant 0 : i32
        %scatter3A_917 = tpu.memref_slice %arg7[%scatter3A_914, %scatter3A_915, %scatter3A_916] : memref<2x64x128xf32, #tpu.memory_space<vmem>> -> memref<1x64x128xf32, #tpu.memory_space<vmem>>
        %scatter3A_918 = tpu.memref_squeeze %scatter3A_917 : memref<1x64x128xf32, #tpu.memory_space<vmem>> -> memref<64x128xf32, #tpu.memory_space<vmem>>
        tpu.vector_store_idx %scatter3A_918[%add3A_907, %add3A_751], %gather3A_913 : memref<64x128xf32, #tpu.memory_space<vmem>>[vector<16xi32>, vector<16xi32>], vector<16xf32>,
        %add3A_919 = vector.broadcast %mul3A_749 : i32 to vector<16xi32>
        %add3A_920 = arith.addi %and3A_85, %add3A_919 : vector<16xi32>
        %gather3A_921 = arith.constant 1 : i32
        %gather3A_922 = arith.constant 0 : i32
        %gather3A_923 = arith.constant 0 : i32
        %gather3A_924 = tpu.memref_slice %arg6[%gather3A_921, %gather3A_922, %gather3A_923] : memref<4x128x128xf32, #tpu.memory_space<vmem>> -> memref<1x128x128xf32, #tpu.memory_space<vmem>>
        %gather3A_925 = tpu.memref_squeeze %gather3A_924 : memref<1x128x128xf32, #tpu.memory_space<vmem>> -> memref<128x128xf32, #tpu.memory_space<vmem>>
        %gather3A_926 = tpu.vector_load_idx %gather3A_925[%add3A_751, %add3A_920] : memref<128x128xf32, #tpu.memory_space<vmem>>[vector<16xi32>, vector<16xi32>], vector<16xf32>,
        %scatter3A_927 = arith.constant 1 : i32
        %scatter3A_928 = arith.constant 0 : i32
        %scatter3A_929 = arith.constant 0 : i32
        %scatter3A_930 = tpu.memref_slice %arg7[%scatter3A_927, %scatter3A_928, %scatter3A_929] : memref<2x64x128xf32, #tpu.memory_space<vmem>> -> memref<1x64x128xf32, #tpu.memory_space<vmem>>
        %scatter3A_931 = tpu.memref_squeeze %scatter3A_930 : memref<1x64x128xf32, #tpu.memory_space<vmem>> -> memref<64x128xf32, #tpu.memory_space<vmem>>
        tpu.vector_store_idx %scatter3A_931[%add3A_920, %add3A_751], %gather3A_926 : memref<64x128xf32, #tpu.memory_space<vmem>>[vector<16xi32>, vector<16xi32>], vector<16xf32>,
        %add3A_932 = vector.broadcast %mul3A_749 : i32 to vector<16xi32>
        %add3A_933 = arith.addi %and3A_91, %add3A_932 : vector<16xi32>
        %gather3A_934 = arith.constant 1 : i32
        %gather3A_935 = arith.constant 0 : i32
        %gather3A_936 = arith.constant 0 : i32
        %gather3A_937 = tpu.memref_slice %arg6[%gather3A_934, %gather3A_935, %gather3A_936] : memref<4x128x128xf32, #tpu.memory_space<vmem>> -> memref<1x128x128xf32, #tpu.memory_space<vmem>>
        %gather3A_938 = tpu.memref_squeeze %gather3A_937 : memref<1x128x128xf32, #tpu.memory_space<vmem>> -> memref<128x128xf32, #tpu.memory_space<vmem>>
        %gather3A_939 = tpu.vector_load_idx %gather3A_938[%add3A_751, %add3A_933] : memref<128x128xf32, #tpu.memory_space<vmem>>[vector<16xi32>, vector<16xi32>], vector<16xf32>,
        %scatter3A_940 = arith.constant 1 : i32
        %scatter3A_941 = arith.constant 0 : i32
        %scatter3A_942 = arith.constant 0 : i32
        %scatter3A_943 = tpu.memref_slice %arg7[%scatter3A_940, %scatter3A_941, %scatter3A_942] : memref<2x64x128xf32, #tpu.memory_space<vmem>> -> memref<1x64x128xf32, #tpu.memory_space<vmem>>
        %scatter3A_944 = tpu.memref_squeeze %scatter3A_943 : memref<1x64x128xf32, #tpu.memory_space<vmem>> -> memref<64x128xf32, #tpu.memory_space<vmem>>
        tpu.vector_store_idx %scatter3A_944[%add3A_933, %add3A_751], %gather3A_939 : memref<64x128xf32, #tpu.memory_space<vmem>>[vector<16xi32>, vector<16xi32>], vector<16xf32>,
        %add3A_945 = vector.broadcast %mul3A_749 : i32 to vector<16xi32>
        %add3A_946 = arith.addi %and3A_97, %add3A_945 : vector<16xi32>
        %gather3A_947 = arith.constant 1 : i32
        %gather3A_948 = arith.constant 0 : i32
        %gather3A_949 = arith.constant 0 : i32
        %gather3A_950 = tpu.memref_slice %arg6[%gather3A_947, %gather3A_948, %gather3A_949] : memref<4x128x128xf32, #tpu.memory_space<vmem>> -> memref<1x128x128xf32, #tpu.memory_space<vmem>>
        %gather3A_951 = tpu.memref_squeeze %gather3A_950 : memref<1x128x128xf32, #tpu.memory_space<vmem>> -> memref<128x128xf32, #tpu.memory_space<vmem>>
        %gather3A_952 = tpu.vector_load_idx %gather3A_951[%add3A_751, %add3A_946] : memref<128x128xf32, #tpu.memory_space<vmem>>[vector<16xi32>, vector<16xi32>], vector<16xf32>,
        %scatter3A_953 = arith.constant 1 : i32
        %scatter3A_954 = arith.constant 0 : i32
        %scatter3A_955 = arith.constant 0 : i32
        %scatter3A_956 = tpu.memref_slice %arg7[%scatter3A_953, %scatter3A_954, %scatter3A_955] : memref<2x64x128xf32, #tpu.memory_space<vmem>> -> memref<1x64x128xf32, #tpu.memory_space<vmem>>
        %scatter3A_957 = tpu.memref_squeeze %scatter3A_956 : memref<1x64x128xf32, #tpu.memory_space<vmem>> -> memref<64x128xf32, #tpu.memory_space<vmem>>
        tpu.vector_store_idx %scatter3A_957[%add3A_946, %add3A_751], %gather3A_952 : memref<64x128xf32, #tpu.memory_space<vmem>>[vector<16xi32>, vector<16xi32>], vector<16xf32>,
      }
      %scan3A_389 = arith.constant 32 : i32
      %add3A_390 = arith.addi %mul3A_2, %add3A_359 : i32
      %jit3A_391 = arith.constant 128 : i32
      %div3A_392 = arith.divsi %add3A_390, %jit3A_391 : i32
      %sign3A_393 = arith.constant 0 : i32
      %sign3A_394 = arith.cmpi sgt, %add3A_390, %sign3A_393 : i32
      %sign3A_395 = arith.extui %sign3A_394 : i1 to i32
      %sign3A_396 = arith.constant 0 : i32
      %sign3A_397 = arith.cmpi slt, %add3A_390, %sign3A_396 : i32
      %sign3A_398 = arith.extui %sign3A_397 : i1 to i32
      %sign3A_399 = arith.subi %sign3A_395, %sign3A_398 : i32
      %sign3A_400 = arith.constant 0 : i32
      %sign3A_401 = arith.cmpi sgt, %jit3A_391, %sign3A_400 : i32
      %sign3A_402 = arith.extui %sign3A_401 : i1 to i32
      %sign3A_403 = arith.constant 0 : i32
      %sign3A_404 = arith.cmpi slt, %jit3A_391, %sign3A_403 : i32
      %sign3A_405 = arith.extui %sign3A_404 : i1 to i32
      %sign3A_406 = arith.subi %sign3A_402, %sign3A_405 : i32
      %ne3A_407 = arith.cmpi ne, %sign3A_399, %sign3A_406 : i32
      %rem3A_408 = arith.remsi %add3A_390, %jit3A_391 : i32
      %ne3A_409 = arith.constant 0 : i32
      %ne3A_410 = arith.cmpi ne, %rem3A_408, %ne3A_409 : i32
      %and3A_411 = arith.andi %ne3A_407, %ne3A_410 : i1
      %sub3A_412 = arith.constant 1 : i32
      %sub3A_413 = arith.subi %div3A_392, %sub3A_412 : i32
      %select_n3A_414 = arith.select %and3A_411, %sub3A_413, %div3A_392 : i32
      %jit3A_415 = arith.constant 128 : i32
      %eq3A_416 = arith.constant 0 : i32
      %eq3A_417 = arith.cmpi eq, %jit3A_415, %eq3A_416 : i32
      %jit3A_418 = arith.constant 1 : i32
      %select_n3A_419 = arith.select %eq3A_417, %jit3A_418, %jit3A_415 : i32
      %rem3A_420 = arith.remsi %add3A_390, %select_n3A_419 : i32
      %ne3A_421 = arith.constant 0 : i32
      %ne3A_422 = arith.cmpi ne, %rem3A_420, %ne3A_421 : i32
      %lt3A_423 = arith.constant 0 : i32
      %lt3A_424 = arith.cmpi slt, %rem3A_420, %lt3A_423 : i32
      %lt3A_425 = arith.constant 0 : i32
      %lt3A_426 = arith.cmpi slt, %select_n3A_419, %lt3A_425 : i32
      %ne3A_427 = arith.xori %lt3A_424, %lt3A_426 : i1
      %and3A_428 = arith.andi %ne3A_427, %ne3A_422 : i1
      %add3A_429 = arith.addi %rem3A_420, %select_n3A_419 : i32
      %select_n3A_430 = arith.select %and3A_428, %add3A_429, %rem3A_420 : i32
      %mul3A_431 = arith.constant 128 : i32
      %mul3A_432 = arith.muli %select_n3A_430, %mul3A_431 : i32
      %dma_start3A_433 = arith.constant 1 : i32
      %dma_start3A_434 = arith.constant 1 : i32
      %dma_start3A_435 = arith.constant 0 : i32
      %dma_start3A_436 = arith.constant 0 : i32
      %dma_start3A_437 = tpu.memref_slice %arg7[%dma_start3A_434, %dma_start3A_435, %dma_start3A_436] : memref<2x64x128xf32, #tpu.memory_space<vmem>> -> memref<1x64x128xf32, #tpu.memory_space<vmem>>
      %dma_start3A_438 = arith.constant 0 : i32
      %dma_start3A_439 = tpu.memref_slice %arg4[%select_n3A_414, %dma_start3A_438, %mul3A_432] : memref<50x64x16384xf32, #tpu.memory_space<hbm>> -> memref<1x64x128xf32, #tpu.memory_space<hbm>>
      %dma_start3A_440 = tpu.memref_slice %arg9[%dma_start3A_433] : memref<2x!tpu.dma_semaphore, #tpu.memory_space<semaphore_mem>> -> memref<1x!tpu.dma_semaphore, #tpu.memory_space<semaphore_mem>>
      %dma_start3A_441 = tpu.memref_squeeze %dma_start3A_440 : memref<1x!tpu.dma_semaphore, #tpu.memory_space<semaphore_mem>> -> memref<!tpu.dma_semaphore, #tpu.memory_space<semaphore_mem>>
      %dma_start3A_442 = arith.constant 0 : i32
      %dma_start3A_443 = tpu.memref_slice %arg4[%select_n3A_414, %dma_start3A_442, %mul3A_432] : memref<50x64x16384xf32, #tpu.memory_space<hbm>> -> memref<1x64x128xf32, #tpu.memory_space<hbm>>
      %dma_start3A_444 = arith.constant 1 : i32
      %dma_start3A_445 = arith.constant 0 : i32
      %dma_start3A_446 = arith.constant 0 : i32
      %dma_start3A_447 = tpu.memref_slice %arg7[%dma_start3A_444, %dma_start3A_445, %dma_start3A_446] : memref<2x64x128xf32, #tpu.memory_space<vmem>> -> memref<1x64x128xf32, #tpu.memory_space<vmem>>
      tpu.enqueue_dma source(%dma_start3A_447 : memref<1x64x128xf32, #tpu.memory_space<vmem>>) target(%dma_start3A_443 : memref<1x64x128xf32, #tpu.memory_space<hbm>>) target_semaphore(%dma_start3A_441 : memref<!tpu.dma_semaphore, #tpu.memory_space<semaphore_mem>>)
      %mul3A_448 = arith.constant 4 : i32
      %mul3A_449 = arith.muli %scan3A_255, %mul3A_448 : i32
      %add3A_450 = arith.constant 2 : i32
      %add3A_451 = arith.addi %mul3A_449, %add3A_450 : i32
      %lt3A_452 = arith.constant 49 : i32
      %lt3A_453 = arith.cmpi slt, %scan3A_255, %lt3A_452 : i32
      %convert_element_type3A_454 = arith.extui %lt3A_453 : i1 to i32
      %cond3A_455 = arith.constant 0 : i32
      %cond3A_456 = arith.cmpi ne, %convert_element_type3A_454, %cond3A_455 : i32
      scf.if %cond3A_456 {
        %add3A_742 = arith.constant 3 : i32
        %add3A_743 = arith.addi %add3A_451, %add3A_742 : i32
        %dma_start3A_744 = arith.constant 1 : i32
        %dma_start3A_745 = arith.constant 1 : i32
        %dma_start3A_746 = arith.constant 0 : i32
        %dma_start3A_747 = arith.constant 0 : i32
        %dma_start3A_748 = tpu.memref_slice %arg6[%dma_start3A_744, %dma_start3A_746, %dma_start3A_747] : memref<4x128x128xf32, #tpu.memory_space<vmem>> -> memref<1x128x128xf32, #tpu.memory_space<vmem>>
        %dma_start3A_749 = tpu.memref_squeeze %dma_start3A_748 : memref<1x128x128xf32, #tpu.memory_space<vmem>> -> memref<128x128xf32, #tpu.memory_space<vmem>>
        %dma_start3A_750 = arith.constant 0 : i32
        %dma_start3A_751 = tpu.memref_slice %arg5[%add3A_743, %dma_start3A_750] : memref<200x128xi32, #tpu.memory_space<vmem>> -> memref<1x128xi32, #tpu.memory_space<vmem>>
        %dma_start3A_752 = tpu.memref_squeeze %dma_start3A_751 : memref<1x128xi32, #tpu.memory_space<vmem>> -> memref<128xi32, #tpu.memory_space<vmem>>
        %dma_start3A_753 = arith.constant 0 : i32
        %dma_start3A_754 = arith.constant 0 : i32
        %dma_start3A_755 = tpu.memref_slice %arg3[%dma_start3A_753, %dma_start3A_754] : memref<1000000x128xf32, #tpu.memory_space<hbm>> -> memref<1000000x128xf32, #tpu.memory_space<hbm>>
        %dma_start3A_756 = tpu.memref_slice %arg8[%dma_start3A_745] : memref<4x!tpu.dma_semaphore, #tpu.memory_space<semaphore_mem>> -> memref<1x!tpu.dma_semaphore, #tpu.memory_space<semaphore_mem>>
        %dma_start3A_757 = tpu.memref_squeeze %dma_start3A_756 : memref<1x!tpu.dma_semaphore, #tpu.memory_space<semaphore_mem>> -> memref<!tpu.dma_semaphore, #tpu.memory_space<semaphore_mem>>
        tpu.enqueue_indirect_dma source(%dma_start3A_755 : memref<1000000x128xf32, #tpu.memory_space<hbm>>) target(%dma_start3A_749 : memref<128x128xf32, #tpu.memory_space<vmem>>) offsets(%dma_start3A_752 : memref<128xi32, #tpu.memory_space<vmem>>) semaphore(%dma_start3A_757 : memref<!tpu.dma_semaphore, #tpu.memory_space<semaphore_mem>>)
      } else {
      }
      %dma_wait3A_457 = arith.constant 2 : i32
      %dma_wait3A_458 = arith.constant 2 : i32
      %dma_wait3A_459 = arith.constant 0 : i32
      %dma_wait3A_460 = arith.constant 0 : i32
      %dma_wait3A_461 = tpu.memref_slice %arg6[%dma_wait3A_457, %dma_wait3A_459, %dma_wait3A_460] : memref<4x128x128xf32, #tpu.memory_space<vmem>> -> memref<1x128x128xf32, #tpu.memory_space<vmem>>
      %dma_wait3A_462 = tpu.memref_squeeze %dma_wait3A_461 : memref<1x128x128xf32, #tpu.memory_space<vmem>> -> memref<128x128xf32, #tpu.memory_space<vmem>>
      %dma_wait3A_463 = arith.constant 0 : i32
      %dma_wait3A_464 = tpu.memref_slice %arg5[%add3A_451, %dma_wait3A_463] : memref<200x128xi32, #tpu.memory_space<vmem>> -> memref<1x128xi32, #tpu.memory_space<vmem>>
      %dma_wait3A_465 = tpu.memref_squeeze %dma_wait3A_464 : memref<1x128xi32, #tpu.memory_space<vmem>> -> memref<128xi32, #tpu.memory_space<vmem>>
      %dma_wait3A_466 = arith.constant 0 : i32
      %dma_wait3A_467 = arith.constant 0 : i32
      %dma_wait3A_468 = tpu.memref_slice %arg3[%dma_wait3A_466, %dma_wait3A_467] : memref<1000000x128xf32, #tpu.memory_space<hbm>> -> memref<1000000x128xf32, #tpu.memory_space<hbm>>
      %dma_wait3A_469 = tpu.memref_slice %arg8[%dma_wait3A_458] : memref<4x!tpu.dma_semaphore, #tpu.memory_space<semaphore_mem>> -> memref<1x!tpu.dma_semaphore, #tpu.memory_space<semaphore_mem>>
      %dma_wait3A_470 = tpu.memref_squeeze %dma_wait3A_469 : memref<1x!tpu.dma_semaphore, #tpu.memory_space<semaphore_mem>> -> memref<!tpu.dma_semaphore, #tpu.memory_space<semaphore_mem>>
      tpu.wait_indirect_dma semaphore(%dma_wait3A_470 : memref<!tpu.dma_semaphore, #tpu.memory_space<semaphore_mem>>) src(%dma_wait3A_468 : memref<1000000x128xf32, #tpu.memory_space<hbm>>) dst(%dma_wait3A_462 : memref<128x128xf32, #tpu.memory_space<vmem>>)
      %sub3A_471 = arith.constant 2 : i32
      %sub3A_472 = arith.subi %add3A_451, %sub3A_471 : i32
      %add3A_473 = arith.addi %mul3A_2, %sub3A_472 : i32
      %jit3A_474 = arith.constant 128 : i32
      %div3A_475 = arith.divsi %add3A_473, %jit3A_474 : i32
      %sign3A_476 = arith.constant 0 : i32
      %sign3A_477 = arith.cmpi sgt, %add3A_473, %sign3A_476 : i32
      %sign3A_478 = arith.extui %sign3A_477 : i1 to i32
      %sign3A_479 = arith.constant 0 : i32
      %sign3A_480 = arith.cmpi slt, %add3A_473, %sign3A_479 : i32
      %sign3A_481 = arith.extui %sign3A_480 : i1 to i32
      %sign3A_482 = arith.subi %sign3A_478, %sign3A_481 : i32
      %sign3A_483 = arith.constant 0 : i32
      %sign3A_484 = arith.cmpi sgt, %jit3A_474, %sign3A_483 : i32
      %sign3A_485 = arith.extui %sign3A_484 : i1 to i32
      %sign3A_486 = arith.constant 0 : i32
      %sign3A_487 = arith.cmpi slt, %jit3A_474, %sign3A_486 : i32
      %sign3A_488 = arith.extui %sign3A_487 : i1 to i32
      %sign3A_489 = arith.subi %sign3A_485, %sign3A_488 : i32
      %ne3A_490 = arith.cmpi ne, %sign3A_482, %sign3A_489 : i32
      %rem3A_491 = arith.remsi %add3A_473, %jit3A_474 : i32
      %ne3A_492 = arith.constant 0 : i32
      %ne3A_493 = arith.cmpi ne, %rem3A_491, %ne3A_492 : i32
      %and3A_494 = arith.andi %ne3A_490, %ne3A_493 : i1
      %sub3A_495 = arith.constant 1 : i32
      %sub3A_496 = arith.subi %div3A_475, %sub3A_495 : i32
      %select_n3A_497 = arith.select %and3A_494, %sub3A_496, %div3A_475 : i32
      %jit3A_498 = arith.constant 128 : i32
      %eq3A_499 = arith.constant 0 : i32
      %eq3A_500 = arith.cmpi eq, %jit3A_498, %eq3A_499 : i32
      %jit3A_501 = arith.constant 1 : i32
      %select_n3A_502 = arith.select %eq3A_500, %jit3A_501, %jit3A_498 : i32
      %rem3A_503 = arith.remsi %add3A_473, %select_n3A_502 : i32
      %ne3A_504 = arith.constant 0 : i32
      %ne3A_505 = arith.cmpi ne, %rem3A_503, %ne3A_504 : i32
      %lt3A_506 = arith.constant 0 : i32
      %lt3A_507 = arith.cmpi slt, %rem3A_503, %lt3A_506 : i32
      %lt3A_508 = arith.constant 0 : i32
      %lt3A_509 = arith.cmpi slt, %select_n3A_502, %lt3A_508 : i32
      %ne3A_510 = arith.xori %lt3A_507, %lt3A_509 : i1
      %and3A_511 = arith.andi %ne3A_510, %ne3A_505 : i1
      %add3A_512 = arith.addi %rem3A_503, %select_n3A_502 : i32
      %select_n3A_513 = arith.select %and3A_511, %add3A_512, %rem3A_503 : i32
      %mul3A_514 = arith.constant 128 : i32
      %mul3A_515 = arith.muli %select_n3A_513, %mul3A_514 : i32
      %dma_wait3A_516 = arith.constant 0 : i32
      %dma_wait3A_517 = arith.constant 0 : i32
      %dma_wait3A_518 = arith.constant 0 : i32
      %dma_wait3A_519 = arith.constant 0 : i32
      %dma_wait3A_520 = tpu.memref_slice %arg7[%dma_wait3A_517, %dma_wait3A_518, %dma_wait3A_519] : memref<2x64x128xf32, #tpu.memory_space<vmem>> -> memref<1x64x128xf32, #tpu.memory_space<vmem>>
      %dma_wait3A_521 = arith.constant 0 : i32
      %dma_wait3A_522 = tpu.memref_slice %arg4[%select_n3A_497, %dma_wait3A_521, %mul3A_515] : memref<50x64x16384xf32, #tpu.memory_space<hbm>> -> memref<1x64x128xf32, #tpu.memory_space<hbm>>
      %dma_wait3A_523 = tpu.memref_slice %arg9[%dma_wait3A_516] : memref<2x!tpu.dma_semaphore, #tpu.memory_space<semaphore_mem>> -> memref<1x!tpu.dma_semaphore, #tpu.memory_space<semaphore_mem>>
      %dma_wait3A_524 = tpu.memref_squeeze %dma_wait3A_523 : memref<1x!tpu.dma_semaphore, #tpu.memory_space<semaphore_mem>> -> memref<!tpu.dma_semaphore, #tpu.memory_space<semaphore_mem>>
      %dma_wait3A_525 = arith.constant 0 : i32
      %dma_wait3A_526 = tpu.memref_slice %arg4[%select_n3A_497, %dma_wait3A_525, %mul3A_515] : memref<50x64x16384xf32, #tpu.memory_space<hbm>> -> memref<1x64x128xf32, #tpu.memory_space<hbm>>
      %dma_wait3A_527 = arith.constant 0 : i32
      %dma_wait3A_528 = arith.constant 0 : i32
      %dma_wait3A_529 = arith.constant 0 : i32
      %dma_wait3A_530 = tpu.memref_slice %arg7[%dma_wait3A_527, %dma_wait3A_528, %dma_wait3A_529] : memref<2x64x128xf32, #tpu.memory_space<vmem>> -> memref<1x64x128xf32, #tpu.memory_space<vmem>>
      tpu.wait_dma2 semaphore(%dma_wait3A_524 : memref<!tpu.dma_semaphore, #tpu.memory_space<semaphore_mem>>) src(%dma_wait3A_530 : memref<1x64x128xf32, #tpu.memory_space<vmem>>) dst(%dma_wait3A_526 : memref<1x64x128xf32, #tpu.memory_space<hbm>>)
      %scan3A_531 = arith.constant 0 : i32
      %scan3A_532 = arith.constant 0 : i32
      %scan3A_533 = arith.constant 32 : i32
      %scan3A_534 = arith.addi %scan3A_532, %scan3A_533 : i32
      %scan3A_535 = arith.constant 1 : i32
      scf.for %scan3A_742 = %scan3A_532 to %scan3A_534 step %scan3A_535  : i32 {
        %and3A_743 = arith.constant 7 : i32
        %and3A_744 = arith.andi %scan3A_742, %and3A_743 : i32
        %mul3A_745 = arith.constant 16 : i32
        %mul3A_746 = arith.muli %and3A_744, %mul3A_745 : i32
        %shift_right_arithmetic3A = arith.constant 3 : i32
        %shift_right_arithmetic3A_747 = arith.shrsi %scan3A_742, %shift_right_arithmetic3A : i32
        %mul3A_748 = arith.constant 16 : i32
        %mul3A_749 = arith.muli %shift_right_arithmetic3A_747, %mul3A_748 : i32
        %add3A_750 = vector.broadcast %mul3A_746 : i32 to vector<16xi32>
        %add3A_751 = arith.addi %iota3A, %add3A_750 : vector<16xi32>
        %add3A_752 = vector.broadcast %mul3A_749 : i32 to vector<16xi32>
        %add3A_753 = arith.addi %and3A_7, %add3A_752 : vector<16xi32>
        %gather3A = arith.constant 2 : i32
        %gather3A_754 = arith.constant 0 : i32
        %gather3A_755 = arith.constant 0 : i32
        %gather3A_756 = tpu.memref_slice %arg6[%gather3A, %gather3A_754, %gather3A_755] : memref<4x128x128xf32, #tpu.memory_space<vmem>> -> memref<1x128x128xf32, #tpu.memory_space<vmem>>
        %gather3A_757 = tpu.memref_squeeze %gather3A_756 : memref<1x128x128xf32, #tpu.memory_space<vmem>> -> memref<128x128xf32, #tpu.memory_space<vmem>>
        %gather3A_758 = tpu.vector_load_idx %gather3A_757[%add3A_751, %add3A_753] : memref<128x128xf32, #tpu.memory_space<vmem>>[vector<16xi32>, vector<16xi32>], vector<16xf32>,
        %scatter3A = arith.constant 0 : i32
        %scatter3A_759 = arith.constant 0 : i32
        %scatter3A_760 = arith.constant 0 : i32
        %scatter3A_761 = tpu.memref_slice %arg7[%scatter3A, %scatter3A_759, %scatter3A_760] : memref<2x64x128xf32, #tpu.memory_space<vmem>> -> memref<1x64x128xf32, #tpu.memory_space<vmem>>
        %scatter3A_762 = tpu.memref_squeeze %scatter3A_761 : memref<1x64x128xf32, #tpu.memory_space<vmem>> -> memref<64x128xf32, #tpu.memory_space<vmem>>
        tpu.vector_store_idx %scatter3A_762[%add3A_753, %add3A_751], %gather3A_758 : memref<64x128xf32, #tpu.memory_space<vmem>>[vector<16xi32>, vector<16xi32>], vector<16xf32>,
        %add3A_763 = vector.broadcast %mul3A_749 : i32 to vector<16xi32>
        %add3A_764 = arith.addi %and3A_13, %add3A_763 : vector<16xi32>
        %gather3A_765 = arith.constant 2 : i32
        %gather3A_766 = arith.constant 0 : i32
        %gather3A_767 = arith.constant 0 : i32
        %gather3A_768 = tpu.memref_slice %arg6[%gather3A_765, %gather3A_766, %gather3A_767] : memref<4x128x128xf32, #tpu.memory_space<vmem>> -> memref<1x128x128xf32, #tpu.memory_space<vmem>>
        %gather3A_769 = tpu.memref_squeeze %gather3A_768 : memref<1x128x128xf32, #tpu.memory_space<vmem>> -> memref<128x128xf32, #tpu.memory_space<vmem>>
        %gather3A_770 = tpu.vector_load_idx %gather3A_769[%add3A_751, %add3A_764] : memref<128x128xf32, #tpu.memory_space<vmem>>[vector<16xi32>, vector<16xi32>], vector<16xf32>,
        %scatter3A_771 = arith.constant 0 : i32
        %scatter3A_772 = arith.constant 0 : i32
        %scatter3A_773 = arith.constant 0 : i32
        %scatter3A_774 = tpu.memref_slice %arg7[%scatter3A_771, %scatter3A_772, %scatter3A_773] : memref<2x64x128xf32, #tpu.memory_space<vmem>> -> memref<1x64x128xf32, #tpu.memory_space<vmem>>
        %scatter3A_775 = tpu.memref_squeeze %scatter3A_774 : memref<1x64x128xf32, #tpu.memory_space<vmem>> -> memref<64x128xf32, #tpu.memory_space<vmem>>
        tpu.vector_store_idx %scatter3A_775[%add3A_764, %add3A_751], %gather3A_770 : memref<64x128xf32, #tpu.memory_space<vmem>>[vector<16xi32>, vector<16xi32>], vector<16xf32>,
        %add3A_776 = vector.broadcast %mul3A_749 : i32 to vector<16xi32>
        %add3A_777 = arith.addi %and3A_19, %add3A_776 : vector<16xi32>
        %gather3A_778 = arith.constant 2 : i32
        %gather3A_779 = arith.constant 0 : i32
        %gather3A_780 = arith.constant 0 : i32
        %gather3A_781 = tpu.memref_slice %arg6[%gather3A_778, %gather3A_779, %gather3A_780] : memref<4x128x128xf32, #tpu.memory_space<vmem>> -> memref<1x128x128xf32, #tpu.memory_space<vmem>>
        %gather3A_782 = tpu.memref_squeeze %gather3A_781 : memref<1x128x128xf32, #tpu.memory_space<vmem>> -> memref<128x128xf32, #tpu.memory_space<vmem>>
        %gather3A_783 = tpu.vector_load_idx %gather3A_782[%add3A_751, %add3A_777] : memref<128x128xf32, #tpu.memory_space<vmem>>[vector<16xi32>, vector<16xi32>], vector<16xf32>,
        %scatter3A_784 = arith.constant 0 : i32
        %scatter3A_785 = arith.constant 0 : i32
        %scatter3A_786 = arith.constant 0 : i32
        %scatter3A_787 = tpu.memref_slice %arg7[%scatter3A_784, %scatter3A_785, %scatter3A_786] : memref<2x64x128xf32, #tpu.memory_space<vmem>> -> memref<1x64x128xf32, #tpu.memory_space<vmem>>
        %scatter3A_788 = tpu.memref_squeeze %scatter3A_787 : memref<1x64x128xf32, #tpu.memory_space<vmem>> -> memref<64x128xf32, #tpu.memory_space<vmem>>
        tpu.vector_store_idx %scatter3A_788[%add3A_777, %add3A_751], %gather3A_783 : memref<64x128xf32, #tpu.memory_space<vmem>>[vector<16xi32>, vector<16xi32>], vector<16xf32>,
        %add3A_789 = vector.broadcast %mul3A_749 : i32 to vector<16xi32>
        %add3A_790 = arith.addi %and3A_25, %add3A_789 : vector<16xi32>
        %gather3A_791 = arith.constant 2 : i32
        %gather3A_792 = arith.constant 0 : i32
        %gather3A_793 = arith.constant 0 : i32
        %gather3A_794 = tpu.memref_slice %arg6[%gather3A_791, %gather3A_792, %gather3A_793] : memref<4x128x128xf32, #tpu.memory_space<vmem>> -> memref<1x128x128xf32, #tpu.memory_space<vmem>>
        %gather3A_795 = tpu.memref_squeeze %gather3A_794 : memref<1x128x128xf32, #tpu.memory_space<vmem>> -> memref<128x128xf32, #tpu.memory_space<vmem>>
        %gather3A_796 = tpu.vector_load_idx %gather3A_795[%add3A_751, %add3A_790] : memref<128x128xf32, #tpu.memory_space<vmem>>[vector<16xi32>, vector<16xi32>], vector<16xf32>,
        %scatter3A_797 = arith.constant 0 : i32
        %scatter3A_798 = arith.constant 0 : i32
        %scatter3A_799 = arith.constant 0 : i32
        %scatter3A_800 = tpu.memref_slice %arg7[%scatter3A_797, %scatter3A_798, %scatter3A_799] : memref<2x64x128xf32, #tpu.memory_space<vmem>> -> memref<1x64x128xf32, #tpu.memory_space<vmem>>
        %scatter3A_801 = tpu.memref_squeeze %scatter3A_800 : memref<1x64x128xf32, #tpu.memory_space<vmem>> -> memref<64x128xf32, #tpu.memory_space<vmem>>
        tpu.vector_store_idx %scatter3A_801[%add3A_790, %add3A_751], %gather3A_796 : memref<64x128xf32, #tpu.memory_space<vmem>>[vector<16xi32>, vector<16xi32>], vector<16xf32>,
        %add3A_802 = vector.broadcast %mul3A_749 : i32 to vector<16xi32>
        %add3A_803 = arith.addi %and3A_31, %add3A_802 : vector<16xi32>
        %gather3A_804 = arith.constant 2 : i32
        %gather3A_805 = arith.constant 0 : i32
        %gather3A_806 = arith.constant 0 : i32
        %gather3A_807 = tpu.memref_slice %arg6[%gather3A_804, %gather3A_805, %gather3A_806] : memref<4x128x128xf32, #tpu.memory_space<vmem>> -> memref<1x128x128xf32, #tpu.memory_space<vmem>>
        %gather3A_808 = tpu.memref_squeeze %gather3A_807 : memref<1x128x128xf32, #tpu.memory_space<vmem>> -> memref<128x128xf32, #tpu.memory_space<vmem>>
        %gather3A_809 = tpu.vector_load_idx %gather3A_808[%add3A_751, %add3A_803] : memref<128x128xf32, #tpu.memory_space<vmem>>[vector<16xi32>, vector<16xi32>], vector<16xf32>,
        %scatter3A_810 = arith.constant 0 : i32
        %scatter3A_811 = arith.constant 0 : i32
        %scatter3A_812 = arith.constant 0 : i32
        %scatter3A_813 = tpu.memref_slice %arg7[%scatter3A_810, %scatter3A_811, %scatter3A_812] : memref<2x64x128xf32, #tpu.memory_space<vmem>> -> memref<1x64x128xf32, #tpu.memory_space<vmem>>
        %scatter3A_814 = tpu.memref_squeeze %scatter3A_813 : memref<1x64x128xf32, #tpu.memory_space<vmem>> -> memref<64x128xf32, #tpu.memory_space<vmem>>
        tpu.vector_store_idx %scatter3A_814[%add3A_803, %add3A_751], %gather3A_809 : memref<64x128xf32, #tpu.memory_space<vmem>>[vector<16xi32>, vector<16xi32>], vector<16xf32>,
        %add3A_815 = vector.broadcast %mul3A_749 : i32 to vector<16xi32>
        %add3A_816 = arith.addi %and3A_37, %add3A_815 : vector<16xi32>
        %gather3A_817 = arith.constant 2 : i32
        %gather3A_818 = arith.constant 0 : i32
        %gather3A_819 = arith.constant 0 : i32
        %gather3A_820 = tpu.memref_slice %arg6[%gather3A_817, %gather3A_818, %gather3A_819] : memref<4x128x128xf32, #tpu.memory_space<vmem>> -> memref<1x128x128xf32, #tpu.memory_space<vmem>>
        %gather3A_821 = tpu.memref_squeeze %gather3A_820 : memref<1x128x128xf32, #tpu.memory_space<vmem>> -> memref<128x128xf32, #tpu.memory_space<vmem>>
        %gather3A_822 = tpu.vector_load_idx %gather3A_821[%add3A_751, %add3A_816] : memref<128x128xf32, #tpu.memory_space<vmem>>[vector<16xi32>, vector<16xi32>], vector<16xf32>,
        %scatter3A_823 = arith.constant 0 : i32
        %scatter3A_824 = arith.constant 0 : i32
        %scatter3A_825 = arith.constant 0 : i32
        %scatter3A_826 = tpu.memref_slice %arg7[%scatter3A_823, %scatter3A_824, %scatter3A_825] : memref<2x64x128xf32, #tpu.memory_space<vmem>> -> memref<1x64x128xf32, #tpu.memory_space<vmem>>
        %scatter3A_827 = tpu.memref_squeeze %scatter3A_826 : memref<1x64x128xf32, #tpu.memory_space<vmem>> -> memref<64x128xf32, #tpu.memory_space<vmem>>
        tpu.vector_store_idx %scatter3A_827[%add3A_816, %add3A_751], %gather3A_822 : memref<64x128xf32, #tpu.memory_space<vmem>>[vector<16xi32>, vector<16xi32>], vector<16xf32>,
        %add3A_828 = vector.broadcast %mul3A_749 : i32 to vector<16xi32>
        %add3A_829 = arith.addi %and3A_43, %add3A_828 : vector<16xi32>
        %gather3A_830 = arith.constant 2 : i32
        %gather3A_831 = arith.constant 0 : i32
        %gather3A_832 = arith.constant 0 : i32
        %gather3A_833 = tpu.memref_slice %arg6[%gather3A_830, %gather3A_831, %gather3A_832] : memref<4x128x128xf32, #tpu.memory_space<vmem>> -> memref<1x128x128xf32, #tpu.memory_space<vmem>>
        %gather3A_834 = tpu.memref_squeeze %gather3A_833 : memref<1x128x128xf32, #tpu.memory_space<vmem>> -> memref<128x128xf32, #tpu.memory_space<vmem>>
        %gather3A_835 = tpu.vector_load_idx %gather3A_834[%add3A_751, %add3A_829] : memref<128x128xf32, #tpu.memory_space<vmem>>[vector<16xi32>, vector<16xi32>], vector<16xf32>,
        %scatter3A_836 = arith.constant 0 : i32
        %scatter3A_837 = arith.constant 0 : i32
        %scatter3A_838 = arith.constant 0 : i32
        %scatter3A_839 = tpu.memref_slice %arg7[%scatter3A_836, %scatter3A_837, %scatter3A_838] : memref<2x64x128xf32, #tpu.memory_space<vmem>> -> memref<1x64x128xf32, #tpu.memory_space<vmem>>
        %scatter3A_840 = tpu.memref_squeeze %scatter3A_839 : memref<1x64x128xf32, #tpu.memory_space<vmem>> -> memref<64x128xf32, #tpu.memory_space<vmem>>
        tpu.vector_store_idx %scatter3A_840[%add3A_829, %add3A_751], %gather3A_835 : memref<64x128xf32, #tpu.memory_space<vmem>>[vector<16xi32>, vector<16xi32>], vector<16xf32>,
        %add3A_841 = vector.broadcast %mul3A_749 : i32 to vector<16xi32>
        %add3A_842 = arith.addi %and3A_49, %add3A_841 : vector<16xi32>
        %gather3A_843 = arith.constant 2 : i32
        %gather3A_844 = arith.constant 0 : i32
        %gather3A_845 = arith.constant 0 : i32
        %gather3A_846 = tpu.memref_slice %arg6[%gather3A_843, %gather3A_844, %gather3A_845] : memref<4x128x128xf32, #tpu.memory_space<vmem>> -> memref<1x128x128xf32, #tpu.memory_space<vmem>>
        %gather3A_847 = tpu.memref_squeeze %gather3A_846 : memref<1x128x128xf32, #tpu.memory_space<vmem>> -> memref<128x128xf32, #tpu.memory_space<vmem>>
        %gather3A_848 = tpu.vector_load_idx %gather3A_847[%add3A_751, %add3A_842] : memref<128x128xf32, #tpu.memory_space<vmem>>[vector<16xi32>, vector<16xi32>], vector<16xf32>,
        %scatter3A_849 = arith.constant 0 : i32
        %scatter3A_850 = arith.constant 0 : i32
        %scatter3A_851 = arith.constant 0 : i32
        %scatter3A_852 = tpu.memref_slice %arg7[%scatter3A_849, %scatter3A_850, %scatter3A_851] : memref<2x64x128xf32, #tpu.memory_space<vmem>> -> memref<1x64x128xf32, #tpu.memory_space<vmem>>
        %scatter3A_853 = tpu.memref_squeeze %scatter3A_852 : memref<1x64x128xf32, #tpu.memory_space<vmem>> -> memref<64x128xf32, #tpu.memory_space<vmem>>
        tpu.vector_store_idx %scatter3A_853[%add3A_842, %add3A_751], %gather3A_848 : memref<64x128xf32, #tpu.memory_space<vmem>>[vector<16xi32>, vector<16xi32>], vector<16xf32>,
        %add3A_854 = vector.broadcast %mul3A_749 : i32 to vector<16xi32>
        %add3A_855 = arith.addi %and3A_55, %add3A_854 : vector<16xi32>
        %gather3A_856 = arith.constant 2 : i32
        %gather3A_857 = arith.constant 0 : i32
        %gather3A_858 = arith.constant 0 : i32
        %gather3A_859 = tpu.memref_slice %arg6[%gather3A_856, %gather3A_857, %gather3A_858] : memref<4x128x128xf32, #tpu.memory_space<vmem>> -> memref<1x128x128xf32, #tpu.memory_space<vmem>>
        %gather3A_860 = tpu.memref_squeeze %gather3A_859 : memref<1x128x128xf32, #tpu.memory_space<vmem>> -> memref<128x128xf32, #tpu.memory_space<vmem>>
        %gather3A_861 = tpu.vector_load_idx %gather3A_860[%add3A_751, %add3A_855] : memref<128x128xf32, #tpu.memory_space<vmem>>[vector<16xi32>, vector<16xi32>], vector<16xf32>,
        %scatter3A_862 = arith.constant 0 : i32
        %scatter3A_863 = arith.constant 0 : i32
        %scatter3A_864 = arith.constant 0 : i32
        %scatter3A_865 = tpu.memref_slice %arg7[%scatter3A_862, %scatter3A_863, %scatter3A_864] : memref<2x64x128xf32, #tpu.memory_space<vmem>> -> memref<1x64x128xf32, #tpu.memory_space<vmem>>
        %scatter3A_866 = tpu.memref_squeeze %scatter3A_865 : memref<1x64x128xf32, #tpu.memory_space<vmem>> -> memref<64x128xf32, #tpu.memory_space<vmem>>
        tpu.vector_store_idx %scatter3A_866[%add3A_855, %add3A_751], %gather3A_861 : memref<64x128xf32, #tpu.memory_space<vmem>>[vector<16xi32>, vector<16xi32>], vector<16xf32>,
        %add3A_867 = vector.broadcast %mul3A_749 : i32 to vector<16xi32>
        %add3A_868 = arith.addi %and3A_61, %add3A_867 : vector<16xi32>
        %gather3A_869 = arith.constant 2 : i32
        %gather3A_870 = arith.constant 0 : i32
        %gather3A_871 = arith.constant 0 : i32
        %gather3A_872 = tpu.memref_slice %arg6[%gather3A_869, %gather3A_870, %gather3A_871] : memref<4x128x128xf32, #tpu.memory_space<vmem>> -> memref<1x128x128xf32, #tpu.memory_space<vmem>>
        %gather3A_873 = tpu.memref_squeeze %gather3A_872 : memref<1x128x128xf32, #tpu.memory_space<vmem>> -> memref<128x128xf32, #tpu.memory_space<vmem>>
        %gather3A_874 = tpu.vector_load_idx %gather3A_873[%add3A_751, %add3A_868] : memref<128x128xf32, #tpu.memory_space<vmem>>[vector<16xi32>, vector<16xi32>], vector<16xf32>,
        %scatter3A_875 = arith.constant 0 : i32
        %scatter3A_876 = arith.constant 0 : i32
        %scatter3A_877 = arith.constant 0 : i32
        %scatter3A_878 = tpu.memref_slice %arg7[%scatter3A_875, %scatter3A_876, %scatter3A_877] : memref<2x64x128xf32, #tpu.memory_space<vmem>> -> memref<1x64x128xf32, #tpu.memory_space<vmem>>
        %scatter3A_879 = tpu.memref_squeeze %scatter3A_878 : memref<1x64x128xf32, #tpu.memory_space<vmem>> -> memref<64x128xf32, #tpu.memory_space<vmem>>
        tpu.vector_store_idx %scatter3A_879[%add3A_868, %add3A_751], %gather3A_874 : memref<64x128xf32, #tpu.memory_space<vmem>>[vector<16xi32>, vector<16xi32>], vector<16xf32>,
        %add3A_880 = vector.broadcast %mul3A_749 : i32 to vector<16xi32>
        %add3A_881 = arith.addi %and3A_67, %add3A_880 : vector<16xi32>
        %gather3A_882 = arith.constant 2 : i32
        %gather3A_883 = arith.constant 0 : i32
        %gather3A_884 = arith.constant 0 : i32
        %gather3A_885 = tpu.memref_slice %arg6[%gather3A_882, %gather3A_883, %gather3A_884] : memref<4x128x128xf32, #tpu.memory_space<vmem>> -> memref<1x128x128xf32, #tpu.memory_space<vmem>>
        %gather3A_886 = tpu.memref_squeeze %gather3A_885 : memref<1x128x128xf32, #tpu.memory_space<vmem>> -> memref<128x128xf32, #tpu.memory_space<vmem>>
        %gather3A_887 = tpu.vector_load_idx %gather3A_886[%add3A_751, %add3A_881] : memref<128x128xf32, #tpu.memory_space<vmem>>[vector<16xi32>, vector<16xi32>], vector<16xf32>,
        %scatter3A_888 = arith.constant 0 : i32
        %scatter3A_889 = arith.constant 0 : i32
        %scatter3A_890 = arith.constant 0 : i32
        %scatter3A_891 = tpu.memref_slice %arg7[%scatter3A_888, %scatter3A_889, %scatter3A_890] : memref<2x64x128xf32, #tpu.memory_space<vmem>> -> memref<1x64x128xf32, #tpu.memory_space<vmem>>
        %scatter3A_892 = tpu.memref_squeeze %scatter3A_891 : memref<1x64x128xf32, #tpu.memory_space<vmem>> -> memref<64x128xf32, #tpu.memory_space<vmem>>
        tpu.vector_store_idx %scatter3A_892[%add3A_881, %add3A_751], %gather3A_887 : memref<64x128xf32, #tpu.memory_space<vmem>>[vector<16xi32>, vector<16xi32>], vector<16xf32>,
        %add3A_893 = vector.broadcast %mul3A_749 : i32 to vector<16xi32>
        %add3A_894 = arith.addi %and3A_73, %add3A_893 : vector<16xi32>
        %gather3A_895 = arith.constant 2 : i32
        %gather3A_896 = arith.constant 0 : i32
        %gather3A_897 = arith.constant 0 : i32
        %gather3A_898 = tpu.memref_slice %arg6[%gather3A_895, %gather3A_896, %gather3A_897] : memref<4x128x128xf32, #tpu.memory_space<vmem>> -> memref<1x128x128xf32, #tpu.memory_space<vmem>>
        %gather3A_899 = tpu.memref_squeeze %gather3A_898 : memref<1x128x128xf32, #tpu.memory_space<vmem>> -> memref<128x128xf32, #tpu.memory_space<vmem>>
        %gather3A_900 = tpu.vector_load_idx %gather3A_899[%add3A_751, %add3A_894] : memref<128x128xf32, #tpu.memory_space<vmem>>[vector<16xi32>, vector<16xi32>], vector<16xf32>,
        %scatter3A_901 = arith.constant 0 : i32
        %scatter3A_902 = arith.constant 0 : i32
        %scatter3A_903 = arith.constant 0 : i32
        %scatter3A_904 = tpu.memref_slice %arg7[%scatter3A_901, %scatter3A_902, %scatter3A_903] : memref<2x64x128xf32, #tpu.memory_space<vmem>> -> memref<1x64x128xf32, #tpu.memory_space<vmem>>
        %scatter3A_905 = tpu.memref_squeeze %scatter3A_904 : memref<1x64x128xf32, #tpu.memory_space<vmem>> -> memref<64x128xf32, #tpu.memory_space<vmem>>
        tpu.vector_store_idx %scatter3A_905[%add3A_894, %add3A_751], %gather3A_900 : memref<64x128xf32, #tpu.memory_space<vmem>>[vector<16xi32>, vector<16xi32>], vector<16xf32>,
        %add3A_906 = vector.broadcast %mul3A_749 : i32 to vector<16xi32>
        %add3A_907 = arith.addi %and3A_79, %add3A_906 : vector<16xi32>
        %gather3A_908 = arith.constant 2 : i32
        %gather3A_909 = arith.constant 0 : i32
        %gather3A_910 = arith.constant 0 : i32
        %gather3A_911 = tpu.memref_slice %arg6[%gather3A_908, %gather3A_909, %gather3A_910] : memref<4x128x128xf32, #tpu.memory_space<vmem>> -> memref<1x128x128xf32, #tpu.memory_space<vmem>>
        %gather3A_912 = tpu.memref_squeeze %gather3A_911 : memref<1x128x128xf32, #tpu.memory_space<vmem>> -> memref<128x128xf32, #tpu.memory_space<vmem>>
        %gather3A_913 = tpu.vector_load_idx %gather3A_912[%add3A_751, %add3A_907] : memref<128x128xf32, #tpu.memory_space<vmem>>[vector<16xi32>, vector<16xi32>], vector<16xf32>,
        %scatter3A_914 = arith.constant 0 : i32
        %scatter3A_915 = arith.constant 0 : i32
        %scatter3A_916 = arith.constant 0 : i32
        %scatter3A_917 = tpu.memref_slice %arg7[%scatter3A_914, %scatter3A_915, %scatter3A_916] : memref<2x64x128xf32, #tpu.memory_space<vmem>> -> memref<1x64x128xf32, #tpu.memory_space<vmem>>
        %scatter3A_918 = tpu.memref_squeeze %scatter3A_917 : memref<1x64x128xf32, #tpu.memory_space<vmem>> -> memref<64x128xf32, #tpu.memory_space<vmem>>
        tpu.vector_store_idx %scatter3A_918[%add3A_907, %add3A_751], %gather3A_913 : memref<64x128xf32, #tpu.memory_space<vmem>>[vector<16xi32>, vector<16xi32>], vector<16xf32>,
        %add3A_919 = vector.broadcast %mul3A_749 : i32 to vector<16xi32>
        %add3A_920 = arith.addi %and3A_85, %add3A_919 : vector<16xi32>
        %gather3A_921 = arith.constant 2 : i32
        %gather3A_922 = arith.constant 0 : i32
        %gather3A_923 = arith.constant 0 : i32
        %gather3A_924 = tpu.memref_slice %arg6[%gather3A_921, %gather3A_922, %gather3A_923] : memref<4x128x128xf32, #tpu.memory_space<vmem>> -> memref<1x128x128xf32, #tpu.memory_space<vmem>>
        %gather3A_925 = tpu.memref_squeeze %gather3A_924 : memref<1x128x128xf32, #tpu.memory_space<vmem>> -> memref<128x128xf32, #tpu.memory_space<vmem>>
        %gather3A_926 = tpu.vector_load_idx %gather3A_925[%add3A_751, %add3A_920] : memref<128x128xf32, #tpu.memory_space<vmem>>[vector<16xi32>, vector<16xi32>], vector<16xf32>,
        %scatter3A_927 = arith.constant 0 : i32
        %scatter3A_928 = arith.constant 0 : i32
        %scatter3A_929 = arith.constant 0 : i32
        %scatter3A_930 = tpu.memref_slice %arg7[%scatter3A_927, %scatter3A_928, %scatter3A_929] : memref<2x64x128xf32, #tpu.memory_space<vmem>> -> memref<1x64x128xf32, #tpu.memory_space<vmem>>
        %scatter3A_931 = tpu.memref_squeeze %scatter3A_930 : memref<1x64x128xf32, #tpu.memory_space<vmem>> -> memref<64x128xf32, #tpu.memory_space<vmem>>
        tpu.vector_store_idx %scatter3A_931[%add3A_920, %add3A_751], %gather3A_926 : memref<64x128xf32, #tpu.memory_space<vmem>>[vector<16xi32>, vector<16xi32>], vector<16xf32>,
        %add3A_932 = vector.broadcast %mul3A_749 : i32 to vector<16xi32>
        %add3A_933 = arith.addi %and3A_91, %add3A_932 : vector<16xi32>
        %gather3A_934 = arith.constant 2 : i32
        %gather3A_935 = arith.constant 0 : i32
        %gather3A_936 = arith.constant 0 : i32
        %gather3A_937 = tpu.memref_slice %arg6[%gather3A_934, %gather3A_935, %gather3A_936] : memref<4x128x128xf32, #tpu.memory_space<vmem>> -> memref<1x128x128xf32, #tpu.memory_space<vmem>>
        %gather3A_938 = tpu.memref_squeeze %gather3A_937 : memref<1x128x128xf32, #tpu.memory_space<vmem>> -> memref<128x128xf32, #tpu.memory_space<vmem>>
        %gather3A_939 = tpu.vector_load_idx %gather3A_938[%add3A_751, %add3A_933] : memref<128x128xf32, #tpu.memory_space<vmem>>[vector<16xi32>, vector<16xi32>], vector<16xf32>,
        %scatter3A_940 = arith.constant 0 : i32
        %scatter3A_941 = arith.constant 0 : i32
        %scatter3A_942 = arith.constant 0 : i32
        %scatter3A_943 = tpu.memref_slice %arg7[%scatter3A_940, %scatter3A_941, %scatter3A_942] : memref<2x64x128xf32, #tpu.memory_space<vmem>> -> memref<1x64x128xf32, #tpu.memory_space<vmem>>
        %scatter3A_944 = tpu.memref_squeeze %scatter3A_943 : memref<1x64x128xf32, #tpu.memory_space<vmem>> -> memref<64x128xf32, #tpu.memory_space<vmem>>
        tpu.vector_store_idx %scatter3A_944[%add3A_933, %add3A_751], %gather3A_939 : memref<64x128xf32, #tpu.memory_space<vmem>>[vector<16xi32>, vector<16xi32>], vector<16xf32>,
        %add3A_945 = vector.broadcast %mul3A_749 : i32 to vector<16xi32>
        %add3A_946 = arith.addi %and3A_97, %add3A_945 : vector<16xi32>
        %gather3A_947 = arith.constant 2 : i32
        %gather3A_948 = arith.constant 0 : i32
        %gather3A_949 = arith.constant 0 : i32
        %gather3A_950 = tpu.memref_slice %arg6[%gather3A_947, %gather3A_948, %gather3A_949] : memref<4x128x128xf32, #tpu.memory_space<vmem>> -> memref<1x128x128xf32, #tpu.memory_space<vmem>>
        %gather3A_951 = tpu.memref_squeeze %gather3A_950 : memref<1x128x128xf32, #tpu.memory_space<vmem>> -> memref<128x128xf32, #tpu.memory_space<vmem>>
        %gather3A_952 = tpu.vector_load_idx %gather3A_951[%add3A_751, %add3A_946] : memref<128x128xf32, #tpu.memory_space<vmem>>[vector<16xi32>, vector<16xi32>], vector<16xf32>,
        %scatter3A_953 = arith.constant 0 : i32
        %scatter3A_954 = arith.constant 0 : i32
        %scatter3A_955 = arith.constant 0 : i32
        %scatter3A_956 = tpu.memref_slice %arg7[%scatter3A_953, %scatter3A_954, %scatter3A_955] : memref<2x64x128xf32, #tpu.memory_space<vmem>> -> memref<1x64x128xf32, #tpu.memory_space<vmem>>
        %scatter3A_957 = tpu.memref_squeeze %scatter3A_956 : memref<1x64x128xf32, #tpu.memory_space<vmem>> -> memref<64x128xf32, #tpu.memory_space<vmem>>
        tpu.vector_store_idx %scatter3A_957[%add3A_946, %add3A_751], %gather3A_952 : memref<64x128xf32, #tpu.memory_space<vmem>>[vector<16xi32>, vector<16xi32>], vector<16xf32>,
      }
      %scan3A_536 = arith.constant 32 : i32
      %add3A_537 = arith.addi %mul3A_2, %add3A_451 : i32
      %jit3A_538 = arith.constant 128 : i32
      %div3A_539 = arith.divsi %add3A_537, %jit3A_538 : i32
      %sign3A_540 = arith.constant 0 : i32
      %sign3A_541 = arith.cmpi sgt, %add3A_537, %sign3A_540 : i32
      %sign3A_542 = arith.extui %sign3A_541 : i1 to i32
      %sign3A_543 = arith.constant 0 : i32
      %sign3A_544 = arith.cmpi slt, %add3A_537, %sign3A_543 : i32
      %sign3A_545 = arith.extui %sign3A_544 : i1 to i32
      %sign3A_546 = arith.subi %sign3A_542, %sign3A_545 : i32
      %sign3A_547 = arith.constant 0 : i32
      %sign3A_548 = arith.cmpi sgt, %jit3A_538, %sign3A_547 : i32
      %sign3A_549 = arith.extui %sign3A_548 : i1 to i32
      %sign3A_550 = arith.constant 0 : i32
      %sign3A_551 = arith.cmpi slt, %jit3A_538, %sign3A_550 : i32
      %sign3A_552 = arith.extui %sign3A_551 : i1 to i32
      %sign3A_553 = arith.subi %sign3A_549, %sign3A_552 : i32
      %ne3A_554 = arith.cmpi ne, %sign3A_546, %sign3A_553 : i32
      %rem3A_555 = arith.remsi %add3A_537, %jit3A_538 : i32
      %ne3A_556 = arith.constant 0 : i32
      %ne3A_557 = arith.cmpi ne, %rem3A_555, %ne3A_556 : i32
      %and3A_558 = arith.andi %ne3A_554, %ne3A_557 : i1
      %sub3A_559 = arith.constant 1 : i32
      %sub3A_560 = arith.subi %div3A_539, %sub3A_559 : i32
      %select_n3A_561 = arith.select %and3A_558, %sub3A_560, %div3A_539 : i32
      %jit3A_562 = arith.constant 128 : i32
      %eq3A_563 = arith.constant 0 : i32
      %eq3A_564 = arith.cmpi eq, %jit3A_562, %eq3A_563 : i32
      %jit3A_565 = arith.constant 1 : i32
      %select_n3A_566 = arith.select %eq3A_564, %jit3A_565, %jit3A_562 : i32
      %rem3A_567 = arith.remsi %add3A_537, %select_n3A_566 : i32
      %ne3A_568 = arith.constant 0 : i32
      %ne3A_569 = arith.cmpi ne, %rem3A_567, %ne3A_568 : i32
      %lt3A_570 = arith.constant 0 : i32
      %lt3A_571 = arith.cmpi slt, %rem3A_567, %lt3A_570 : i32
      %lt3A_572 = arith.constant 0 : i32
      %lt3A_573 = arith.cmpi slt, %select_n3A_566, %lt3A_572 : i32
      %ne3A_574 = arith.xori %lt3A_571, %lt3A_573 : i1
      %and3A_575 = arith.andi %ne3A_574, %ne3A_569 : i1
      %add3A_576 = arith.addi %rem3A_567, %select_n3A_566 : i32
      %select_n3A_577 = arith.select %and3A_575, %add3A_576, %rem3A_567 : i32
      %mul3A_578 = arith.constant 128 : i32
      %mul3A_579 = arith.muli %select_n3A_577, %mul3A_578 : i32
      %dma_start3A_580 = arith.constant 0 : i32
      %dma_start3A_581 = arith.constant 0 : i32
      %dma_start3A_582 = arith.constant 0 : i32
      %dma_start3A_583 = arith.constant 0 : i32
      %dma_start3A_584 = tpu.memref_slice %arg7[%dma_start3A_581, %dma_start3A_582, %dma_start3A_583] : memref<2x64x128xf32, #tpu.memory_space<vmem>> -> memref<1x64x128xf32, #tpu.memory_space<vmem>>
      %dma_start3A_585 = arith.constant 0 : i32
      %dma_start3A_586 = tpu.memref_slice %arg4[%select_n3A_561, %dma_start3A_585, %mul3A_579] : memref<50x64x16384xf32, #tpu.memory_space<hbm>> -> memref<1x64x128xf32, #tpu.memory_space<hbm>>
      %dma_start3A_587 = tpu.memref_slice %arg9[%dma_start3A_580] : memref<2x!tpu.dma_semaphore, #tpu.memory_space<semaphore_mem>> -> memref<1x!tpu.dma_semaphore, #tpu.memory_space<semaphore_mem>>
      %dma_start3A_588 = tpu.memref_squeeze %dma_start3A_587 : memref<1x!tpu.dma_semaphore, #tpu.memory_space<semaphore_mem>> -> memref<!tpu.dma_semaphore, #tpu.memory_space<semaphore_mem>>
      %dma_start3A_589 = arith.constant 0 : i32
      %dma_start3A_590 = tpu.memref_slice %arg4[%select_n3A_561, %dma_start3A_589, %mul3A_579] : memref<50x64x16384xf32, #tpu.memory_space<hbm>> -> memref<1x64x128xf32, #tpu.memory_space<hbm>>
      %dma_start3A_591 = arith.constant 0 : i32
      %dma_start3A_592 = arith.constant 0 : i32
      %dma_start3A_593 = arith.constant 0 : i32
      %dma_start3A_594 = tpu.memref_slice %arg7[%dma_start3A_591, %dma_start3A_592, %dma_start3A_593] : memref<2x64x128xf32, #tpu.memory_space<vmem>> -> memref<1x64x128xf32, #tpu.memory_space<vmem>>
      tpu.enqueue_dma source(%dma_start3A_594 : memref<1x64x128xf32, #tpu.memory_space<vmem>>) target(%dma_start3A_590 : memref<1x64x128xf32, #tpu.memory_space<hbm>>) target_semaphore(%dma_start3A_588 : memref<!tpu.dma_semaphore, #tpu.memory_space<semaphore_mem>>)
      %mul3A_595 = arith.constant 4 : i32
      %mul3A_596 = arith.muli %scan3A_255, %mul3A_595 : i32
      %add3A_597 = arith.constant 3 : i32
      %add3A_598 = arith.addi %mul3A_596, %add3A_597 : i32
      %lt3A_599 = arith.constant 49 : i32
      %lt3A_600 = arith.cmpi slt, %scan3A_255, %lt3A_599 : i32
      %convert_element_type3A_601 = arith.extui %lt3A_600 : i1 to i32
      %cond3A_602 = arith.constant 0 : i32
      %cond3A_603 = arith.cmpi ne, %convert_element_type3A_601, %cond3A_602 : i32
      scf.if %cond3A_603 {
        %add3A_742 = arith.constant 3 : i32
        %add3A_743 = arith.addi %add3A_598, %add3A_742 : i32
        %dma_start3A_744 = arith.constant 2 : i32
        %dma_start3A_745 = arith.constant 2 : i32
        %dma_start3A_746 = arith.constant 0 : i32
        %dma_start3A_747 = arith.constant 0 : i32
        %dma_start3A_748 = tpu.memref_slice %arg6[%dma_start3A_744, %dma_start3A_746, %dma_start3A_747] : memref<4x128x128xf32, #tpu.memory_space<vmem>> -> memref<1x128x128xf32, #tpu.memory_space<vmem>>
        %dma_start3A_749 = tpu.memref_squeeze %dma_start3A_748 : memref<1x128x128xf32, #tpu.memory_space<vmem>> -> memref<128x128xf32, #tpu.memory_space<vmem>>
        %dma_start3A_750 = arith.constant 0 : i32
        %dma_start3A_751 = tpu.memref_slice %arg5[%add3A_743, %dma_start3A_750] : memref<200x128xi32, #tpu.memory_space<vmem>> -> memref<1x128xi32, #tpu.memory_space<vmem>>
        %dma_start3A_752 = tpu.memref_squeeze %dma_start3A_751 : memref<1x128xi32, #tpu.memory_space<vmem>> -> memref<128xi32, #tpu.memory_space<vmem>>
        %dma_start3A_753 = arith.constant 0 : i32
        %dma_start3A_754 = arith.constant 0 : i32
        %dma_start3A_755 = tpu.memref_slice %arg3[%dma_start3A_753, %dma_start3A_754] : memref<1000000x128xf32, #tpu.memory_space<hbm>> -> memref<1000000x128xf32, #tpu.memory_space<hbm>>
        %dma_start3A_756 = tpu.memref_slice %arg8[%dma_start3A_745] : memref<4x!tpu.dma_semaphore, #tpu.memory_space<semaphore_mem>> -> memref<1x!tpu.dma_semaphore, #tpu.memory_space<semaphore_mem>>
        %dma_start3A_757 = tpu.memref_squeeze %dma_start3A_756 : memref<1x!tpu.dma_semaphore, #tpu.memory_space<semaphore_mem>> -> memref<!tpu.dma_semaphore, #tpu.memory_space<semaphore_mem>>
        tpu.enqueue_indirect_dma source(%dma_start3A_755 : memref<1000000x128xf32, #tpu.memory_space<hbm>>) target(%dma_start3A_749 : memref<128x128xf32, #tpu.memory_space<vmem>>) offsets(%dma_start3A_752 : memref<128xi32, #tpu.memory_space<vmem>>) semaphore(%dma_start3A_757 : memref<!tpu.dma_semaphore, #tpu.memory_space<semaphore_mem>>)
      } else {
      }
      %dma_wait3A_604 = arith.constant 3 : i32
      %dma_wait3A_605 = arith.constant 3 : i32
      %dma_wait3A_606 = arith.constant 0 : i32
      %dma_wait3A_607 = arith.constant 0 : i32
      %dma_wait3A_608 = tpu.memref_slice %arg6[%dma_wait3A_604, %dma_wait3A_606, %dma_wait3A_607] : memref<4x128x128xf32, #tpu.memory_space<vmem>> -> memref<1x128x128xf32, #tpu.memory_space<vmem>>
      %dma_wait3A_609 = tpu.memref_squeeze %dma_wait3A_608 : memref<1x128x128xf32, #tpu.memory_space<vmem>> -> memref<128x128xf32, #tpu.memory_space<vmem>>
      %dma_wait3A_610 = arith.constant 0 : i32
      %dma_wait3A_611 = tpu.memref_slice %arg5[%add3A_598, %dma_wait3A_610] : memref<200x128xi32, #tpu.memory_space<vmem>> -> memref<1x128xi32, #tpu.memory_space<vmem>>
      %dma_wait3A_612 = tpu.memref_squeeze %dma_wait3A_611 : memref<1x128xi32, #tpu.memory_space<vmem>> -> memref<128xi32, #tpu.memory_space<vmem>>
      %dma_wait3A_613 = arith.constant 0 : i32
      %dma_wait3A_614 = arith.constant 0 : i32
      %dma_wait3A_615 = tpu.memref_slice %arg3[%dma_wait3A_613, %dma_wait3A_614] : memref<1000000x128xf32, #tpu.memory_space<hbm>> -> memref<1000000x128xf32, #tpu.memory_space<hbm>>
      %dma_wait3A_616 = tpu.memref_slice %arg8[%dma_wait3A_605] : memref<4x!tpu.dma_semaphore, #tpu.memory_space<semaphore_mem>> -> memref<1x!tpu.dma_semaphore, #tpu.memory_space<semaphore_mem>>
      %dma_wait3A_617 = tpu.memref_squeeze %dma_wait3A_616 : memref<1x!tpu.dma_semaphore, #tpu.memory_space<semaphore_mem>> -> memref<!tpu.dma_semaphore, #tpu.memory_space<semaphore_mem>>
      tpu.wait_indirect_dma semaphore(%dma_wait3A_617 : memref<!tpu.dma_semaphore, #tpu.memory_space<semaphore_mem>>) src(%dma_wait3A_615 : memref<1000000x128xf32, #tpu.memory_space<hbm>>) dst(%dma_wait3A_609 : memref<128x128xf32, #tpu.memory_space<vmem>>)
      %sub3A_618 = arith.constant 2 : i32
      %sub3A_619 = arith.subi %add3A_598, %sub3A_618 : i32
      %add3A_620 = arith.addi %mul3A_2, %sub3A_619 : i32
      %jit3A_621 = arith.constant 128 : i32
      %div3A_622 = arith.divsi %add3A_620, %jit3A_621 : i32
      %sign3A_623 = arith.constant 0 : i32
      %sign3A_624 = arith.cmpi sgt, %add3A_620, %sign3A_623 : i32
      %sign3A_625 = arith.extui %sign3A_624 : i1 to i32
      %sign3A_626 = arith.constant 0 : i32
      %sign3A_627 = arith.cmpi slt, %add3A_620, %sign3A_626 : i32
      %sign3A_628 = arith.extui %sign3A_627 : i1 to i32
      %sign3A_629 = arith.subi %sign3A_625, %sign3A_628 : i32
      %sign3A_630 = arith.constant 0 : i32
      %sign3A_631 = arith.cmpi sgt, %jit3A_621, %sign3A_630 : i32
      %sign3A_632 = arith.extui %sign3A_631 : i1 to i32
      %sign3A_633 = arith.constant 0 : i32
      %sign3A_634 = arith.cmpi slt, %jit3A_621, %sign3A_633 : i32
      %sign3A_635 = arith.extui %sign3A_634 : i1 to i32
      %sign3A_636 = arith.subi %sign3A_632, %sign3A_635 : i32
      %ne3A_637 = arith.cmpi ne, %sign3A_629, %sign3A_636 : i32
      %rem3A_638 = arith.remsi %add3A_620, %jit3A_621 : i32
      %ne3A_639 = arith.constant 0 : i32
      %ne3A_640 = arith.cmpi ne, %rem3A_638, %ne3A_639 : i32
      %and3A_641 = arith.andi %ne3A_637, %ne3A_640 : i1
      %sub3A_642 = arith.constant 1 : i32
      %sub3A_643 = arith.subi %div3A_622, %sub3A_642 : i32
      %select_n3A_644 = arith.select %and3A_641, %sub3A_643, %div3A_622 : i32
      %jit3A_645 = arith.constant 128 : i32
      %eq3A_646 = arith.constant 0 : i32
      %eq3A_647 = arith.cmpi eq, %jit3A_645, %eq3A_646 : i32
      %jit3A_648 = arith.constant 1 : i32
      %select_n3A_649 = arith.select %eq3A_647, %jit3A_648, %jit3A_645 : i32
      %rem3A_650 = arith.remsi %add3A_620, %select_n3A_649 : i32
      %ne3A_651 = arith.constant 0 : i32
      %ne3A_652 = arith.cmpi ne, %rem3A_650, %ne3A_651 : i32
      %lt3A_653 = arith.constant 0 : i32
      %lt3A_654 = arith.cmpi slt, %rem3A_650, %lt3A_653 : i32
      %lt3A_655 = arith.constant 0 : i32
      %lt3A_656 = arith.cmpi slt, %select_n3A_649, %lt3A_655 : i32
      %ne3A_657 = arith.xori %lt3A_654, %lt3A_656 : i1
      %and3A_658 = arith.andi %ne3A_657, %ne3A_652 : i1
      %add3A_659 = arith.addi %rem3A_650, %select_n3A_649 : i32
      %select_n3A_660 = arith.select %and3A_658, %add3A_659, %rem3A_650 : i32
      %mul3A_661 = arith.constant 128 : i32
      %mul3A_662 = arith.muli %select_n3A_660, %mul3A_661 : i32
      %dma_wait3A_663 = arith.constant 1 : i32
      %dma_wait3A_664 = arith.constant 1 : i32
      %dma_wait3A_665 = arith.constant 0 : i32
      %dma_wait3A_666 = arith.constant 0 : i32
      %dma_wait3A_667 = tpu.memref_slice %arg7[%dma_wait3A_664, %dma_wait3A_665, %dma_wait3A_666] : memref<2x64x128xf32, #tpu.memory_space<vmem>> -> memref<1x64x128xf32, #tpu.memory_space<vmem>>
      %dma_wait3A_668 = arith.constant 0 : i32
      %dma_wait3A_669 = tpu.memref_slice %arg4[%select_n3A_644, %dma_wait3A_668, %mul3A_662] : memref<50x64x16384xf32, #tpu.memory_space<hbm>> -> memref<1x64x128xf32, #tpu.memory_space<hbm>>
      %dma_wait3A_670 = tpu.memref_slice %arg9[%dma_wait3A_663] : memref<2x!tpu.dma_semaphore, #tpu.memory_space<semaphore_mem>> -> memref<1x!tpu.dma_semaphore, #tpu.memory_space<semaphore_mem>>
      %dma_wait3A_671 = tpu.memref_squeeze %dma_wait3A_670 : memref<1x!tpu.dma_semaphore, #tpu.memory_space<semaphore_mem>> -> memref<!tpu.dma_semaphore, #tpu.memory_space<semaphore_mem>>
      %dma_wait3A_672 = arith.constant 0 : i32
      %dma_wait3A_673 = tpu.memref_slice %arg4[%select_n3A_644, %dma_wait3A_672, %mul3A_662] : memref<50x64x16384xf32, #tpu.memory_space<hbm>> -> memref<1x64x128xf32, #tpu.memory_space<hbm>>
      %dma_wait3A_674 = arith.constant 1 : i32
      %dma_wait3A_675 = arith.constant 0 : i32
      %dma_wait3A_676 = arith.constant 0 : i32
      %dma_wait3A_677 = tpu.memref_slice %arg7[%dma_wait3A_674, %dma_wait3A_675, %dma_wait3A_676] : memref<2x64x128xf32, #tpu.memory_space<vmem>> -> memref<1x64x128xf32, #tpu.memory_space<vmem>>
      tpu.wait_dma2 semaphore(%dma_wait3A_671 : memref<!tpu.dma_semaphore, #tpu.memory_space<semaphore_mem>>) src(%dma_wait3A_677 : memref<1x64x128xf32, #tpu.memory_space<vmem>>) dst(%dma_wait3A_673 : memref<1x64x128xf32, #tpu.memory_space<hbm>>)
      %scan3A_678 = arith.constant 0 : i32
      %scan3A_679 = arith.constant 0 : i32
      %scan3A_680 = arith.constant 32 : i32
      %scan3A_681 = arith.addi %scan3A_679, %scan3A_680 : i32
      %scan3A_682 = arith.constant 1 : i32
      scf.for %scan3A_742 = %scan3A_679 to %scan3A_681 step %scan3A_682  : i32 {
        %and3A_743 = arith.constant 7 : i32
        %and3A_744 = arith.andi %scan3A_742, %and3A_743 : i32
        %mul3A_745 = arith.constant 16 : i32
        %mul3A_746 = arith.muli %and3A_744, %mul3A_745 : i32
        %shift_right_arithmetic3A = arith.constant 3 : i32
        %shift_right_arithmetic3A_747 = arith.shrsi %scan3A_742, %shift_right_arithmetic3A : i32
        %mul3A_748 = arith.constant 16 : i32
        %mul3A_749 = arith.muli %shift_right_arithmetic3A_747, %mul3A_748 : i32
        %add3A_750 = vector.broadcast %mul3A_746 : i32 to vector<16xi32>
        %add3A_751 = arith.addi %iota3A, %add3A_750 : vector<16xi32>
        %add3A_752 = vector.broadcast %mul3A_749 : i32 to vector<16xi32>
        %add3A_753 = arith.addi %and3A_7, %add3A_752 : vector<16xi32>
        %gather3A = arith.constant 3 : i32
        %gather3A_754 = arith.constant 0 : i32
        %gather3A_755 = arith.constant 0 : i32
        %gather3A_756 = tpu.memref_slice %arg6[%gather3A, %gather3A_754, %gather3A_755] : memref<4x128x128xf32, #tpu.memory_space<vmem>> -> memref<1x128x128xf32, #tpu.memory_space<vmem>>
        %gather3A_757 = tpu.memref_squeeze %gather3A_756 : memref<1x128x128xf32, #tpu.memory_space<vmem>> -> memref<128x128xf32, #tpu.memory_space<vmem>>
        %gather3A_758 = tpu.vector_load_idx %gather3A_757[%add3A_751, %add3A_753] : memref<128x128xf32, #tpu.memory_space<vmem>>[vector<16xi32>, vector<16xi32>], vector<16xf32>,
        %scatter3A = arith.constant 1 : i32
        %scatter3A_759 = arith.constant 0 : i32
        %scatter3A_760 = arith.constant 0 : i32
        %scatter3A_761 = tpu.memref_slice %arg7[%scatter3A, %scatter3A_759, %scatter3A_760] : memref<2x64x128xf32, #tpu.memory_space<vmem>> -> memref<1x64x128xf32, #tpu.memory_space<vmem>>
        %scatter3A_762 = tpu.memref_squeeze %scatter3A_761 : memref<1x64x128xf32, #tpu.memory_space<vmem>> -> memref<64x128xf32, #tpu.memory_space<vmem>>
        tpu.vector_store_idx %scatter3A_762[%add3A_753, %add3A_751], %gather3A_758 : memref<64x128xf32, #tpu.memory_space<vmem>>[vector<16xi32>, vector<16xi32>], vector<16xf32>,
        %add3A_763 = vector.broadcast %mul3A_749 : i32 to vector<16xi32>
        %add3A_764 = arith.addi %and3A_13, %add3A_763 : vector<16xi32>
        %gather3A_765 = arith.constant 3 : i32
        %gather3A_766 = arith.constant 0 : i32
        %gather3A_767 = arith.constant 0 : i32
        %gather3A_768 = tpu.memref_slice %arg6[%gather3A_765, %gather3A_766, %gather3A_767] : memref<4x128x128xf32, #tpu.memory_space<vmem>> -> memref<1x128x128xf32, #tpu.memory_space<vmem>>
        %gather3A_769 = tpu.memref_squeeze %gather3A_768 : memref<1x128x128xf32, #tpu.memory_space<vmem>> -> memref<128x128xf32, #tpu.memory_space<vmem>>
        %gather3A_770 = tpu.vector_load_idx %gather3A_769[%add3A_751, %add3A_764] : memref<128x128xf32, #tpu.memory_space<vmem>>[vector<16xi32>, vector<16xi32>], vector<16xf32>,
        %scatter3A_771 = arith.constant 1 : i32
        %scatter3A_772 = arith.constant 0 : i32
        %scatter3A_773 = arith.constant 0 : i32
        %scatter3A_774 = tpu.memref_slice %arg7[%scatter3A_771, %scatter3A_772, %scatter3A_773] : memref<2x64x128xf32, #tpu.memory_space<vmem>> -> memref<1x64x128xf32, #tpu.memory_space<vmem>>
        %scatter3A_775 = tpu.memref_squeeze %scatter3A_774 : memref<1x64x128xf32, #tpu.memory_space<vmem>> -> memref<64x128xf32, #tpu.memory_space<vmem>>
        tpu.vector_store_idx %scatter3A_775[%add3A_764, %add3A_751], %gather3A_770 : memref<64x128xf32, #tpu.memory_space<vmem>>[vector<16xi32>, vector<16xi32>], vector<16xf32>,
        %add3A_776 = vector.broadcast %mul3A_749 : i32 to vector<16xi32>
        %add3A_777 = arith.addi %and3A_19, %add3A_776 : vector<16xi32>
        %gather3A_778 = arith.constant 3 : i32
        %gather3A_779 = arith.constant 0 : i32
        %gather3A_780 = arith.constant 0 : i32
        %gather3A_781 = tpu.memref_slice %arg6[%gather3A_778, %gather3A_779, %gather3A_780] : memref<4x128x128xf32, #tpu.memory_space<vmem>> -> memref<1x128x128xf32, #tpu.memory_space<vmem>>
        %gather3A_782 = tpu.memref_squeeze %gather3A_781 : memref<1x128x128xf32, #tpu.memory_space<vmem>> -> memref<128x128xf32, #tpu.memory_space<vmem>>
        %gather3A_783 = tpu.vector_load_idx %gather3A_782[%add3A_751, %add3A_777] : memref<128x128xf32, #tpu.memory_space<vmem>>[vector<16xi32>, vector<16xi32>], vector<16xf32>,
        %scatter3A_784 = arith.constant 1 : i32
        %scatter3A_785 = arith.constant 0 : i32
        %scatter3A_786 = arith.constant 0 : i32
        %scatter3A_787 = tpu.memref_slice %arg7[%scatter3A_784, %scatter3A_785, %scatter3A_786] : memref<2x64x128xf32, #tpu.memory_space<vmem>> -> memref<1x64x128xf32, #tpu.memory_space<vmem>>
        %scatter3A_788 = tpu.memref_squeeze %scatter3A_787 : memref<1x64x128xf32, #tpu.memory_space<vmem>> -> memref<64x128xf32, #tpu.memory_space<vmem>>
        tpu.vector_store_idx %scatter3A_788[%add3A_777, %add3A_751], %gather3A_783 : memref<64x128xf32, #tpu.memory_space<vmem>>[vector<16xi32>, vector<16xi32>], vector<16xf32>,
        %add3A_789 = vector.broadcast %mul3A_749 : i32 to vector<16xi32>
        %add3A_790 = arith.addi %and3A_25, %add3A_789 : vector<16xi32>
        %gather3A_791 = arith.constant 3 : i32
        %gather3A_792 = arith.constant 0 : i32
        %gather3A_793 = arith.constant 0 : i32
        %gather3A_794 = tpu.memref_slice %arg6[%gather3A_791, %gather3A_792, %gather3A_793] : memref<4x128x128xf32, #tpu.memory_space<vmem>> -> memref<1x128x128xf32, #tpu.memory_space<vmem>>
        %gather3A_795 = tpu.memref_squeeze %gather3A_794 : memref<1x128x128xf32, #tpu.memory_space<vmem>> -> memref<128x128xf32, #tpu.memory_space<vmem>>
        %gather3A_796 = tpu.vector_load_idx %gather3A_795[%add3A_751, %add3A_790] : memref<128x128xf32, #tpu.memory_space<vmem>>[vector<16xi32>, vector<16xi32>], vector<16xf32>,
        %scatter3A_797 = arith.constant 1 : i32
        %scatter3A_798 = arith.constant 0 : i32
        %scatter3A_799 = arith.constant 0 : i32
        %scatter3A_800 = tpu.memref_slice %arg7[%scatter3A_797, %scatter3A_798, %scatter3A_799] : memref<2x64x128xf32, #tpu.memory_space<vmem>> -> memref<1x64x128xf32, #tpu.memory_space<vmem>>
        %scatter3A_801 = tpu.memref_squeeze %scatter3A_800 : memref<1x64x128xf32, #tpu.memory_space<vmem>> -> memref<64x128xf32, #tpu.memory_space<vmem>>
        tpu.vector_store_idx %scatter3A_801[%add3A_790, %add3A_751], %gather3A_796 : memref<64x128xf32, #tpu.memory_space<vmem>>[vector<16xi32>, vector<16xi32>], vector<16xf32>,
        %add3A_802 = vector.broadcast %mul3A_749 : i32 to vector<16xi32>
        %add3A_803 = arith.addi %and3A_31, %add3A_802 : vector<16xi32>
        %gather3A_804 = arith.constant 3 : i32
        %gather3A_805 = arith.constant 0 : i32
        %gather3A_806 = arith.constant 0 : i32
        %gather3A_807 = tpu.memref_slice %arg6[%gather3A_804, %gather3A_805, %gather3A_806] : memref<4x128x128xf32, #tpu.memory_space<vmem>> -> memref<1x128x128xf32, #tpu.memory_space<vmem>>
        %gather3A_808 = tpu.memref_squeeze %gather3A_807 : memref<1x128x128xf32, #tpu.memory_space<vmem>> -> memref<128x128xf32, #tpu.memory_space<vmem>>
        %gather3A_809 = tpu.vector_load_idx %gather3A_808[%add3A_751, %add3A_803] : memref<128x128xf32, #tpu.memory_space<vmem>>[vector<16xi32>, vector<16xi32>], vector<16xf32>,
        %scatter3A_810 = arith.constant 1 : i32
        %scatter3A_811 = arith.constant 0 : i32
        %scatter3A_812 = arith.constant 0 : i32
        %scatter3A_813 = tpu.memref_slice %arg7[%scatter3A_810, %scatter3A_811, %scatter3A_812] : memref<2x64x128xf32, #tpu.memory_space<vmem>> -> memref<1x64x128xf32, #tpu.memory_space<vmem>>
        %scatter3A_814 = tpu.memref_squeeze %scatter3A_813 : memref<1x64x128xf32, #tpu.memory_space<vmem>> -> memref<64x128xf32, #tpu.memory_space<vmem>>
        tpu.vector_store_idx %scatter3A_814[%add3A_803, %add3A_751], %gather3A_809 : memref<64x128xf32, #tpu.memory_space<vmem>>[vector<16xi32>, vector<16xi32>], vector<16xf32>,
        %add3A_815 = vector.broadcast %mul3A_749 : i32 to vector<16xi32>
        %add3A_816 = arith.addi %and3A_37, %add3A_815 : vector<16xi32>
        %gather3A_817 = arith.constant 3 : i32
        %gather3A_818 = arith.constant 0 : i32
        %gather3A_819 = arith.constant 0 : i32
        %gather3A_820 = tpu.memref_slice %arg6[%gather3A_817, %gather3A_818, %gather3A_819] : memref<4x128x128xf32, #tpu.memory_space<vmem>> -> memref<1x128x128xf32, #tpu.memory_space<vmem>>
        %gather3A_821 = tpu.memref_squeeze %gather3A_820 : memref<1x128x128xf32, #tpu.memory_space<vmem>> -> memref<128x128xf32, #tpu.memory_space<vmem>>
        %gather3A_822 = tpu.vector_load_idx %gather3A_821[%add3A_751, %add3A_816] : memref<128x128xf32, #tpu.memory_space<vmem>>[vector<16xi32>, vector<16xi32>], vector<16xf32>,
        %scatter3A_823 = arith.constant 1 : i32
        %scatter3A_824 = arith.constant 0 : i32
        %scatter3A_825 = arith.constant 0 : i32
        %scatter3A_826 = tpu.memref_slice %arg7[%scatter3A_823, %scatter3A_824, %scatter3A_825] : memref<2x64x128xf32, #tpu.memory_space<vmem>> -> memref<1x64x128xf32, #tpu.memory_space<vmem>>
        %scatter3A_827 = tpu.memref_squeeze %scatter3A_826 : memref<1x64x128xf32, #tpu.memory_space<vmem>> -> memref<64x128xf32, #tpu.memory_space<vmem>>
        tpu.vector_store_idx %scatter3A_827[%add3A_816, %add3A_751], %gather3A_822 : memref<64x128xf32, #tpu.memory_space<vmem>>[vector<16xi32>, vector<16xi32>], vector<16xf32>,
        %add3A_828 = vector.broadcast %mul3A_749 : i32 to vector<16xi32>
        %add3A_829 = arith.addi %and3A_43, %add3A_828 : vector<16xi32>
        %gather3A_830 = arith.constant 3 : i32
        %gather3A_831 = arith.constant 0 : i32
        %gather3A_832 = arith.constant 0 : i32
        %gather3A_833 = tpu.memref_slice %arg6[%gather3A_830, %gather3A_831, %gather3A_832] : memref<4x128x128xf32, #tpu.memory_space<vmem>> -> memref<1x128x128xf32, #tpu.memory_space<vmem>>
        %gather3A_834 = tpu.memref_squeeze %gather3A_833 : memref<1x128x128xf32, #tpu.memory_space<vmem>> -> memref<128x128xf32, #tpu.memory_space<vmem>>
        %gather3A_835 = tpu.vector_load_idx %gather3A_834[%add3A_751, %add3A_829] : memref<128x128xf32, #tpu.memory_space<vmem>>[vector<16xi32>, vector<16xi32>], vector<16xf32>,
        %scatter3A_836 = arith.constant 1 : i32
        %scatter3A_837 = arith.constant 0 : i32
        %scatter3A_838 = arith.constant 0 : i32
        %scatter3A_839 = tpu.memref_slice %arg7[%scatter3A_836, %scatter3A_837, %scatter3A_838] : memref<2x64x128xf32, #tpu.memory_space<vmem>> -> memref<1x64x128xf32, #tpu.memory_space<vmem>>
        %scatter3A_840 = tpu.memref_squeeze %scatter3A_839 : memref<1x64x128xf32, #tpu.memory_space<vmem>> -> memref<64x128xf32, #tpu.memory_space<vmem>>
        tpu.vector_store_idx %scatter3A_840[%add3A_829, %add3A_751], %gather3A_835 : memref<64x128xf32, #tpu.memory_space<vmem>>[vector<16xi32>, vector<16xi32>], vector<16xf32>,
        %add3A_841 = vector.broadcast %mul3A_749 : i32 to vector<16xi32>
        %add3A_842 = arith.addi %and3A_49, %add3A_841 : vector<16xi32>
        %gather3A_843 = arith.constant 3 : i32
        %gather3A_844 = arith.constant 0 : i32
        %gather3A_845 = arith.constant 0 : i32
        %gather3A_846 = tpu.memref_slice %arg6[%gather3A_843, %gather3A_844, %gather3A_845] : memref<4x128x128xf32, #tpu.memory_space<vmem>> -> memref<1x128x128xf32, #tpu.memory_space<vmem>>
        %gather3A_847 = tpu.memref_squeeze %gather3A_846 : memref<1x128x128xf32, #tpu.memory_space<vmem>> -> memref<128x128xf32, #tpu.memory_space<vmem>>
        %gather3A_848 = tpu.vector_load_idx %gather3A_847[%add3A_751, %add3A_842] : memref<128x128xf32, #tpu.memory_space<vmem>>[vector<16xi32>, vector<16xi32>], vector<16xf32>,
        %scatter3A_849 = arith.constant 1 : i32
        %scatter3A_850 = arith.constant 0 : i32
        %scatter3A_851 = arith.constant 0 : i32
        %scatter3A_852 = tpu.memref_slice %arg7[%scatter3A_849, %scatter3A_850, %scatter3A_851] : memref<2x64x128xf32, #tpu.memory_space<vmem>> -> memref<1x64x128xf32, #tpu.memory_space<vmem>>
        %scatter3A_853 = tpu.memref_squeeze %scatter3A_852 : memref<1x64x128xf32, #tpu.memory_space<vmem>> -> memref<64x128xf32, #tpu.memory_space<vmem>>
        tpu.vector_store_idx %scatter3A_853[%add3A_842, %add3A_751], %gather3A_848 : memref<64x128xf32, #tpu.memory_space<vmem>>[vector<16xi32>, vector<16xi32>], vector<16xf32>,
        %add3A_854 = vector.broadcast %mul3A_749 : i32 to vector<16xi32>
        %add3A_855 = arith.addi %and3A_55, %add3A_854 : vector<16xi32>
        %gather3A_856 = arith.constant 3 : i32
        %gather3A_857 = arith.constant 0 : i32
        %gather3A_858 = arith.constant 0 : i32
        %gather3A_859 = tpu.memref_slice %arg6[%gather3A_856, %gather3A_857, %gather3A_858] : memref<4x128x128xf32, #tpu.memory_space<vmem>> -> memref<1x128x128xf32, #tpu.memory_space<vmem>>
        %gather3A_860 = tpu.memref_squeeze %gather3A_859 : memref<1x128x128xf32, #tpu.memory_space<vmem>> -> memref<128x128xf32, #tpu.memory_space<vmem>>
        %gather3A_861 = tpu.vector_load_idx %gather3A_860[%add3A_751, %add3A_855] : memref<128x128xf32, #tpu.memory_space<vmem>>[vector<16xi32>, vector<16xi32>], vector<16xf32>,
        %scatter3A_862 = arith.constant 1 : i32
        %scatter3A_863 = arith.constant 0 : i32
        %scatter3A_864 = arith.constant 0 : i32
        %scatter3A_865 = tpu.memref_slice %arg7[%scatter3A_862, %scatter3A_863, %scatter3A_864] : memref<2x64x128xf32, #tpu.memory_space<vmem>> -> memref<1x64x128xf32, #tpu.memory_space<vmem>>
        %scatter3A_866 = tpu.memref_squeeze %scatter3A_865 : memref<1x64x128xf32, #tpu.memory_space<vmem>> -> memref<64x128xf32, #tpu.memory_space<vmem>>
        tpu.vector_store_idx %scatter3A_866[%add3A_855, %add3A_751], %gather3A_861 : memref<64x128xf32, #tpu.memory_space<vmem>>[vector<16xi32>, vector<16xi32>], vector<16xf32>,
        %add3A_867 = vector.broadcast %mul3A_749 : i32 to vector<16xi32>
        %add3A_868 = arith.addi %and3A_61, %add3A_867 : vector<16xi32>
        %gather3A_869 = arith.constant 3 : i32
        %gather3A_870 = arith.constant 0 : i32
        %gather3A_871 = arith.constant 0 : i32
        %gather3A_872 = tpu.memref_slice %arg6[%gather3A_869, %gather3A_870, %gather3A_871] : memref<4x128x128xf32, #tpu.memory_space<vmem>> -> memref<1x128x128xf32, #tpu.memory_space<vmem>>
        %gather3A_873 = tpu.memref_squeeze %gather3A_872 : memref<1x128x128xf32, #tpu.memory_space<vmem>> -> memref<128x128xf32, #tpu.memory_space<vmem>>
        %gather3A_874 = tpu.vector_load_idx %gather3A_873[%add3A_751, %add3A_868] : memref<128x128xf32, #tpu.memory_space<vmem>>[vector<16xi32>, vector<16xi32>], vector<16xf32>,
        %scatter3A_875 = arith.constant 1 : i32
        %scatter3A_876 = arith.constant 0 : i32
        %scatter3A_877 = arith.constant 0 : i32
        %scatter3A_878 = tpu.memref_slice %arg7[%scatter3A_875, %scatter3A_876, %scatter3A_877] : memref<2x64x128xf32, #tpu.memory_space<vmem>> -> memref<1x64x128xf32, #tpu.memory_space<vmem>>
        %scatter3A_879 = tpu.memref_squeeze %scatter3A_878 : memref<1x64x128xf32, #tpu.memory_space<vmem>> -> memref<64x128xf32, #tpu.memory_space<vmem>>
        tpu.vector_store_idx %scatter3A_879[%add3A_868, %add3A_751], %gather3A_874 : memref<64x128xf32, #tpu.memory_space<vmem>>[vector<16xi32>, vector<16xi32>], vector<16xf32>,
        %add3A_880 = vector.broadcast %mul3A_749 : i32 to vector<16xi32>
        %add3A_881 = arith.addi %and3A_67, %add3A_880 : vector<16xi32>
        %gather3A_882 = arith.constant 3 : i32
        %gather3A_883 = arith.constant 0 : i32
        %gather3A_884 = arith.constant 0 : i32
        %gather3A_885 = tpu.memref_slice %arg6[%gather3A_882, %gather3A_883, %gather3A_884] : memref<4x128x128xf32, #tpu.memory_space<vmem>> -> memref<1x128x128xf32, #tpu.memory_space<vmem>>
        %gather3A_886 = tpu.memref_squeeze %gather3A_885 : memref<1x128x128xf32, #tpu.memory_space<vmem>> -> memref<128x128xf32, #tpu.memory_space<vmem>>
        %gather3A_887 = tpu.vector_load_idx %gather3A_886[%add3A_751, %add3A_881] : memref<128x128xf32, #tpu.memory_space<vmem>>[vector<16xi32>, vector<16xi32>], vector<16xf32>,
        %scatter3A_888 = arith.constant 1 : i32
        %scatter3A_889 = arith.constant 0 : i32
        %scatter3A_890 = arith.constant 0 : i32
        %scatter3A_891 = tpu.memref_slice %arg7[%scatter3A_888, %scatter3A_889, %scatter3A_890] : memref<2x64x128xf32, #tpu.memory_space<vmem>> -> memref<1x64x128xf32, #tpu.memory_space<vmem>>
        %scatter3A_892 = tpu.memref_squeeze %scatter3A_891 : memref<1x64x128xf32, #tpu.memory_space<vmem>> -> memref<64x128xf32, #tpu.memory_space<vmem>>
        tpu.vector_store_idx %scatter3A_892[%add3A_881, %add3A_751], %gather3A_887 : memref<64x128xf32, #tpu.memory_space<vmem>>[vector<16xi32>, vector<16xi32>], vector<16xf32>,
        %add3A_893 = vector.broadcast %mul3A_749 : i32 to vector<16xi32>
        %add3A_894 = arith.addi %and3A_73, %add3A_893 : vector<16xi32>
        %gather3A_895 = arith.constant 3 : i32
        %gather3A_896 = arith.constant 0 : i32
        %gather3A_897 = arith.constant 0 : i32
        %gather3A_898 = tpu.memref_slice %arg6[%gather3A_895, %gather3A_896, %gather3A_897] : memref<4x128x128xf32, #tpu.memory_space<vmem>> -> memref<1x128x128xf32, #tpu.memory_space<vmem>>
        %gather3A_899 = tpu.memref_squeeze %gather3A_898 : memref<1x128x128xf32, #tpu.memory_space<vmem>> -> memref<128x128xf32, #tpu.memory_space<vmem>>
        %gather3A_900 = tpu.vector_load_idx %gather3A_899[%add3A_751, %add3A_894] : memref<128x128xf32, #tpu.memory_space<vmem>>[vector<16xi32>, vector<16xi32>], vector<16xf32>,
        %scatter3A_901 = arith.constant 1 : i32
        %scatter3A_902 = arith.constant 0 : i32
        %scatter3A_903 = arith.constant 0 : i32
        %scatter3A_904 = tpu.memref_slice %arg7[%scatter3A_901, %scatter3A_902, %scatter3A_903] : memref<2x64x128xf32, #tpu.memory_space<vmem>> -> memref<1x64x128xf32, #tpu.memory_space<vmem>>
        %scatter3A_905 = tpu.memref_squeeze %scatter3A_904 : memref<1x64x128xf32, #tpu.memory_space<vmem>> -> memref<64x128xf32, #tpu.memory_space<vmem>>
        tpu.vector_store_idx %scatter3A_905[%add3A_894, %add3A_751], %gather3A_900 : memref<64x128xf32, #tpu.memory_space<vmem>>[vector<16xi32>, vector<16xi32>], vector<16xf32>,
        %add3A_906 = vector.broadcast %mul3A_749 : i32 to vector<16xi32>
        %add3A_907 = arith.addi %and3A_79, %add3A_906 : vector<16xi32>
        %gather3A_908 = arith.constant 3 : i32
        %gather3A_909 = arith.constant 0 : i32
        %gather3A_910 = arith.constant 0 : i32
        %gather3A_911 = tpu.memref_slice %arg6[%gather3A_908, %gather3A_909, %gather3A_910] : memref<4x128x128xf32, #tpu.memory_space<vmem>> -> memref<1x128x128xf32, #tpu.memory_space<vmem>>
        %gather3A_912 = tpu.memref_squeeze %gather3A_911 : memref<1x128x128xf32, #tpu.memory_space<vmem>> -> memref<128x128xf32, #tpu.memory_space<vmem>>
        %gather3A_913 = tpu.vector_load_idx %gather3A_912[%add3A_751, %add3A_907] : memref<128x128xf32, #tpu.memory_space<vmem>>[vector<16xi32>, vector<16xi32>], vector<16xf32>,
        %scatter3A_914 = arith.constant 1 : i32
        %scatter3A_915 = arith.constant 0 : i32
        %scatter3A_916 = arith.constant 0 : i32
        %scatter3A_917 = tpu.memref_slice %arg7[%scatter3A_914, %scatter3A_915, %scatter3A_916] : memref<2x64x128xf32, #tpu.memory_space<vmem>> -> memref<1x64x128xf32, #tpu.memory_space<vmem>>
        %scatter3A_918 = tpu.memref_squeeze %scatter3A_917 : memref<1x64x128xf32, #tpu.memory_space<vmem>> -> memref<64x128xf32, #tpu.memory_space<vmem>>
        tpu.vector_store_idx %scatter3A_918[%add3A_907, %add3A_751], %gather3A_913 : memref<64x128xf32, #tpu.memory_space<vmem>>[vector<16xi32>, vector<16xi32>], vector<16xf32>,
        %add3A_919 = vector.broadcast %mul3A_749 : i32 to vector<16xi32>
        %add3A_920 = arith.addi %and3A_85, %add3A_919 : vector<16xi32>
        %gather3A_921 = arith.constant 3 : i32
        %gather3A_922 = arith.constant 0 : i32
        %gather3A_923 = arith.constant 0 : i32
        %gather3A_924 = tpu.memref_slice %arg6[%gather3A_921, %gather3A_922, %gather3A_923] : memref<4x128x128xf32, #tpu.memory_space<vmem>> -> memref<1x128x128xf32, #tpu.memory_space<vmem>>
        %gather3A_925 = tpu.memref_squeeze %gather3A_924 : memref<1x128x128xf32, #tpu.memory_space<vmem>> -> memref<128x128xf32, #tpu.memory_space<vmem>>
        %gather3A_926 = tpu.vector_load_idx %gather3A_925[%add3A_751, %add3A_920] : memref<128x128xf32, #tpu.memory_space<vmem>>[vector<16xi32>, vector<16xi32>], vector<16xf32>,
        %scatter3A_927 = arith.constant 1 : i32
        %scatter3A_928 = arith.constant 0 : i32
        %scatter3A_929 = arith.constant 0 : i32
        %scatter3A_930 = tpu.memref_slice %arg7[%scatter3A_927, %scatter3A_928, %scatter3A_929] : memref<2x64x128xf32, #tpu.memory_space<vmem>> -> memref<1x64x128xf32, #tpu.memory_space<vmem>>
        %scatter3A_931 = tpu.memref_squeeze %scatter3A_930 : memref<1x64x128xf32, #tpu.memory_space<vmem>> -> memref<64x128xf32, #tpu.memory_space<vmem>>
        tpu.vector_store_idx %scatter3A_931[%add3A_920, %add3A_751], %gather3A_926 : memref<64x128xf32, #tpu.memory_space<vmem>>[vector<16xi32>, vector<16xi32>], vector<16xf32>,
        %add3A_932 = vector.broadcast %mul3A_749 : i32 to vector<16xi32>
        %add3A_933 = arith.addi %and3A_91, %add3A_932 : vector<16xi32>
        %gather3A_934 = arith.constant 3 : i32
        %gather3A_935 = arith.constant 0 : i32
        %gather3A_936 = arith.constant 0 : i32
        %gather3A_937 = tpu.memref_slice %arg6[%gather3A_934, %gather3A_935, %gather3A_936] : memref<4x128x128xf32, #tpu.memory_space<vmem>> -> memref<1x128x128xf32, #tpu.memory_space<vmem>>
        %gather3A_938 = tpu.memref_squeeze %gather3A_937 : memref<1x128x128xf32, #tpu.memory_space<vmem>> -> memref<128x128xf32, #tpu.memory_space<vmem>>
        %gather3A_939 = tpu.vector_load_idx %gather3A_938[%add3A_751, %add3A_933] : memref<128x128xf32, #tpu.memory_space<vmem>>[vector<16xi32>, vector<16xi32>], vector<16xf32>,
        %scatter3A_940 = arith.constant 1 : i32
        %scatter3A_941 = arith.constant 0 : i32
        %scatter3A_942 = arith.constant 0 : i32
        %scatter3A_943 = tpu.memref_slice %arg7[%scatter3A_940, %scatter3A_941, %scatter3A_942] : memref<2x64x128xf32, #tpu.memory_space<vmem>> -> memref<1x64x128xf32, #tpu.memory_space<vmem>>
        %scatter3A_944 = tpu.memref_squeeze %scatter3A_943 : memref<1x64x128xf32, #tpu.memory_space<vmem>> -> memref<64x128xf32, #tpu.memory_space<vmem>>
        tpu.vector_store_idx %scatter3A_944[%add3A_933, %add3A_751], %gather3A_939 : memref<64x128xf32, #tpu.memory_space<vmem>>[vector<16xi32>, vector<16xi32>], vector<16xf32>,
        %add3A_945 = vector.broadcast %mul3A_749 : i32 to vector<16xi32>
        %add3A_946 = arith.addi %and3A_97, %add3A_945 : vector<16xi32>
        %gather3A_947 = arith.constant 3 : i32
        %gather3A_948 = arith.constant 0 : i32
        %gather3A_949 = arith.constant 0 : i32
        %gather3A_950 = tpu.memref_slice %arg6[%gather3A_947, %gather3A_948, %gather3A_949] : memref<4x128x128xf32, #tpu.memory_space<vmem>> -> memref<1x128x128xf32, #tpu.memory_space<vmem>>
        %gather3A_951 = tpu.memref_squeeze %gather3A_950 : memref<1x128x128xf32, #tpu.memory_space<vmem>> -> memref<128x128xf32, #tpu.memory_space<vmem>>
        %gather3A_952 = tpu.vector_load_idx %gather3A_951[%add3A_751, %add3A_946] : memref<128x128xf32, #tpu.memory_space<vmem>>[vector<16xi32>, vector<16xi32>], vector<16xf32>,
        %scatter3A_953 = arith.constant 1 : i32
        %scatter3A_954 = arith.constant 0 : i32
        %scatter3A_955 = arith.constant 0 : i32
        %scatter3A_956 = tpu.memref_slice %arg7[%scatter3A_953, %scatter3A_954, %scatter3A_955] : memref<2x64x128xf32, #tpu.memory_space<vmem>> -> memref<1x64x128xf32, #tpu.memory_space<vmem>>
        %scatter3A_957 = tpu.memref_squeeze %scatter3A_956 : memref<1x64x128xf32, #tpu.memory_space<vmem>> -> memref<64x128xf32, #tpu.memory_space<vmem>>
        tpu.vector_store_idx %scatter3A_957[%add3A_946, %add3A_751], %gather3A_952 : memref<64x128xf32, #tpu.memory_space<vmem>>[vector<16xi32>, vector<16xi32>], vector<16xf32>,
      }
      %scan3A_683 = arith.constant 32 : i32
      %add3A_684 = arith.addi %mul3A_2, %add3A_598 : i32
      %jit3A_685 = arith.constant 128 : i32
      %div3A_686 = arith.divsi %add3A_684, %jit3A_685 : i32
      %sign3A_687 = arith.constant 0 : i32
      %sign3A_688 = arith.cmpi sgt, %add3A_684, %sign3A_687 : i32
      %sign3A_689 = arith.extui %sign3A_688 : i1 to i32
      %sign3A_690 = arith.constant 0 : i32
      %sign3A_691 = arith.cmpi slt, %add3A_684, %sign3A_690 : i32
      %sign3A_692 = arith.extui %sign3A_691 : i1 to i32
      %sign3A_693 = arith.subi %sign3A_689, %sign3A_692 : i32
      %sign3A_694 = arith.constant 0 : i32
      %sign3A_695 = arith.cmpi sgt, %jit3A_685, %sign3A_694 : i32
      %sign3A_696 = arith.extui %sign3A_695 : i1 to i32
      %sign3A_697 = arith.constant 0 : i32
      %sign3A_698 = arith.cmpi slt, %jit3A_685, %sign3A_697 : i32
      %sign3A_699 = arith.extui %sign3A_698 : i1 to i32
      %sign3A_700 = arith.subi %sign3A_696, %sign3A_699 : i32
      %ne3A_701 = arith.cmpi ne, %sign3A_693, %sign3A_700 : i32
      %rem3A_702 = arith.remsi %add3A_684, %jit3A_685 : i32
      %ne3A_703 = arith.constant 0 : i32
      %ne3A_704 = arith.cmpi ne, %rem3A_702, %ne3A_703 : i32
      %and3A_705 = arith.andi %ne3A_701, %ne3A_704 : i1
      %sub3A_706 = arith.constant 1 : i32
      %sub3A_707 = arith.subi %div3A_686, %sub3A_706 : i32
      %select_n3A_708 = arith.select %and3A_705, %sub3A_707, %div3A_686 : i32
      %jit3A_709 = arith.constant 128 : i32
      %eq3A_710 = arith.constant 0 : i32
      %eq3A_711 = arith.cmpi eq, %jit3A_709, %eq3A_710 : i32
      %jit3A_712 = arith.constant 1 : i32
      %select_n3A_713 = arith.select %eq3A_711, %jit3A_712, %jit3A_709 : i32
      %rem3A_714 = arith.remsi %add3A_684, %select_n3A_713 : i32
      %ne3A_715 = arith.constant 0 : i32
      %ne3A_716 = arith.cmpi ne, %rem3A_714, %ne3A_715 : i32
      %lt3A_717 = arith.constant 0 : i32
      %lt3A_718 = arith.cmpi slt, %rem3A_714, %lt3A_717 : i32
      %lt3A_719 = arith.constant 0 : i32
      %lt3A_720 = arith.cmpi slt, %select_n3A_713, %lt3A_719 : i32
      %ne3A_721 = arith.xori %lt3A_718, %lt3A_720 : i1
      %and3A_722 = arith.andi %ne3A_721, %ne3A_716 : i1
      %add3A_723 = arith.addi %rem3A_714, %select_n3A_713 : i32
      %select_n3A_724 = arith.select %and3A_722, %add3A_723, %rem3A_714 : i32
      %mul3A_725 = arith.constant 128 : i32
      %mul3A_726 = arith.muli %select_n3A_724, %mul3A_725 : i32
      %dma_start3A_727 = arith.constant 1 : i32
      %dma_start3A_728 = arith.constant 1 : i32
      %dma_start3A_729 = arith.constant 0 : i32
      %dma_start3A_730 = arith.constant 0 : i32
      %dma_start3A_731 = tpu.memref_slice %arg7[%dma_start3A_728, %dma_start3A_729, %dma_start3A_730] : memref<2x64x128xf32, #tpu.memory_space<vmem>> -> memref<1x64x128xf32, #tpu.memory_space<vmem>>
      %dma_start3A_732 = arith.constant 0 : i32
      %dma_start3A_733 = tpu.memref_slice %arg4[%select_n3A_708, %dma_start3A_732, %mul3A_726] : memref<50x64x16384xf32, #tpu.memory_space<hbm>> -> memref<1x64x128xf32, #tpu.memory_space<hbm>>
      %dma_start3A_734 = tpu.memref_slice %arg9[%dma_start3A_727] : memref<2x!tpu.dma_semaphore, #tpu.memory_space<semaphore_mem>> -> memref<1x!tpu.dma_semaphore, #tpu.memory_space<semaphore_mem>>
      %dma_start3A_735 = tpu.memref_squeeze %dma_start3A_734 : memref<1x!tpu.dma_semaphore, #tpu.memory_space<semaphore_mem>> -> memref<!tpu.dma_semaphore, #tpu.memory_space<semaphore_mem>>
      %dma_start3A_736 = arith.constant 0 : i32
      %dma_start3A_737 = tpu.memref_slice %arg4[%select_n3A_708, %dma_start3A_736, %mul3A_726] : memref<50x64x16384xf32, #tpu.memory_space<hbm>> -> memref<1x64x128xf32, #tpu.memory_space<hbm>>
      %dma_start3A_738 = arith.constant 1 : i32
      %dma_start3A_739 = arith.constant 0 : i32
      %dma_start3A_740 = arith.constant 0 : i32
      %dma_start3A_741 = tpu.memref_slice %arg7[%dma_start3A_738, %dma_start3A_739, %dma_start3A_740] : memref<2x64x128xf32, #tpu.memory_space<vmem>> -> memref<1x64x128xf32, #tpu.memory_space<vmem>>
      tpu.enqueue_dma source(%dma_start3A_741 : memref<1x64x128xf32, #tpu.memory_space<vmem>>) target(%dma_start3A_737 : memref<1x64x128xf32, #tpu.memory_space<hbm>>) target_semaphore(%dma_start3A_735 : memref<!tpu.dma_semaphore, #tpu.memory_space<semaphore_mem>>)
    }
    %scan3A_146 = arith.constant 50 : i32
    %add3A_147 = arith.constant 198 : i32
    %add3A_148 = arith.addi %mul3A_2, %add3A_147 : i32
    %jit3A = arith.constant 128 : i32
    %div3A = arith.divsi %add3A_148, %jit3A : i32
    %sign3A = arith.constant 0 : i32
    %sign3A_149 = arith.cmpi sgt, %add3A_148, %sign3A : i32
    %sign3A_150 = arith.extui %sign3A_149 : i1 to i32
    %sign3A_151 = arith.constant 0 : i32
    %sign3A_152 = arith.cmpi slt, %add3A_148, %sign3A_151 : i32
    %sign3A_153 = arith.extui %sign3A_152 : i1 to i32
    %sign3A_154 = arith.subi %sign3A_150, %sign3A_153 : i32
    %sign3A_155 = arith.constant 0 : i32
    %sign3A_156 = arith.cmpi sgt, %jit3A, %sign3A_155 : i32
    %sign3A_157 = arith.extui %sign3A_156 : i1 to i32
    %sign3A_158 = arith.constant 0 : i32
    %sign3A_159 = arith.cmpi slt, %jit3A, %sign3A_158 : i32
    %sign3A_160 = arith.extui %sign3A_159 : i1 to i32
    %sign3A_161 = arith.subi %sign3A_157, %sign3A_160 : i32
    %ne3A = arith.cmpi ne, %sign3A_154, %sign3A_161 : i32
    %rem3A = arith.remsi %add3A_148, %jit3A : i32
    %ne3A_162 = arith.constant 0 : i32
    %ne3A_163 = arith.cmpi ne, %rem3A, %ne3A_162 : i32
    %and3A_164 = arith.andi %ne3A, %ne3A_163 : i1
    %sub3A = arith.constant 1 : i32
    %sub3A_165 = arith.subi %div3A, %sub3A : i32
    %select_n3A = arith.select %and3A_164, %sub3A_165, %div3A : i32
    %jit3A_166 = arith.constant 128 : i32
    %eq3A = arith.constant 0 : i32
    %eq3A_167 = arith.cmpi eq, %jit3A_166, %eq3A : i32
    %jit3A_168 = arith.constant 1 : i32
    %select_n3A_169 = arith.select %eq3A_167, %jit3A_168, %jit3A_166 : i32
    %rem3A_170 = arith.remsi %add3A_148, %select_n3A_169 : i32
    %ne3A_171 = arith.constant 0 : i32
    %ne3A_172 = arith.cmpi ne, %rem3A_170, %ne3A_171 : i32
    %lt3A = arith.constant 0 : i32
    %lt3A_173 = arith.cmpi slt, %rem3A_170, %lt3A : i32
    %lt3A_174 = arith.constant 0 : i32
    %lt3A_175 = arith.cmpi slt, %select_n3A_169, %lt3A_174 : i32
    %ne3A_176 = arith.xori %lt3A_173, %lt3A_175 : i1
    %and3A_177 = arith.andi %ne3A_176, %ne3A_172 : i1
    %add3A_178 = arith.addi %rem3A_170, %select_n3A_169 : i32
    %select_n3A_179 = arith.select %and3A_177, %add3A_178, %rem3A_170 : i32
    %mul3A_180 = arith.constant 128 : i32
    %mul3A_181 = arith.muli %select_n3A_179, %mul3A_180 : i32
    %dma_wait3A = arith.constant 0 : i32
    %dma_wait3A_182 = arith.constant 0 : i32
    %dma_wait3A_183 = arith.constant 0 : i32
    %dma_wait3A_184 = arith.constant 0 : i32
    %dma_wait3A_185 = tpu.memref_slice %arg7[%dma_wait3A_182, %dma_wait3A_183, %dma_wait3A_184] : memref<2x64x128xf32, #tpu.memory_space<vmem>> -> memref<1x64x128xf32, #tpu.memory_space<vmem>>
    %dma_wait3A_186 = arith.constant 0 : i32
    %dma_wait3A_187 = tpu.memref_slice %arg4[%select_n3A, %dma_wait3A_186, %mul3A_181] : memref<50x64x16384xf32, #tpu.memory_space<hbm>> -> memref<1x64x128xf32, #tpu.memory_space<hbm>>
    %dma_wait3A_188 = tpu.memref_slice %arg9[%dma_wait3A] : memref<2x!tpu.dma_semaphore, #tpu.memory_space<semaphore_mem>> -> memref<1x!tpu.dma_semaphore, #tpu.memory_space<semaphore_mem>>
    %dma_wait3A_189 = tpu.memref_squeeze %dma_wait3A_188 : memref<1x!tpu.dma_semaphore, #tpu.memory_space<semaphore_mem>> -> memref<!tpu.dma_semaphore, #tpu.memory_space<semaphore_mem>>
    %dma_wait3A_190 = arith.constant 0 : i32
    %dma_wait3A_191 = tpu.memref_slice %arg4[%select_n3A, %dma_wait3A_190, %mul3A_181] : memref<50x64x16384xf32, #tpu.memory_space<hbm>> -> memref<1x64x128xf32, #tpu.memory_space<hbm>>
    %dma_wait3A_192 = arith.constant 0 : i32
    %dma_wait3A_193 = arith.constant 0 : i32
    %dma_wait3A_194 = arith.constant 0 : i32
    %dma_wait3A_195 = tpu.memref_slice %arg7[%dma_wait3A_192, %dma_wait3A_193, %dma_wait3A_194] : memref<2x64x128xf32, #tpu.memory_space<vmem>> -> memref<1x64x128xf32, #tpu.memory_space<vmem>>
    tpu.wait_dma2 semaphore(%dma_wait3A_189 : memref<!tpu.dma_semaphore, #tpu.memory_space<semaphore_mem>>) src(%dma_wait3A_195 : memref<1x64x128xf32, #tpu.memory_space<vmem>>) dst(%dma_wait3A_191 : memref<1x64x128xf32, #tpu.memory_space<hbm>>)
    %add3A_196 = arith.constant 199 : i32
    %add3A_197 = arith.addi %mul3A_2, %add3A_196 : i32
    %jit3A_198 = arith.constant 128 : i32
    %div3A_199 = arith.divsi %add3A_197, %jit3A_198 : i32
    %sign3A_200 = arith.constant 0 : i32
    %sign3A_201 = arith.cmpi sgt, %add3A_197, %sign3A_200 : i32
    %sign3A_202 = arith.extui %sign3A_201 : i1 to i32
    %sign3A_203 = arith.constant 0 : i32
    %sign3A_204 = arith.cmpi slt, %add3A_197, %sign3A_203 : i32
    %sign3A_205 = arith.extui %sign3A_204 : i1 to i32
    %sign3A_206 = arith.subi %sign3A_202, %sign3A_205 : i32
    %sign3A_207 = arith.constant 0 : i32
    %sign3A_208 = arith.cmpi sgt, %jit3A_198, %sign3A_207 : i32
    %sign3A_209 = arith.extui %sign3A_208 : i1 to i32
    %sign3A_210 = arith.constant 0 : i32
    %sign3A_211 = arith.cmpi slt, %jit3A_198, %sign3A_210 : i32
    %sign3A_212 = arith.extui %sign3A_211 : i1 to i32
    %sign3A_213 = arith.subi %sign3A_209, %sign3A_212 : i32
    %ne3A_214 = arith.cmpi ne, %sign3A_206, %sign3A_213 : i32
    %rem3A_215 = arith.remsi %add3A_197, %jit3A_198 : i32
    %ne3A_216 = arith.constant 0 : i32
    %ne3A_217 = arith.cmpi ne, %rem3A_215, %ne3A_216 : i32
    %and3A_218 = arith.andi %ne3A_214, %ne3A_217 : i1
    %sub3A_219 = arith.constant 1 : i32
    %sub3A_220 = arith.subi %div3A_199, %sub3A_219 : i32
    %select_n3A_221 = arith.select %and3A_218, %sub3A_220, %div3A_199 : i32
    %jit3A_222 = arith.constant 128 : i32
    %eq3A_223 = arith.constant 0 : i32
    %eq3A_224 = arith.cmpi eq, %jit3A_222, %eq3A_223 : i32
    %jit3A_225 = arith.constant 1 : i32
    %select_n3A_226 = arith.select %eq3A_224, %jit3A_225, %jit3A_222 : i32
    %rem3A_227 = arith.remsi %add3A_197, %select_n3A_226 : i32
    %ne3A_228 = arith.constant 0 : i32
    %ne3A_229 = arith.cmpi ne, %rem3A_227, %ne3A_228 : i32
    %lt3A_230 = arith.constant 0 : i32
    %lt3A_231 = arith.cmpi slt, %rem3A_227, %lt3A_230 : i32
    %lt3A_232 = arith.constant 0 : i32
    %lt3A_233 = arith.cmpi slt, %select_n3A_226, %lt3A_232 : i32
    %ne3A_234 = arith.xori %lt3A_231, %lt3A_233 : i1
    %and3A_235 = arith.andi %ne3A_234, %ne3A_229 : i1
    %add3A_236 = arith.addi %rem3A_227, %select_n3A_226 : i32
    %select_n3A_237 = arith.select %and3A_235, %add3A_236, %rem3A_227 : i32
    %mul3A_238 = arith.constant 128 : i32
    %mul3A_239 = arith.muli %select_n3A_237, %mul3A_238 : i32
    %dma_wait3A_240 = arith.constant 1 : i32
    %dma_wait3A_241 = arith.constant 1 : i32
    %dma_wait3A_242 = arith.constant 0 : i32
    %dma_wait3A_243 = arith.constant 0 : i32
    %dma_wait3A_244 = tpu.memref_slice %arg7[%dma_wait3A_241, %dma_wait3A_242, %dma_wait3A_243] : memref<2x64x128xf32, #tpu.memory_space<vmem>> -> memref<1x64x128xf32, #tpu.memory_space<vmem>>
    %dma_wait3A_245 = arith.constant 0 : i32
    %dma_wait3A_246 = tpu.memref_slice %arg4[%select_n3A_221, %dma_wait3A_245, %mul3A_239] : memref<50x64x16384xf32, #tpu.memory_space<hbm>> -> memref<1x64x128xf32, #tpu.memory_space<hbm>>
    %dma_wait3A_247 = tpu.memref_slice %arg9[%dma_wait3A_240] : memref<2x!tpu.dma_semaphore, #tpu.memory_space<semaphore_mem>> -> memref<1x!tpu.dma_semaphore, #tpu.memory_space<semaphore_mem>>
    %dma_wait3A_248 = tpu.memref_squeeze %dma_wait3A_247 : memref<1x!tpu.dma_semaphore, #tpu.memory_space<semaphore_mem>> -> memref<!tpu.dma_semaphore, #tpu.memory_space<semaphore_mem>>
    %dma_wait3A_249 = arith.constant 0 : i32
    %dma_wait3A_250 = tpu.memref_slice %arg4[%select_n3A_221, %dma_wait3A_249, %mul3A_239] : memref<50x64x16384xf32, #tpu.memory_space<hbm>> -> memref<1x64x128xf32, #tpu.memory_space<hbm>>
    %dma_wait3A_251 = arith.constant 1 : i32
    %dma_wait3A_252 = arith.constant 0 : i32
    %dma_wait3A_253 = arith.constant 0 : i32
    %dma_wait3A_254 = tpu.memref_slice %arg7[%dma_wait3A_251, %dma_wait3A_252, %dma_wait3A_253] : memref<2x64x128xf32, #tpu.memory_space<vmem>> -> memref<1x64x128xf32, #tpu.memory_space<vmem>>
    tpu.wait_dma2 semaphore(%dma_wait3A_248 : memref<!tpu.dma_semaphore, #tpu.memory_space<semaphore_mem>>) src(%dma_wait3A_254 : memref<1x64x128xf32, #tpu.memory_space<vmem>>) dst(%dma_wait3A_250 : memref<1x64x128xf32, #tpu.memory_space<hbm>>)
    return
  }
}

</mosaic_0001>

<sc_bundles>
// kernel: kernel.3.cloned.1.call-start
scs
__scs_entry_jumppad:
0x0: {  	(pc) =	sbr.rel $0x88, $3  }
0x1: {  	(tag) =	ssettag $0x0;
	lr =	simm.s32 $0x1  }
0x2: {  	[smem:$0x3F9F] =	sst lr;
	_ =	strace $0xD0000000  }
0x3: {  	_ = 	snop  }
0x4: {  	_ = 	snop  }
0x5: {  	_ = 	snop  }
0x6: {  	_ = 	snop  }
0x7: {  	_ = 	snop  }
__scs_overlays_trampoline_lowered:
0x8: {  	[smem:$0x3FAE] =	sst s0  }
0x9: {  	[smem:$0x3FAF] =	sst s1  }
0xa: {  	[smem:$0x3FB0] =	sst s2  }
0xb: {  	[smem:$0x3FB1] =	sst s3  }
0xc: {  	[smem:$0x3FB2] =	sst s4  }
0xd: {  	[smem:$0x3FB3] =	sst s5  }
0xe: {  	[smem:$0x3FB4] =	sst s6  }
0xf: {  	[smem:$0x3FB5] =	sst s7  }
0x10: {  	[smem:$0x3FB6] =	sst s8  }
0x11: {  	[smem:$0x3FB7] =	sst s9;
	s0 =	simm.s32 @!p0 $0x0  }
0x12: {  	s1 =	sld [smem:$0x3F9D];
	s0 =	simm.s32 @p0 $0x1  }
0x13: {  	[smem:$0x3FB8] =	sst s0;
	s0 =	simm.s32 @!p1 $0x0  }
0x14: {  	s2 =	sld [smem:$0x3F9C];
	s0 =	simm.s32 @p1 $0x1  }
0x15: {  	[smem:$0x3FB9] =	sst s0;
	s0 =	simm.s32 @!p2 $0x0  }
0x16: {  	s3 =	sld [smem:$0x3FDB];
	s0 =	simm.s32 @p2 $0x1  }
0x17: {  	s4 =	simm.s32 $0x1BF5;
	[smem:$0x3FBB] =	sst s0  }
0x18: {  	s0 =	sld [smem:$0x3F9E];
	_ =	swait.ge [sflag:s4], $0x0  }
0x19: {  	s7 =	sld [smem:$0x3F9F]  }
0x1a: {  	s8 =	sadd.s32 $0xFFFFE003, lr  }
0x1b: {  	s9 =	sadd.s32 $0xFFFFFEF7, lr;
	s5 =	simm.s32 $0xFFFFFFFF;
	p2 =	slt.u32 s8, $0xFFFFF086  }
0x1c: {  	p1 =	slt.u32 s9, $0xF7A;
	s5 =	simm.s32 @!p2 $0x0  }
0x1d: {  	s5 =	simm.s32 @p1 $0x1;
	p0 =	seq.s32 s7, s2  }
0x1e: {  	s7 =	smul.u32 @!p0 $0xF7A, s2;
	p2 =	seq.s32 @!p0 s5, $0x0  }
0x1f: {  	s9 =	smul.u32 $0xF7A, s1;
	s8 =	simm.s32 @!p0 $0x1BF5;
	p2 =	por !p2, p0  }
0x20: {  	[sflag:s8] =	ssyncset.s32 @!p0 $0xFFFFF086;
	s6 =	sadd.s32 @!p0 s3, s7;
	s7 =	simm.s32 @!p0 $0x108  }
0x21: {  	s3 =	sadd.s32 s3, s9;
	s6 =	sadd.s32 @!p0 $0x88, s6;
	s7 =	simm.s32 @p2 $0x1082  }
0x22: {  	[simem:s7], [sflag:s8] =	dma.local @!p0 [hbm:s6], $0xF7A  }
0x23: {  	s9 =	sor.u32 $0xD0000000, s2;
	s6 =	simm.s32 $0x108;
	_ =	swait.ge @!p0 [sflag:s8], $0x0  }
0x24: {  	s3 =	sadd.s32 $0x88, s3;
	s6 =	simm.s32 @!p1 $0x1082;
	[sflag:s4] =	ssyncset.s32 $0xFFFFF086  }
0x25: {  	[simem:s6], [sflag:s4] =	dma.local [hbm:s3], $0xF7A  }
0x26: {  	[smem:$0x3F9F] =	sst s1;
	(tag) =	ssettag s2;
	_ =	strace s9  }
0x27: {  	s1 =	sld [smem:$0x3FAF]  }
0x28: {  	s2 =	sld [smem:$0x3FB0]  }
0x29: {  	s4 =	sld [smem:$0x3FB2]  }
0x2a: {  	p0 =	seq.s32 s5, $0x0;
	s5 =	sld [smem:$0x3FB3]  }
0x2b: {  	s6 =	sld [smem:$0x3FB4]  }
0x2c: {  	s7 =	sld [smem:$0x3FB5]  }
0x2d: {  	s3 =	simm.s32 $0x108;
	s8 =	sld [smem:$0x3FB6]  }
0x2e: {  	s3 =	simm.s32 @!p0 $0x1082;
	s9 =	sld [smem:$0x3FB7]  }
0x2f: {  	lr =	sadd.s32 s0, s3;
	s0 =	sld [smem:$0x3FAE]  }
0x30: {  	s3 =	sld [smem:$0x3FB1]  }
0x31: {  	[smem:$0x3FBA] =	sst s10  }
0x32: {  	s10 =	sld [smem:$0x3FB8];
	_ =	sdelay $0x3  }
0x33: {  	p0 =	seq.s32 s10, $0x1;
	s10 =	sld [smem:$0x3FBA];
	_ =	sdelay $0x3  }
0x34: {  	[smem:$0x3FBA] =	sst s10  }
0x35: {  	s10 =	sld [smem:$0x3FB9];
	_ =	sdelay $0x3  }
0x36: {  	p1 =	seq.s32 s10, $0x1;
	s10 =	sld [smem:$0x3FBA];
	_ =	sdelay $0x3  }
0x37: {  	[smem:$0x3FBA] =	sst s10  }
0x38: {  	s10 =	sld [smem:$0x3FBB]  }
0x39: {  	_ = 	snop;
	(pc) =	sbr.ind lr, $3  }
0x3a: {  	_ = 	snop  }
0x3b: {  	_ = 	snop  }
0x3c: {  	p2 =	seq.s32 s10, $0x1;
	s10 =	sld [smem:$0x3FBA]  }
0x3d: {  	_ =	shalt  }
0x3e: {  	_ =	shalt  }
0x3f: {  	_ =	shalt  }
0x40: {  	_ =	shalt  }
0x41: {  	_ =	shalt  }
0x42: {  	_ =	shalt  }
0x43: {  	_ =	shalt  }
0x44: {  	_ =	shalt  }
0x45: {  	_ =	shalt  }
0x46: {  	_ =	shalt  }
0x47: {  	_ =	shalt  }
0x48: {  	_ =	shalt  }
0x49: {  	_ =	shalt  }
0x4a: {  	_ =	shalt  }
0x4b: {  	_ =	shalt  }
0x4c: {  	_ =	shalt  }
0x4d: {  	_ =	shalt  }
0x4e: {  	_ =	shalt  }
0x4f: {  	_ =	shalt  }
0x50: {  	_ =	shalt  }
0x51: {  	_ =	shalt  }
0x52: {  	_ =	shalt  }
0x53: {  	_ =	shalt  }
0x54: {  	_ =	shalt  }
0x55: {  	_ =	shalt  }
0x56: {  	_ =	shalt  }
0x57: {  	_ =	shalt  }
0x58: {  	_ =	shalt  }
0x59: {  	_ =	shalt  }
0x5a: {  	_ =	shalt  }
0x5b: {  	_ =	shalt  }
0x5c: {  	_ =	shalt  }
0x5d: {  	_ =	shalt  }
0x5e: {  	_ =	shalt  }
0x5f: {  	_ =	shalt  }
0x60: {  	_ =	shalt  }
0x61: {  	_ =	shalt  }
0x62: {  	_ =	shalt  }
0x63: {  	_ =	shalt  }
0x64: {  	_ =	shalt  }
0x65: {  	_ =	shalt  }
0x66: {  	_ =	shalt  }
0x67: {  	_ =	shalt  }
0x68: {  	_ =	shalt  }
0x69: {  	_ =	shalt  }
0x6a: {  	_ =	shalt  }
0x6b: {  	_ =	shalt  }
0x6c: {  	_ =	shalt  }
0x6d: {  	_ =	shalt  }
0x6e: {  	_ =	shalt  }
0x6f: {  	_ =	shalt  }
0x70: {  	_ =	shalt  }
0x71: {  	_ =	shalt  }
0x72: {  	_ =	shalt  }
0x73: {  	_ =	shalt  }
0x74: {  	_ =	shalt  }
0x75: {  	_ =	shalt  }
0x76: {  	_ =	shalt  }
0x77: {  	_ =	shalt  }
0x78: {  	_ =	shalt  }
0x79: {  	_ =	shalt  }
0x7a: {  	_ =	shalt  }
0x7b: {  	_ =	shalt  }
0x7c: {  	_ =	shalt  }
0x7d: {  	_ =	shalt  }
0x7e: {  	_ =	shalt  }
0x7f: {  	_ =	shalt  }
0x80: {  	_ =	shalt  }
0x81: {  	_ =	shalt  }
0x82: {  	_ =	shalt  }
0x83: {  	_ =	shalt  }
0x84: {  	_ =	shalt  }
0x85: {  	_ =	shalt  }
0x86: {  	_ =	shalt  }
0x87: {  	_ =	shalt  }
.Lfunc_end0:
.L_simem_size_0:
called_computation_lowered:
.L_overlay_start_0:
0x88: {  	s2 =	sld [smem:$0x3FD9]  }
0x89: {  	s3 =	sld [smem:$0x3FFE];
	_ =	sdelay $0x1  }
0x8a: {  	s1 =	srdreg.scid  }
0x8b: {  	s0 =	sand.u32 $0x1, s1  }
0x8c: {  	s17 =	sshll.u32 s0, $0xA;
	s2 =	sadd.s32 s3, s2  }
0x8d: {  	s2 =	sadd.s32 s2, s17  }
0x8e: {  	[smem:$0x3FC6] =	sst s2  }
0x8f: {  	_ = 	snop  }
0x90: {  	s2 =	sld [smem:$0x3FD0];
	(tm) =	ssettm $0x1  }
0x91: {  	s18 =	sld [smem:$0x3FFB];
	_ =	sdelay $0x3  }
0x92: {  	_ =	strace s18  }
0x93: {  	s3 =	sld [smem:$0x3FFC];
	_ =	sdelay $0x3  }
0x94: {  	_ =	strace s3  }
0x95: {  	s3 =	sld [smem:$0x3FFD];
	_ =	sdelay $0x3  }
0x96: {  	_ =	strace s3  }
0x97: {  	_ =	strace $0x8FFFFFFF  }
0x98: {  	s19 =	sld [smem:$0x3FDB];
	_ =	sdelay $0x1  }
0x99: {  	s4 =	simm.s32 $_scs_section_size  }
0x9a: {  	s5 =	simm.s32 $_size__tile_overlayer_lowered;
	s6 =	simm.s32 $_tile_overlayer_lowered  }
0x9b: {  	s22 =	simm.s32 $0x1BFF;
	s21 =	sshll.u32 s6, $0x1;
	s3 =	sadd.s32 s4, s19  }
0x9c: {  	s7 =	simm.s32 $0x0;
	s20 =	sshll.u32 s5, $0x1;
	s5 =	sadd.s32 s21, s3  }
0x9d: {  	[timem:s7], [sflag:s22] =	dma.local [hbm:s5], s20  }
0x9e: {  	_ =	swait.ge [sflag:s22], s20  }
0x9f: {  	s4 =	ssub.s32 $0x0, s20;
	[sflag:s22] =	ssyncset.done $0x0  }
0xa0: {  	[sflag:s22] =	ssyncadd.s32 s4;
	_ =	sdelay $0x1  }
0xa1: {  	s23 =	simm.s32 $0x1B8B  }
0xa2: {  	_ =	swait.ge [sflag:s23], $0x1  }
0xa3: {  	[sflag:s23] =	ssyncset.done $0x0  }
0xa4: {  	s25 =	simm.s32 $0x1B8E;
	s24 =	sld [smem:$0x3FFE];
	[sflag:s23] =	ssyncadd.s32 $0xFFFFFFFF  }
0xa5: {  	s26 =	simm.s32 $execute0_lowered;
	[smem:$0x3FD2] =	sst s25  }
0xa6: {  	s5 =	sshll.u32 s26, $0x1;
	_ =	strace $0x80000046;
	[dreg:$0x1] =	wrdreg $0xFFFFFFFF  }
0xa7: {  	s28 =	simm.s32 $_size_execute0_lowered;
	s3 =	sadd.s32 s3, s5;
	[dreg:$0x0] =	wrdreg $0x0  }
0xa8: {  	s5 =	sshll.u32 s28, $0x1;
	[dreg:$0x2] =	wrdreg s3  }
0xa9: {  	[dreg:$0x3] =	wrdreg s5  }
0xaa: {  	[dreg:$0x4] =	wrdreg $0xC0  }
0xab: {  	_ =	task [dreg:s7], $0x5FFFF  }
0xac: {  	[dreg:$0x1] =	wrdreg $0xFFFFFFFF  }
0xad: {  	[dreg:$0x0] =	wrdreg $0x60  }
0xae: {  	[dreg:$0x2] =	wrdreg s24  }
0xaf: {  	[dreg:$0x3] =	wrdreg s2  }
0xb0: {  	[dreg:$0x4] =	wrdreg $0x9  }
0xb1: {  	_ =	task.clear_ibuf [dreg:s7], $0x5FFFF;
	_ =	strace $0x90000046  }
0xb2: {  	s29 =	simm.s32 $0x9;
	_ =	strace $0x80000048  }
0xb3: {  	_ =	swait.ge [sflag:s29], $0x1  }
0xb4: {  	[sflag:s29] =	ssyncadd.s32 $0xFFFFFFFF  }
0xb5: {  	_ =	strace $0x90000048  }
0xb6: {  	_ =	sfence  }
0xb7: {  	s30 =	sld [smem:$0x0];
	_ =	sdelay $0x2  }
0xb8: {  	s31 =	sshll.u32 s1, $0xD;
	s1 =	sshrl.u32 s1, $0x2  }
0xb9: {  	s3 =	sand.u32 $0x4000, s31;
	s1 =	sadd.s32 s1, s30  }
0xba: {  	s0 =	sor.u32 s3, s0;
	s1 =	sshll.u32 s1, $0x11  }
0xbb: {  	s0 =	sor.u32 s1, s0  }
0xbc: {  	s0 =	sadd.s32 $0x8F2B, s0  }
0xbd: {  	[sflag:s0] =	ssyncadd.remote.s32 $0x1  }
0xbe: {  	_ =	sfence.sel $0xFFFF  }
0xbf: {  	[dreg:$0x0] =	wrdreg $0xFFFFFFFF;
	(pc) =	sbr.abs _section_cstart, $3  }
0xc0: {  	[dreg:$0x1] =	wrdreg $0xFFFFFFFF  }
0xc1: {  	_ =	task.clear_ibuf [dreg:s7], $0x2FFFF;
	_ =	strace $0x9FFFFFFF  }
0xc2: {  	(tm) =	ssettm $0x7FFFFFFF  }
0xc3: {  	_ =	shalt  }
tec
execute0_lowered:
.L_overlay_start_1:
0x0: {  	(tag) =	ssettag $0x1  }
0x1: {  	v0 =	vimm.s32 $0xFEDCBA9  }
0x2: {  	v2 =	vimm.s32 $0x87654321;
	v3 =	vimm.s32 $0x98765432;
	v4 =	vimm.s32 $0x210FEDCB  }
0x3: {  	v5 =	vimm.s32 $0xA9876543;
	v15 =	vimm.s32 $0xCBA98765;
	v17 =	vimm.s32 $0x6543210F  }
0x4: {  	v18 =	vimm.s32 $0xEDCBA987;
	v19 =	vimm.s32 $0xFEDCBA98;
	v20 =	vimm.s32 $0x76543210  }
0x5: {  	v1 =	vunpack.c.l.s4.s8 v0;
	v0 =	vlaneseq.u32;
	v3 =	vunpack.c.l.s4.s8 v3  }
0x6: {  	v4 =	vunpack.c.l.s4.s8 v4;
	v17 =	vunpack.c.l.s4.s8 v17;
	v18 =	vunpack.c.l.s4.s8 v18  }
0x7: {  	v19 =	vunpack.c.l.s4.s8 v19;
	v7 =	vunpack.c.0.s8.s32 v1;
	v1 =	vunpack.c.l.s4.s8 v2  }
0x8: {  	v2 =	vimm.s32 $0x10FEDCBA;
	v10 =	vunpack.c.0.s8.s32 v3;
	v11 =	vunpack.c.0.s8.s32 v4  }
0x9: {  	v17 =	vunpack.c.0.s8.s32 v17;
	v18 =	vunpack.c.0.s8.s32 v18;
	v2 =	vunpack.c.l.s4.s8 v2  }
0xa: {  	v19 =	vunpack.c.0.s8.s32 v19;
	v8 =	vunpack.c.0.s8.s32 v1;
	v1 =	vunpack.c.l.s4.s8 v5  }
0xb: {  	v23 =	vcombine.low v18, v17;
	v9 =	vunpack.c.0.s8.s32 v2;
	v2 =	vimm.s32 $0x3210FEDC  }
0xc: {  	v19 =	vand.u32 $0xF, v19;
	v12 =	vunpack.c.0.s8.s32 v1;
	v1 =	vunpack.c.l.s4.s8 v2  }
0xd: {  	v2 =	vimm.s32 $0xBA987654;
	v3 =	vcombine.low v8, v7;
	v63 =	vcombine.low v7, v8  }
0xe: {  	v8 =	vand.u32 $0xF, v23;
	v4 =	vcombine.low v10, v9;
	v2 =	vunpack.c.l.s4.s8 v2  }
0xf: {  	s0 =	rddreg [dreg:$0x0];
	v10 =	vcombine.low v9, v10;
	v5 =	vcombine.low v12, v11;
	v13 =	vunpack.c.0.s8.s32 v1  }
0x10: {  	s1 =	srdreg.scid;
	s3 =	stileid.u32;
	v1 =	vimm.s32 $0x43210FED;
	v11 =	vcombine.low v11, v12;
	v14 =	vunpack.c.0.s8.s32 v2  }
0x11: {  	s2 =	rddreg [dreg:$0x1];
	s8 =	simm.s32 $0x7;
	s9 =	simm.s32 $0x80;
	v6 =	vunpack.c.l.s4.s8 v1;
	v2 =	vand.u32 $0xF, v4;
	v4 =	vunpack.c.l.s4.s8 v15  }
0x12: {  	s10 =	simm.s32 $0x6400;
	s11 =	simm.s32 $0xA400;
	s13 =	simm.s32 $0xE400;
	v9 =	vand.u32 $0xF, v63;
	v1 =	vand.u32 $0xF, v3;
	v10 =	vand.u32 $0xF, v10  }
0x13: {  	s14 =	simm.s32 $0x12400;
	s15 =	simm.s32 $0x1;
	s16 =	simm.s32 $0x16400;
	v3 =	vand.u32 $0xF, v5;
	v15 =	vunpack.c.0.s8.s32 v6;
	v16 =	vunpack.c.0.s8.s32 v4  }
0x14: {  	s17 =	simm.s32 $0x400;
	s18 =	simm.s32 $0x20000;
	s19 =	simm.s32 $0x2;
	v4 =	vimm.s32 $0x543210FE;
	v6 =	vimm.s32 $0xDCBA9876;
	v12 =	vcombine.low v13, v14  }
0x15: {  	s20 =	simm.s32 $0x6;
	s21 =	simm.s32 $0x18400;
	s22 =	simm.s32 $0x3;
	v11 =	vand.u32 $0xF, v11;
	v4 =	vunpack.c.l.s4.s8 v4;
	v6 =	vunpack.c.l.s4.s8 v6  }
0x16: {  	s23 =	simm.s32 $0x5;
	s1 =	sand.u32 $0x1, s1;
	s4 =	sshll.u32 s3, $0x1;
	v5 =	vcombine.low v14, v13;
	v13 =	vcombine.low v15, v16;
	v12 =	vand.u32 $0xF, v12  }
0x17: {  	s24 =	simm.s32 $0x4;
	s3 =	simm.s32 $0x0;
	s5 =	sor.u32 s1, s4;
	v21 =	vunpack.c.0.s8.s32 v4;
	v22 =	vunpack.c.0.s8.s32 v6;
	v6 =	vunpack.c.l.s4.s8 v20  }
0x18: {  	[smem:$0x7FF] =	sst s3;
	s1 =	ssub.s32 $0x2, s1;
	s4 =	smul.u32 $0xC80, s5;
	v4 =	vand.u32 $0xF, v5;
	v5 =	vcombine.low v16, v15;
	v15 =	vcombine.low v17, v18  }
0x19: {  	s25 =	simm.s32 $0x0;
	_ =	strace $0x80000047;
	s6 =	sshrl.u32 s1, $0x1;
	v6 =	vunpack.c.0.s8.s32 v6;
	v62 =	vcombine.low v22, v21;
	v14 =	vcombine.low v21, v22  }
0x1a: {  	s5 =	smul.u32 $0xC8, s5;
	s31 =	ssub.s32 s1, s6;
	s7 =	sadd.s32 s4, s0;
	v13 =	vand.u32 $0xF, v13;
	v5 =	vand.u32 $0xF, v5;
	v15 =	vand.u32 $0xF, v15  }
0x1b: {  	s4 =	sadd.s32 $0xF5BA00, s0;
	s6 =	sadd.s32 $0xF42A00, s7;
	s7 =	smax.u32 s31, $0x1;
	v6 =	vcombine.low v19, v6;
	v7 =	vand.u32 $0xF, v62;
	v14 =	vand.u32 $0xF, v14  }
.LBB2_1:
0x1c: {  	[tilespmem:s3], [sflag:$0x7] =	stream.linear.gather [hbm4b:s6+s3], $0x6400, $0x38;
	[tilespmem:$0x1A400] =	vst v63  }
0x1d: {  	_ =	swait.ge [sflag:s8], $0x6400  }
0x1e: {  	[sflag:s8] =	ssyncset.done $0x0  }
0x1f: {  	[sflag:s8] =	ssyncadd.s32 $0xFFFF9C00  }
0x20: {  	[tilespmem:s10], [sflag:$0x1] =	stream.indirect.gather [hbm4b:s4+s9], $0x80, s3, s9, $0xb8;
	[tilespmem:$0x1A400] =	vst v63  }
0x21: {  	_ = 	snop  }
0x22: {  	[tilespmem:s11], [sflag:$0x2] =	stream.indirect.gather [hbm4b:s4+s9], $0x80, s9, s9, $0xb8;
	[tilespmem:$0x1A400] =	vst v63  }
0x23: {  	s0 =	simm.s32 $0x100;
	s26 =	simm.s32 $0x0  }
0x24: {  	[tilespmem:s13], [sflag:$0x3] =	stream.indirect.gather [hbm4b:s4+s9], $0x80, s0, s9, $0xb8;
	[tilespmem:$0x1A400] =	vst v63  }
.LBB2_2:
0x25: {  	s28 =	sshllo.u32 s26, $0x2  }
0x26: {  	s12 =	simm.s32 $0x0;
	s0 =	sshll.u32 s28, $0x7  }
0x27: {  	s1 =	sand.u32 $0x70, s12;
	s0 =	sand.u32 $0x3FFFFF80, s0  }
0x28: {  	[tilespmem:s14], [sflag:$0x4] =	stream.indirect.gather [hbm4b:s4+s9], $0x80, s0, s9, $0xb8;
	[tilespmem:$0x1A400] =	vst v63  }
0x29: {  	v16 =	vor.u32 s1, v0;
	s0 =	sand.u32 $0x30, s12  }
0x2a: {  	v19 =	vshll.u32 v16, $0x7;
	_ =	swait.ge [sflag:s15], $0x4000;
	v17 =	vor.u32 s0, v0  }
0x2b: {  	p0 =	seq.s32 s26, $0x0;
	[sflag:s15] =	ssyncset.done $0x0;
	v18 =	vor.u32 v17, v19  }
0x2c: {  	s1 =	simm.s32 @!p0 $0x5;
	[sflag:s15] =	ssyncadd.s32 $0xFFFFC000  }
0x2d: {  	_ =	swait.ge @!p0 [sflag:s1], $0x2000  }
0x2e: {  	[sflag:s1] =	ssyncset.done @!p0 $0x0  }
0x2f: {  	v17 =	vshll.u32 v17, $0x7;
	[sflag:s1] =	ssyncadd.s32 @!p0 $0xFFFFE000  }
0x30: {  	v20 =	vor.u32 s0, v1;
	v17 =	vor.u32 v16, v17;
	v18 =	vld.idx.msk [tilespmem:v18+s10+$0x0], $0xffff  }
0x31: {  	v21 =	vor.u32 v20, v19;
	_ =	sdelay $0x3  }
0x32: {  	[tilespmem:v17+s16+$0x0] =	vst.idx.msk $0xffff, v18;
	v17 =	vshll.u32 v20, $0x7  }
0x33: {  	v20 =	vor.u32 s0, v2;
	v18 =	vld.idx.msk [tilespmem:v21+s10+$0x0], $0xffff;
	v17 =	vor.u32 v16, v17  }
0x34: {  	v50 =	vor.u32 v20, v19;
	_ =	sdelay $0x3  }
0x35: {  	[tilespmem:v17+s16+$0x0] =	vst.idx.msk $0xffff, v18;
	v17 =	vshll.u32 v20, $0x7  }
0x36: {  	v20 =	vor.u32 s0, v3;
	v18 =	vld.idx.msk [tilespmem:v50+s10+$0x0], $0xffff;
	v17 =	vor.u32 v16, v17  }
0x37: {  	v51 =	vor.u32 v20, v19;
	_ =	sdelay $0x3  }
0x38: {  	[tilespmem:v17+s16+$0x0] =	vst.idx.msk $0xffff, v18;
	v17 =	vshll.u32 v20, $0x7  }
0x39: {  	v20 =	vor.u32 s0, v4;
	v18 =	vld.idx.msk [tilespmem:v51+s10+$0x0], $0xffff;
	v17 =	vor.u32 v16, v17  }
0x3a: {  	v52 =	vor.u32 v20, v19;
	_ =	sdelay $0x3  }
0x3b: {  	[tilespmem:v17+s16+$0x0] =	vst.idx.msk $0xffff, v18;
	v17 =	vshll.u32 v20, $0x7  }
0x3c: {  	v20 =	vor.u32 s0, v5;
	v18 =	vld.idx.msk [tilespmem:v52+s10+$0x0], $0xffff;
	v17 =	vor.u32 v16, v17  }
0x3d: {  	v53 =	vor.u32 v20, v19;
	_ =	sdelay $0x3  }
0x3e: {  	[tilespmem:v17+s16+$0x0] =	vst.idx.msk $0xffff, v18;
	v17 =	vshll.u32 v20, $0x7  }
0x3f: {  	v20 =	vor.u32 s0, v7;
	v18 =	vld.idx.msk [tilespmem:v53+s10+$0x0], $0xffff;
	v17 =	vor.u32 v16, v17  }
0x40: {  	v54 =	vor.u32 v20, v19;
	_ =	sdelay $0x3  }
0x41: {  	[tilespmem:v17+s16+$0x0] =	vst.idx.msk $0xffff, v18;
	v17 =	vshll.u32 v20, $0x7  }
0x42: {  	v20 =	vor.u32 s0, v8;
	v18 =	vld.idx.msk [tilespmem:v54+s10+$0x0], $0xffff;
	v17 =	vor.u32 v16, v17  }
0x43: {  	v55 =	vor.u32 v20, v19;
	_ =	sdelay $0x3  }
0x44: {  	[tilespmem:v17+s16+$0x0] =	vst.idx.msk $0xffff, v18;
	v17 =	vshll.u32 v20, $0x7  }
0x45: {  	v20 =	vor.u32 s0, v6;
	v18 =	vld.idx.msk [tilespmem:v55+s10+$0x0], $0xffff;
	v17 =	vor.u32 v16, v17  }
0x46: {  	v56 =	vor.u32 v20, v19;
	_ =	sdelay $0x3  }
0x47: {  	[tilespmem:v17+s16+$0x0] =	vst.idx.msk $0xffff, v18;
	v17 =	vshll.u32 v20, $0x7  }
0x48: {  	v20 =	vor.u32 s0, v9;
	v18 =	vld.idx.msk [tilespmem:v56+s10+$0x0], $0xffff;
	v17 =	vor.u32 v16, v17  }
0x49: {  	v57 =	vor.u32 v20, v19;
	_ =	sdelay $0x3  }
0x4a: {  	[tilespmem:v17+s16+$0x0] =	vst.idx.msk $0xffff, v18;
	v17 =	vshll.u32 v20, $0x7  }
0x4b: {  	v20 =	vor.u32 s0, v10;
	v18 =	vld.idx.msk [tilespmem:v57+s10+$0x0], $0xffff;
	v17 =	vor.u32 v16, v17  }
0x4c: {  	v58 =	vor.u32 v20, v19;
	_ =	sdelay $0x3  }
0x4d: {  	[tilespmem:v17+s16+$0x0] =	vst.idx.msk $0xffff, v18;
	v17 =	vshll.u32 v20, $0x7  }
0x4e: {  	v20 =	vor.u32 s0, v11;
	v18 =	vld.idx.msk [tilespmem:v58+s10+$0x0], $0xffff;
	v17 =	vor.u32 v16, v17  }
0x4f: {  	v59 =	vor.u32 v20, v19;
	_ =	sdelay $0x3  }
0x50: {  	[tilespmem:v17+s16+$0x0] =	vst.idx.msk $0xffff, v18;
	v17 =	vshll.u32 v20, $0x7  }
0x51: {  	v20 =	vor.u32 s0, v12;
	v18 =	vld.idx.msk [tilespmem:v59+s10+$0x0], $0xffff;
	v17 =	vor.u32 v16, v17  }
0x52: {  	v60 =	vor.u32 v20, v19;
	_ =	sdelay $0x3  }
0x53: {  	[tilespmem:v17+s16+$0x0] =	vst.idx.msk $0xffff, v18;
	v17 =	vshll.u32 v20, $0x7  }
0x54: {  	v20 =	vor.u32 s0, v13;
	v18 =	vld.idx.msk [tilespmem:v60+s10+$0x0], $0xffff;
	v17 =	vor.u32 v16, v17  }
0x55: {  	v61 =	vor.u32 v20, v19;
	_ =	sdelay $0x3  }
0x56: {  	[tilespmem:v17+s16+$0x0] =	vst.idx.msk $0xffff, v18;
	v17 =	vshll.u32 v20, $0x7  }
0x57: {  	v20 =	vor.u32 s0, v14;
	v18 =	vld.idx.msk [tilespmem:v61+s10+$0x0], $0xffff;
	v17 =	vor.u32 v16, v17  }
0x58: {  	v62 =	vor.u32 v20, v19;
	_ =	sdelay $0x3  }
0x59: {  	[tilespmem:v17+s16+$0x0] =	vst.idx.msk $0xffff, v18;
	v17 =	vshll.u32 v20, $0x7  }
0x5a: {  	v18 =	vor.u32 s0, v15;
	v20 =	vld.idx.msk [tilespmem:v62+s10+$0x0], $0xffff;
	v63 =	vor.u32 v16, v17  }
0x5b: {  	v17 =	vor.u32 v18, v19;
	_ =	sdelay $0x2  }
0x5c: {  	s29 =	sshll.u32 s26, $0x2;
	s12 =	simm.s32 $0x10  }
0x5d: {  	s30 =	simm.s32 $0x20;
	s31 =	simm.s32 $0x2;
	s12 =	sand.u32 $0x70, s12;
	[tilespmem:v63+s16+$0x0] =	vst.idx.msk $0xffff, v20  }
.LBB2_3:
0x5e: {  	p1 =	sne.s32 s30, $0x1F0;
	s1 =	sand.u32 $0x30, s31;
	v19 =	vor.u32 s12, v0;
	v20 =	vld.idx.msk [tilespmem:v17+s10+$0x0], $0xffff;
	v18 =	vshll.u32 v18, $0x7  }
0x5f: {  	v21 =	vor.u32 s1, v0;
	v17 =	vshll.u32 v19, $0x7;
	v18 =	vor.u32 v16, v18;
	v16 =	vmovc v19  }
0x60: {  	v19 =	vor.u32 v21, v17;
	_ =	sdelay $0x3  }
0x61: {  	[tilespmem:v18+s16+$0x0] =	vst.idx.msk $0xffff, v20  }
0x62: {  	v18 =	vld.idx.msk [tilespmem:v19+s10+$0x0], $0xffff;
	v19 =	vshll.u32 v21, $0x7  }
0x63: {  	v20 =	vor.u32 s1, v1;
	v19 =	vor.u32 v16, v19  }
0x64: {  	v21 =	vor.u32 v20, v17;
	_ =	sdelay $0x3  }
0x65: {  	[tilespmem:v19+s16+$0x0] =	vst.idx.msk $0xffff, v18  }
0x66: {  	v19 =	vshll.u32 v20, $0x7;
	v18 =	vld.idx.msk [tilespmem:v21+s10+$0x0], $0xffff  }
0x67: {  	v20 =	vor.u32 s1, v2;
	v19 =	vor.u32 v16, v19  }
0x68: {  	v21 =	vor.u32 v20, v17;
	_ =	sdelay $0x3  }
0x69: {  	[tilespmem:v19+s16+$0x0] =	vst.idx.msk $0xffff, v18  }
0x6a: {  	v19 =	vshll.u32 v20, $0x7;
	v18 =	vld.idx.msk [tilespmem:v21+s10+$0x0], $0xffff  }
0x6b: {  	v20 =	vor.u32 s1, v3;
	v19 =	vor.u32 v16, v19  }
0x6c: {  	v21 =	vor.u32 v20, v17;
	_ =	sdelay $0x3  }
0x6d: {  	[tilespmem:v19+s16+$0x0] =	vst.idx.msk $0xffff, v18  }
0x6e: {  	v19 =	vshll.u32 v20, $0x7;
	v18 =	vld.idx.msk [tilespmem:v21+s10+$0x0], $0xffff  }
0x6f: {  	v20 =	vor.u32 s1, v4;
	v19 =	vor.u32 v16, v19  }
0x70: {  	v21 =	vor.u32 v20, v17;
	_ =	sdelay $0x3  }
0x71: {  	[tilespmem:v19+s16+$0x0] =	vst.idx.msk $0xffff, v18  }
0x72: {  	v19 =	vshll.u32 v20, $0x7;
	v18 =	vld.idx.msk [tilespmem:v21+s10+$0x0], $0xffff  }
0x73: {  	v20 =	vor.u32 s1, v5;
	v19 =	vor.u32 v16, v19  }
0x74: {  	v21 =	vor.u32 v20, v17;
	_ =	sdelay $0x3  }
0x75: {  	[tilespmem:v19+s16+$0x0] =	vst.idx.msk $0xffff, v18  }
0x76: {  	v19 =	vshll.u32 v20, $0x7;
	v18 =	vld.idx.msk [tilespmem:v21+s10+$0x0], $0xffff  }
0x77: {  	v20 =	vor.u32 s1, v7;
	v19 =	vor.u32 v16, v19  }
0x78: {  	v21 =	vor.u32 v20, v17;
	_ =	sdelay $0x3  }
0x79: {  	[tilespmem:v19+s16+$0x0] =	vst.idx.msk $0xffff, v18  }
0x7a: {  	v19 =	vshll.u32 v20, $0x7;
	v18 =	vld.idx.msk [tilespmem:v21+s10+$0x0], $0xffff  }
0x7b: {  	v20 =	vor.u32 s1, v8;
	v19 =	vor.u32 v16, v19  }
0x7c: {  	v21 =	vor.u32 v20, v17;
	_ =	sdelay $0x3  }
0x7d: {  	[tilespmem:v19+s16+$0x0] =	vst.idx.msk $0xffff, v18  }
0x7e: {  	v19 =	vshll.u32 v20, $0x7;
	v18 =	vld.idx.msk [tilespmem:v21+s10+$0x0], $0xffff  }
0x7f: {  	v20 =	vor.u32 s1, v6;
	v19 =	vor.u32 v16, v19  }
0x80: {  	v21 =	vor.u32 v20, v17;
	_ =	sdelay $0x3  }
0x81: {  	[tilespmem:v19+s16+$0x0] =	vst.idx.msk $0xffff, v18  }
0x82: {  	v19 =	vshll.u32 v20, $0x7;
	v18 =	vld.idx.msk [tilespmem:v21+s10+$0x0], $0xffff  }
0x83: {  	v20 =	vor.u32 s1, v9;
	v19 =	vor.u32 v16, v19  }
0x84: {  	v21 =	vor.u32 v20, v17;
	_ =	sdelay $0x3  }
0x85: {  	[tilespmem:v19+s16+$0x0] =	vst.idx.msk $0xffff, v18  }
0x86: {  	v19 =	vshll.u32 v20, $0x7;
	v18 =	vld.idx.msk [tilespmem:v21+s10+$0x0], $0xffff  }
0x87: {  	v20 =	vor.u32 s1, v10;
	v19 =	vor.u32 v16, v19  }
0x88: {  	v21 =	vor.u32 v20, v17;
	_ =	sdelay $0x3  }
0x89: {  	[tilespmem:v19+s16+$0x0] =	vst.idx.msk $0xffff, v18  }
0x8a: {  	v19 =	vshll.u32 v20, $0x7;
	v18 =	vld.idx.msk [tilespmem:v21+s10+$0x0], $0xffff  }
0x8b: {  	v20 =	vor.u32 s1, v11;
	v19 =	vor.u32 v16, v19  }
0x8c: {  	v21 =	vor.u32 v20, v17;
	_ =	sdelay $0x3  }
0x8d: {  	[tilespmem:v19+s16+$0x0] =	vst.idx.msk $0xffff, v18  }
0x8e: {  	v19 =	vshll.u32 v20, $0x7;
	v18 =	vld.idx.msk [tilespmem:v21+s10+$0x0], $0xffff  }
0x8f: {  	v20 =	vor.u32 s1, v12;
	v19 =	vor.u32 v16, v19  }
0x90: {  	v21 =	vor.u32 v20, v17;
	_ =	sdelay $0x3  }
0x91: {  	[tilespmem:v19+s16+$0x0] =	vst.idx.msk $0xffff, v18  }
0x92: {  	v19 =	vshll.u32 v20, $0x7;
	v18 =	vld.idx.msk [tilespmem:v21+s10+$0x0], $0xffff  }
0x93: {  	v20 =	vor.u32 s1, v13;
	v19 =	vor.u32 v16, v19  }
0x94: {  	v21 =	vor.u32 v20, v17;
	_ =	sdelay $0x3  }
0x95: {  	[tilespmem:v19+s16+$0x0] =	vst.idx.msk $0xffff, v18  }
0x96: {  	v19 =	vshll.u32 v20, $0x7;
	v18 =	vld.idx.msk [tilespmem:v21+s10+$0x0], $0xffff  }
0x97: {  	v20 =	vor.u32 s1, v14;
	v19 =	vor.u32 v16, v19  }
0x98: {  	v21 =	vor.u32 v20, v17;
	_ =	sdelay $0x3  }
0x99: {  	[tilespmem:v19+s16+$0x0] =	vst.idx.msk $0xffff, v18  }
0x9a: {  	v18 =	vshll.u32 v20, $0x7;
	v19 =	vld.idx.msk [tilespmem:v21+s10+$0x0], $0xffff  }
0x9b: {  	v20 =	vor.u32 v16, v18;
	v18 =	vor.u32 s1, v15  }
.Ltmp0:
0x9c: {  	v17 =	vor.u32 v18, v17;
	(pc) =	sbr.rel @p1 .LBB2_3-.Ltmp0, $2  }
0x9d: {  	_ =	sdelay $0x2  }
0x9e: {  	s12 =	sand.u32 $0x70, s30;
	s30 =	sadd.s32 $0x10, s30;
	s31 =	sadd.s32 $0x2, s31;
	[tilespmem:v20+s16+$0x0] =	vst.idx.msk $0xffff, v19  }
0x9f: {  	_ =	sdelay $0x2  }
0xa0: {  	s0 =	sand.u32 $0x30, s31;
	v19 =	vor.u32 s12, v0;
	v18 =	vshll.u32 v18, $0x7  }
0xa1: {  	v17 =	vld.idx.msk [tilespmem:v17+s10+$0x0], $0xffff;
	v20 =	vor.u32 s0, v0;
	v21 =	vshll.u32 v19, $0x7;
	v16 =	vor.u32 v16, v18  }
0xa2: {  	v33 =	vor.u32 v20, v21;
	_ =	sdelay $0x3  }
0xa3: {  	[tilespmem:v16+s16+$0x0] =	vst.idx.msk $0xffff, v17;
	v16 =	vshll.u32 v20, $0x7  }
0xa4: {  	v34 =	vor.u32 s0, v1;
	v17 =	vld.idx.msk [tilespmem:v33+s10+$0x0], $0xffff;
	v16 =	vor.u32 v19, v16  }
0xa5: {  	v35 =	vor.u32 v34, v21;
	_ =	sdelay $0x3  }
0xa6: {  	[tilespmem:v16+s16+$0x0] =	vst.idx.msk $0xffff, v17;
	v16 =	vshll.u32 v34, $0x7  }
0xa7: {  	v36 =	vor.u32 s0, v2;
	v17 =	vld.idx.msk [tilespmem:v35+s10+$0x0], $0xffff;
	v16 =	vor.u32 v19, v16  }
0xa8: {  	v37 =	vor.u32 v36, v21;
	_ =	sdelay $0x3  }
0xa9: {  	[tilespmem:v16+s16+$0x0] =	vst.idx.msk $0xffff, v17;
	v16 =	vshll.u32 v36, $0x7  }
0xaa: {  	v38 =	vor.u32 s0, v3;
	v17 =	vld.idx.msk [tilespmem:v37+s10+$0x0], $0xffff;
	v16 =	vor.u32 v19, v16  }
0xab: {  	v39 =	vor.u32 v38, v21;
	_ =	sdelay $0x3  }
0xac: {  	[tilespmem:v16+s16+$0x0] =	vst.idx.msk $0xffff, v17;
	v16 =	vshll.u32 v38, $0x7  }
0xad: {  	v40 =	vor.u32 s0, v4;
	v17 =	vld.idx.msk [tilespmem:v39+s10+$0x0], $0xffff;
	v16 =	vor.u32 v19, v16  }
0xae: {  	v41 =	vor.u32 v40, v21;
	_ =	sdelay $0x3  }
0xaf: {  	[tilespmem:v16+s16+$0x0] =	vst.idx.msk $0xffff, v17;
	v16 =	vshll.u32 v40, $0x7  }
0xb0: {  	v42 =	vor.u32 s0, v5;
	v17 =	vld.idx.msk [tilespmem:v41+s10+$0x0], $0xffff;
	v16 =	vor.u32 v19, v16  }
0xb1: {  	v43 =	vor.u32 v42, v21;
	_ =	sdelay $0x3  }
0xb2: {  	[tilespmem:v16+s16+$0x0] =	vst.idx.msk $0xffff, v17;
	v16 =	vshll.u32 v42, $0x7  }
0xb3: {  	v44 =	vor.u32 s0, v7;
	v17 =	vld.idx.msk [tilespmem:v43+s10+$0x0], $0xffff;
	v16 =	vor.u32 v19, v16  }
0xb4: {  	v45 =	vor.u32 v44, v21;
	_ =	sdelay $0x3  }
0xb5: {  	[tilespmem:v16+s16+$0x0] =	vst.idx.msk $0xffff, v17;
	v16 =	vshll.u32 v44, $0x7  }
0xb6: {  	v46 =	vor.u32 s0, v8;
	v17 =	vld.idx.msk [tilespmem:v45+s10+$0x0], $0xffff;
	v16 =	vor.u32 v19, v16  }
0xb7: {  	v47 =	vor.u32 v46, v21;
	_ =	sdelay $0x3  }
0xb8: {  	[tilespmem:v16+s16+$0x0] =	vst.idx.msk $0xffff, v17;
	v16 =	vshll.u32 v46, $0x7  }
0xb9: {  	v48 =	vor.u32 s0, v6;
	v17 =	vld.idx.msk [tilespmem:v47+s10+$0x0], $0xffff;
	v16 =	vor.u32 v19, v16  }
0xba: {  	v49 =	vor.u32 v48, v21;
	_ =	sdelay $0x3  }
0xbb: {  	[tilespmem:v16+s16+$0x0] =	vst.idx.msk $0xffff, v17;
	v16 =	vshll.u32 v48, $0x7  }
0xbc: {  	v50 =	vor.u32 s0, v9;
	v17 =	vld.idx.msk [tilespmem:v49+s10+$0x0], $0xffff;
	v16 =	vor.u32 v19, v16  }
0xbd: {  	v51 =	vor.u32 v50, v21;
	_ =	sdelay $0x3  }
0xbe: {  	[tilespmem:v16+s16+$0x0] =	vst.idx.msk $0xffff, v17;
	v16 =	vshll.u32 v50, $0x7  }
0xbf: {  	v52 =	vor.u32 s0, v10;
	v17 =	vld.idx.msk [tilespmem:v51+s10+$0x0], $0xffff;
	v16 =	vor.u32 v19, v16  }
0xc0: {  	v53 =	vor.u32 v52, v21;
	_ =	sdelay $0x3  }
0xc1: {  	[tilespmem:v16+s16+$0x0] =	vst.idx.msk $0xffff, v17;
	v16 =	vshll.u32 v52, $0x7  }
0xc2: {  	v54 =	vor.u32 s0, v11;
	v17 =	vld.idx.msk [tilespmem:v53+s10+$0x0], $0xffff;
	v16 =	vor.u32 v19, v16  }
0xc3: {  	v55 =	vor.u32 v54, v21;
	_ =	sdelay $0x3  }
0xc4: {  	[tilespmem:v16+s16+$0x0] =	vst.idx.msk $0xffff, v17;
	v16 =	vshll.u32 v54, $0x7  }
0xc5: {  	v56 =	vor.u32 s0, v12;
	v17 =	vld.idx.msk [tilespmem:v55+s10+$0x0], $0xffff;
	v16 =	vor.u32 v19, v16  }
0xc6: {  	v57 =	vor.u32 v56, v21;
	_ =	sdelay $0x3  }
0xc7: {  	[tilespmem:v16+s16+$0x0] =	vst.idx.msk $0xffff, v17;
	v16 =	vshll.u32 v56, $0x7  }
0xc8: {  	v58 =	vor.u32 s0, v13;
	v17 =	vld.idx.msk [tilespmem:v57+s10+$0x0], $0xffff;
	v16 =	vor.u32 v19, v16  }
0xc9: {  	v59 =	vor.u32 v58, v21;
	_ =	sdelay $0x3  }
0xca: {  	[tilespmem:v16+s16+$0x0] =	vst.idx.msk $0xffff, v17;
	v16 =	vshll.u32 v58, $0x7  }
0xcb: {  	v60 =	vor.u32 s0, v14;
	v17 =	vld.idx.msk [tilespmem:v59+s10+$0x0], $0xffff;
	v16 =	vor.u32 v19, v16  }
0xcc: {  	v61 =	vor.u32 v60, v21;
	_ =	sdelay $0x3  }
0xcd: {  	[tilespmem:v16+s16+$0x0] =	vst.idx.msk $0xffff, v17;
	v16 =	vshll.u32 v60, $0x7  }
0xce: {  	v62 =	vor.u32 s0, v15;
	v17 =	vld.idx.msk [tilespmem:v61+s10+$0x0], $0xffff;
	v16 =	vor.u32 v19, v16  }
0xcf: {  	v63 =	vor.u32 v62, v21;
	_ =	sdelay $0x3  }
0xd0: {  	[tilespmem:v16+s16+$0x0] =	vst.idx.msk $0xffff, v17;
	v16 =	vshll.u32 v62, $0x7  }
0xd1: {  	v17 =	vld.idx.msk [tilespmem:v63+s10+$0x0], $0xffff;
	v16 =	vor.u32 v19, v16  }
0xd2: {  	s31 =	sadd.s32 s5, s29;
	p1 =	sne.s32 s26, $0x31  }
.Ltmp1:
0xd3: {  	s1 =	sshll.u32 s31, $0x7;
	(pc) =	sbr.rel @p1 .LBB2_6-.Ltmp1, $4  }
0xd4: {  	s0 =	sshll.u32 s31, $0xA;
	s1 =	sand.u32 $0x3E00, s1  }
0xd5: {  	s0 =	sand.u32 $0xFFE0000, s0;
	s1 =	sadd.s32 s2, s1  }
0xd6: {  	s0 =	sadd.s32 s0, s1;
	[tilespmem:v16+s16+$0x0] =	vst.idx.msk $0xffff, v17  }
0xd7: {  	[hbm4b:s0+s17] =	stream.strided.scatter [tilespmem:s16], [sflag:$0x5], $0x2000, s18, s17, $0x38;
	[tilespmem:$0x1A400] =	vst v63  }
.Ltmp2:
0xd8: {  	(pc) =	sbr.rel .LBB2_7-.Ltmp2, $4  }
0xd9: {  	_ = 	snop  }
0xda: {  	_ =	swait.ge [sflag:s19], $0x4000  }
0xdb: {  	[sflag:s19] =	ssyncset.done $0x0  }
0xdc: {  	[sflag:s19] =	ssyncadd.s32 $0xFFFFC000  }
.LBB2_6:
0xdd: {  	s0 =	sshll.u32 s26, $0x9  }
0xde: {  	s0 =	sand.u32 $0x3FFFFE00, s0  }
.Ltmp3:
0xdf: {  	s0 =	sadd.s32 $0x200, s0;
	(pc) =	sbr.rel @p0 .LBB2_8-.Ltmp3, $4  }
0xe0: {  	[tilespmem:s10], [sflag:$0x1] =	stream.indirect.gather [hbm4b:s4+s9], $0x80, s0, s9, $0xb8;
	[tilespmem:$0x1A400] =	vst v63  }
0xe1: {  	_ =	swait.ge [sflag:s19], $0x4000  }
0xe2: {  	[sflag:s19] =	ssyncset.done $0x0  }
0xe3: {  	[sflag:s19] =	ssyncadd.s32 $0xFFFFC000  }
.LBB2_7:
0xe4: {  	_ =	swait.ge [sflag:s20], $0x2000  }
0xe5: {  	[sflag:s20] =	ssyncset.done $0x0  }
0xe6: {  	[sflag:s20] =	ssyncadd.s32 $0xFFFFE000  }
.LBB2_8:
0xe7: {  	s0 =	simm.s32 $0x0  }
0xe8: {  	s1 =	sand.u32 $0x70, s0  }
0xe9: {  	s0 =	sand.u32 $0x30, s0;
	v16 =	vor.u32 s1, v0  }
0xea: {  	v17 =	vor.u32 s0, v0;
	v19 =	vshll.u32 v16, $0x7  }
0xeb: {  	v18 =	vor.u32 v17, v19;
	_ =	sdelay $0x3  }
0xec: {  	v17 =	vshll.u32 v17, $0x7  }
0xed: {  	v20 =	vor.u32 s0, v1;
	v17 =	vor.u32 v16, v17;
	v18 =	vld.idx.msk [tilespmem:v18+s11+$0x0], $0xffff  }
0xee: {  	v21 =	vor.u32 v20, v19;
	_ =	sdelay $0x3  }
0xef: {  	[tilespmem:v17+s21+$0x0] =	vst.idx.msk $0xffff, v18;
	v17 =	vshll.u32 v20, $0x7  }
0xf0: {  	v20 =	vor.u32 s0, v2;
	v18 =	vld.idx.msk [tilespmem:v21+s11+$0x0], $0xffff;
	v17 =	vor.u32 v16, v17  }
0xf1: {  	v50 =	vor.u32 v20, v19;
	_ =	sdelay $0x3  }
0xf2: {  	[tilespmem:v17+s21+$0x0] =	vst.idx.msk $0xffff, v18;
	v17 =	vshll.u32 v20, $0x7  }
0xf3: {  	v20 =	vor.u32 s0, v3;
	v18 =	vld.idx.msk [tilespmem:v50+s11+$0x0], $0xffff;
	v17 =	vor.u32 v16, v17  }
0xf4: {  	v51 =	vor.u32 v20, v19;
	_ =	sdelay $0x3  }
0xf5: {  	[tilespmem:v17+s21+$0x0] =	vst.idx.msk $0xffff, v18;
	v17 =	vshll.u32 v20, $0x7  }
0xf6: {  	v20 =	vor.u32 s0, v4;
	v18 =	vld.idx.msk [tilespmem:v51+s11+$0x0], $0xffff;
	v17 =	vor.u32 v16, v17  }
0xf7: {  	v52 =	vor.u32 v20, v19;
	_ =	sdelay $0x3  }
0xf8: {  	[tilespmem:v17+s21+$0x0] =	vst.idx.msk $0xffff, v18;
	v17 =	vshll.u32 v20, $0x7  }
0xf9: {  	v20 =	vor.u32 s0, v5;
	v18 =	vld.idx.msk [tilespmem:v52+s11+$0x0], $0xffff;
	v17 =	vor.u32 v16, v17  }
0xfa: {  	v53 =	vor.u32 v20, v19;
	_ =	sdelay $0x3  }
0xfb: {  	[tilespmem:v17+s21+$0x0] =	vst.idx.msk $0xffff, v18;
	v17 =	vshll.u32 v20, $0x7  }
0xfc: {  	v20 =	vor.u32 s0, v7;
	v18 =	vld.idx.msk [tilespmem:v53+s11+$0x0], $0xffff;
	v17 =	vor.u32 v16, v17  }
0xfd: {  	v54 =	vor.u32 v20, v19;
	_ =	sdelay $0x3  }
0xfe: {  	[tilespmem:v17+s21+$0x0] =	vst.idx.msk $0xffff, v18;
	v17 =	vshll.u32 v20, $0x7  }
0xff: {  	v20 =	vor.u32 s0, v8;
	v18 =	vld.idx.msk [tilespmem:v54+s11+$0x0], $0xffff;
	v17 =	vor.u32 v16, v17  }
0x100: {  	v55 =	vor.u32 v20, v19;
	_ =	sdelay $0x3  }
0x101: {  	[tilespmem:v17+s21+$0x0] =	vst.idx.msk $0xffff, v18;
	v17 =	vshll.u32 v20, $0x7  }
0x102: {  	v20 =	vor.u32 s0, v6;
	v18 =	vld.idx.msk [tilespmem:v55+s11+$0x0], $0xffff;
	v17 =	vor.u32 v16, v17  }
0x103: {  	v56 =	vor.u32 v20, v19;
	_ =	sdelay $0x3  }
0x104: {  	[tilespmem:v17+s21+$0x0] =	vst.idx.msk $0xffff, v18;
	v17 =	vshll.u32 v20, $0x7  }
0x105: {  	v20 =	vor.u32 s0, v9;
	v18 =	vld.idx.msk [tilespmem:v56+s11+$0x0], $0xffff;
	v17 =	vor.u32 v16, v17  }
0x106: {  	v57 =	vor.u32 v20, v19;
	_ =	sdelay $0x3  }
0x107: {  	[tilespmem:v17+s21+$0x0] =	vst.idx.msk $0xffff, v18;
	v17 =	vshll.u32 v20, $0x7  }
0x108: {  	v20 =	vor.u32 s0, v10;
	v18 =	vld.idx.msk [tilespmem:v57+s11+$0x0], $0xffff;
	v17 =	vor.u32 v16, v17  }
0x109: {  	v58 =	vor.u32 v20, v19;
	_ =	sdelay $0x3  }
0x10a: {  	[tilespmem:v17+s21+$0x0] =	vst.idx.msk $0xffff, v18;
	v17 =	vshll.u32 v20, $0x7  }
0x10b: {  	v20 =	vor.u32 s0, v11;
	v18 =	vld.idx.msk [tilespmem:v58+s11+$0x0], $0xffff;
	v17 =	vor.u32 v16, v17  }
0x10c: {  	v59 =	vor.u32 v20, v19;
	_ =	sdelay $0x3  }
0x10d: {  	[tilespmem:v17+s21+$0x0] =	vst.idx.msk $0xffff, v18;
	v17 =	vshll.u32 v20, $0x7  }
0x10e: {  	v20 =	vor.u32 s0, v12;
	v18 =	vld.idx.msk [tilespmem:v59+s11+$0x0], $0xffff;
	v17 =	vor.u32 v16, v17  }
0x10f: {  	v60 =	vor.u32 v20, v19;
	_ =	sdelay $0x3  }
0x110: {  	[tilespmem:v17+s21+$0x0] =	vst.idx.msk $0xffff, v18;
	v17 =	vshll.u32 v20, $0x7  }
0x111: {  	v20 =	vor.u32 s0, v13;
	v18 =	vld.idx.msk [tilespmem:v60+s11+$0x0], $0xffff;
	v17 =	vor.u32 v16, v17  }
0x112: {  	v61 =	vor.u32 v20, v19;
	_ =	sdelay $0x3  }
0x113: {  	[tilespmem:v17+s21+$0x0] =	vst.idx.msk $0xffff, v18;
	v17 =	vshll.u32 v20, $0x7  }
0x114: {  	v20 =	vor.u32 s0, v14;
	v18 =	vld.idx.msk [tilespmem:v61+s11+$0x0], $0xffff;
	v17 =	vor.u32 v16, v17  }
0x115: {  	v62 =	vor.u32 v20, v19;
	_ =	sdelay $0x3  }
0x116: {  	[tilespmem:v17+s21+$0x0] =	vst.idx.msk $0xffff, v18;
	v17 =	vshll.u32 v20, $0x7  }
0x117: {  	v18 =	vor.u32 s0, v15;
	v20 =	vld.idx.msk [tilespmem:v62+s11+$0x0], $0xffff;
	v63 =	vor.u32 v16, v17  }
0x118: {  	v17 =	vor.u32 v18, v19;
	_ =	sdelay $0x2  }
0x119: {  	s30 =	sor.u32 $0x1, s29;
	s12 =	simm.s32 $0x10  }
0x11a: {  	s31 =	simm.s32 $0x20;
	s12 =	sand.u32 $0x70, s12;
	s1 =	simm.s32 $0x2;
	[tilespmem:v63+s21+$0x0] =	vst.idx.msk $0xffff, v20  }
.LBB2_9:
0x11b: {  	p0 =	sne.s32 s31, $0x1F0;
	s0 =	sand.u32 $0x30, s1;
	v19 =	vor.u32 s12, v0;
	v20 =	vld.idx.msk [tilespmem:v17+s11+$0x0], $0xffff;
	v18 =	vshll.u32 v18, $0x7  }
0x11c: {  	v21 =	vor.u32 s0, v0;
	v17 =	vshll.u32 v19, $0x7;
	v18 =	vor.u32 v16, v18;
	v16 =	vmovc v19  }
0x11d: {  	v19 =	vor.u32 v21, v17;
	_ =	sdelay $0x3  }
0x11e: {  	[tilespmem:v18+s21+$0x0] =	vst.idx.msk $0xffff, v20  }
0x11f: {  	v18 =	vld.idx.msk [tilespmem:v19+s11+$0x0], $0xffff;
	v19 =	vshll.u32 v21, $0x7  }
0x120: {  	v20 =	vor.u32 s0, v1;
	v19 =	vor.u32 v16, v19  }
0x121: {  	v21 =	vor.u32 v20, v17;
	_ =	sdelay $0x3  }
0x122: {  	[tilespmem:v19+s21+$0x0] =	vst.idx.msk $0xffff, v18  }
0x123: {  	v19 =	vshll.u32 v20, $0x7;
	v18 =	vld.idx.msk [tilespmem:v21+s11+$0x0], $0xffff  }
0x124: {  	v20 =	vor.u32 s0, v2;
	v19 =	vor.u32 v16, v19  }
0x125: {  	v21 =	vor.u32 v20, v17;
	_ =	sdelay $0x3  }
0x126: {  	[tilespmem:v19+s21+$0x0] =	vst.idx.msk $0xffff, v18  }
0x127: {  	v19 =	vshll.u32 v20, $0x7;
	v18 =	vld.idx.msk [tilespmem:v21+s11+$0x0], $0xffff  }
0x128: {  	v20 =	vor.u32 s0, v3;
	v19 =	vor.u32 v16, v19  }
0x129: {  	v21 =	vor.u32 v20, v17;
	_ =	sdelay $0x3  }
0x12a: {  	[tilespmem:v19+s21+$0x0] =	vst.idx.msk $0xffff, v18  }
0x12b: {  	v19 =	vshll.u32 v20, $0x7;
	v18 =	vld.idx.msk [tilespmem:v21+s11+$0x0], $0xffff  }
0x12c: {  	v20 =	vor.u32 s0, v4;
	v19 =	vor.u32 v16, v19  }
0x12d: {  	v21 =	vor.u32 v20, v17;
	_ =	sdelay $0x3  }
0x12e: {  	[tilespmem:v19+s21+$0x0] =	vst.idx.msk $0xffff, v18  }
0x12f: {  	v19 =	vshll.u32 v20, $0x7;
	v18 =	vld.idx.msk [tilespmem:v21+s11+$0x0], $0xffff  }
0x130: {  	v20 =	vor.u32 s0, v5;
	v19 =	vor.u32 v16, v19  }
0x131: {  	v21 =	vor.u32 v20, v17;
	_ =	sdelay $0x3  }
0x132: {  	[tilespmem:v19+s21+$0x0] =	vst.idx.msk $0xffff, v18  }
0x133: {  	v19 =	vshll.u32 v20, $0x7;
	v18 =	vld.idx.msk [tilespmem:v21+s11+$0x0], $0xffff  }
0x134: {  	v20 =	vor.u32 s0, v7;
	v19 =	vor.u32 v16, v19  }
0x135: {  	v21 =	vor.u32 v20, v17;
	_ =	sdelay $0x3  }
0x136: {  	[tilespmem:v19+s21+$0x0] =	vst.idx.msk $0xffff, v18  }
0x137: {  	v19 =	vshll.u32 v20, $0x7;
	v18 =	vld.idx.msk [tilespmem:v21+s11+$0x0], $0xffff  }
0x138: {  	v20 =	vor.u32 s0, v8;
	v19 =	vor.u32 v16, v19  }
0x139: {  	v21 =	vor.u32 v20, v17;
	_ =	sdelay $0x3  }
0x13a: {  	[tilespmem:v19+s21+$0x0] =	vst.idx.msk $0xffff, v18  }
0x13b: {  	v19 =	vshll.u32 v20, $0x7;
	v18 =	vld.idx.msk [tilespmem:v21+s11+$0x0], $0xffff  }
0x13c: {  	v20 =	vor.u32 s0, v6;
	v19 =	vor.u32 v16, v19  }
0x13d: {  	v21 =	vor.u32 v20, v17;
	_ =	sdelay $0x3  }
0x13e: {  	[tilespmem:v19+s21+$0x0] =	vst.idx.msk $0xffff, v18  }
0x13f: {  	v19 =	vshll.u32 v20, $0x7;
	v18 =	vld.idx.msk [tilespmem:v21+s11+$0x0], $0xffff  }
0x140: {  	v20 =	vor.u32 s0, v9;
	v19 =	vor.u32 v16, v19  }
0x141: {  	v21 =	vor.u32 v20, v17;
	_ =	sdelay $0x3  }
0x142: {  	[tilespmem:v19+s21+$0x0] =	vst.idx.msk $0xffff, v18  }
0x143: {  	v19 =	vshll.u32 v20, $0x7;
	v18 =	vld.idx.msk [tilespmem:v21+s11+$0x0], $0xffff  }
0x144: {  	v20 =	vor.u32 s0, v10;
	v19 =	vor.u32 v16, v19  }
0x145: {  	v21 =	vor.u32 v20, v17;
	_ =	sdelay $0x3  }
0x146: {  	[tilespmem:v19+s21+$0x0] =	vst.idx.msk $0xffff, v18  }
0x147: {  	v19 =	vshll.u32 v20, $0x7;
	v18 =	vld.idx.msk [tilespmem:v21+s11+$0x0], $0xffff  }
0x148: {  	v20 =	vor.u32 s0, v11;
	v19 =	vor.u32 v16, v19  }
0x149: {  	v21 =	vor.u32 v20, v17;
	_ =	sdelay $0x3  }
0x14a: {  	[tilespmem:v19+s21+$0x0] =	vst.idx.msk $0xffff, v18  }
0x14b: {  	v19 =	vshll.u32 v20, $0x7;
	v18 =	vld.idx.msk [tilespmem:v21+s11+$0x0], $0xffff  }
0x14c: {  	v20 =	vor.u32 s0, v12;
	v19 =	vor.u32 v16, v19  }
0x14d: {  	v21 =	vor.u32 v20, v17;
	_ =	sdelay $0x3  }
0x14e: {  	[tilespmem:v19+s21+$0x0] =	vst.idx.msk $0xffff, v18  }
0x14f: {  	v19 =	vshll.u32 v20, $0x7;
	v18 =	vld.idx.msk [tilespmem:v21+s11+$0x0], $0xffff  }
0x150: {  	v20 =	vor.u32 s0, v13;
	v19 =	vor.u32 v16, v19  }
0x151: {  	v21 =	vor.u32 v20, v17;
	_ =	sdelay $0x3  }
0x152: {  	[tilespmem:v19+s21+$0x0] =	vst.idx.msk $0xffff, v18  }
0x153: {  	v19 =	vshll.u32 v20, $0x7;
	v18 =	vld.idx.msk [tilespmem:v21+s11+$0x0], $0xffff  }
0x154: {  	v20 =	vor.u32 s0, v14;
	v19 =	vor.u32 v16, v19  }
0x155: {  	v21 =	vor.u32 v20, v17;
	_ =	sdelay $0x3  }
0x156: {  	[tilespmem:v19+s21+$0x0] =	vst.idx.msk $0xffff, v18  }
0x157: {  	v18 =	vshll.u32 v20, $0x7;
	v19 =	vld.idx.msk [tilespmem:v21+s11+$0x0], $0xffff  }
0x158: {  	v20 =	vor.u32 v16, v18;
	v18 =	vor.u32 s0, v15  }
.Ltmp4:
0x159: {  	v17 =	vor.u32 v18, v17;
	(pc) =	sbr.rel @p0 .LBB2_9-.Ltmp4, $2  }
0x15a: {  	_ =	sdelay $0x2  }
0x15b: {  	s12 =	sand.u32 $0x70, s31;
	s31 =	sadd.s32 $0x10, s31;
	s1 =	sadd.s32 $0x2, s1;
	[tilespmem:v20+s21+$0x0] =	vst.idx.msk $0xffff, v19  }
0x15c: {  	_ =	sdelay $0x2  }
0x15d: {  	s0 =	sand.u32 $0x30, s1;
	v19 =	vor.u32 s12, v0;
	v18 =	vshll.u32 v18, $0x7  }
0x15e: {  	v17 =	vld.idx.msk [tilespmem:v17+s11+$0x0], $0xffff;
	v20 =	vor.u32 s0, v0;
	v21 =	vshll.u32 v19, $0x7;
	v16 =	vor.u32 v16, v18  }
0x15f: {  	v18 =	vor.u32 v20, v21;
	_ =	sdelay $0x3  }
0x160: {  	[tilespmem:v16+s21+$0x0] =	vst.idx.msk $0xffff, v17;
	v16 =	vshll.u32 v20, $0x7  }
0x161: {  	v17 =	vld.idx.msk [tilespmem:v18+s11+$0x0], $0xffff;
	v16 =	vor.u32 v19, v16;
	v18 =	vor.u32 s0, v1  }
0x162: {  	v20 =	vor.u32 v18, v21;
	_ =	sdelay $0x3  }
0x163: {  	[tilespmem:v16+s21+$0x0] =	vst.idx.msk $0xffff, v17;
	v16 =	vshll.u32 v18, $0x7  }
0x164: {  	v18 =	vor.u32 s0, v2;
	v17 =	vld.idx.msk [tilespmem:v20+s11+$0x0], $0xffff;
	v16 =	vor.u32 v19, v16  }
0x165: {  	v20 =	vor.u32 v18, v21;
	_ =	sdelay $0x3  }
0x166: {  	[tilespmem:v16+s21+$0x0] =	vst.idx.msk $0xffff, v17;
	v16 =	vshll.u32 v18, $0x7  }
0x167: {  	v18 =	vor.u32 s0, v3;
	v17 =	vld.idx.msk [tilespmem:v20+s11+$0x0], $0xffff;
	v16 =	vor.u32 v19, v16  }
0x168: {  	v20 =	vor.u32 v18, v21;
	_ =	sdelay $0x3  }
0x169: {  	[tilespmem:v16+s21+$0x0] =	vst.idx.msk $0xffff, v17;
	v16 =	vshll.u32 v18, $0x7  }
0x16a: {  	v18 =	vor.u32 s0, v4;
	v17 =	vld.idx.msk [tilespmem:v20+s11+$0x0], $0xffff;
	v16 =	vor.u32 v19, v16  }
0x16b: {  	v20 =	vor.u32 v18, v21;
	_ =	sdelay $0x3  }
0x16c: {  	[tilespmem:v16+s21+$0x0] =	vst.idx.msk $0xffff, v17;
	v16 =	vshll.u32 v18, $0x7  }
0x16d: {  	v18 =	vor.u32 s0, v5;
	v17 =	vld.idx.msk [tilespmem:v20+s11+$0x0], $0xffff;
	v16 =	vor.u32 v19, v16  }
0x16e: {  	v20 =	vor.u32 v18, v21;
	_ =	sdelay $0x3  }
0x16f: {  	[tilespmem:v16+s21+$0x0] =	vst.idx.msk $0xffff, v17;
	v16 =	vshll.u32 v18, $0x7  }
0x170: {  	v18 =	vor.u32 s0, v7;
	v17 =	vld.idx.msk [tilespmem:v20+s11+$0x0], $0xffff;
	v16 =	vor.u32 v19, v16  }
0x171: {  	v20 =	vor.u32 v18, v21;
	_ =	sdelay $0x3  }
0x172: {  	[tilespmem:v16+s21+$0x0] =	vst.idx.msk $0xffff, v17;
	v16 =	vshll.u32 v18, $0x7  }
0x173: {  	v18 =	vor.u32 s0, v8;
	v17 =	vld.idx.msk [tilespmem:v20+s11+$0x0], $0xffff;
	v16 =	vor.u32 v19, v16  }
0x174: {  	v20 =	vor.u32 v18, v21;
	_ =	sdelay $0x3  }
0x175: {  	[tilespmem:v16+s21+$0x0] =	vst.idx.msk $0xffff, v17;
	v16 =	vshll.u32 v18, $0x7  }
0x176: {  	v18 =	vor.u32 s0, v6;
	v17 =	vld.idx.msk [tilespmem:v20+s11+$0x0], $0xffff;
	v16 =	vor.u32 v19, v16  }
0x177: {  	v20 =	vor.u32 v18, v21;
	_ =	sdelay $0x3  }
0x178: {  	[tilespmem:v16+s21+$0x0] =	vst.idx.msk $0xffff, v17;
	v16 =	vshll.u32 v18, $0x7  }
0x179: {  	v18 =	vor.u32 s0, v9;
	v17 =	vld.idx.msk [tilespmem:v20+s11+$0x0], $0xffff;
	v16 =	vor.u32 v19, v16  }
0x17a: {  	v20 =	vor.u32 v18, v21;
	_ =	sdelay $0x3  }
0x17b: {  	[tilespmem:v16+s21+$0x0] =	vst.idx.msk $0xffff, v17;
	v16 =	vshll.u32 v18, $0x7  }
0x17c: {  	v18 =	vor.u32 s0, v10;
	v17 =	vld.idx.msk [tilespmem:v20+s11+$0x0], $0xffff;
	v16 =	vor.u32 v19, v16  }
0x17d: {  	v20 =	vor.u32 v18, v21;
	_ =	sdelay $0x3  }
0x17e: {  	[tilespmem:v16+s21+$0x0] =	vst.idx.msk $0xffff, v17;
	v16 =	vshll.u32 v18, $0x7  }
0x17f: {  	v18 =	vor.u32 s0, v11;
	v17 =	vld.idx.msk [tilespmem:v20+s11+$0x0], $0xffff;
	v16 =	vor.u32 v19, v16  }
0x180: {  	v20 =	vor.u32 v18, v21;
	_ =	sdelay $0x3  }
0x181: {  	[tilespmem:v16+s21+$0x0] =	vst.idx.msk $0xffff, v17;
	v16 =	vshll.u32 v18, $0x7  }
0x182: {  	v18 =	vor.u32 s0, v12;
	v17 =	vld.idx.msk [tilespmem:v20+s11+$0x0], $0xffff;
	v16 =	vor.u32 v19, v16  }
0x183: {  	v20 =	vor.u32 v18, v21;
	_ =	sdelay $0x3  }
0x184: {  	[tilespmem:v16+s21+$0x0] =	vst.idx.msk $0xffff, v17;
	v16 =	vshll.u32 v18, $0x7  }
0x185: {  	v18 =	vor.u32 s0, v13;
	v17 =	vld.idx.msk [tilespmem:v20+s11+$0x0], $0xffff;
	v16 =	vor.u32 v19, v16  }
0x186: {  	v20 =	vor.u32 v18, v21;
	_ =	sdelay $0x3  }
0x187: {  	[tilespmem:v16+s21+$0x0] =	vst.idx.msk $0xffff, v17;
	v16 =	vshll.u32 v18, $0x7  }
0x188: {  	v18 =	vor.u32 s0, v14;
	v17 =	vld.idx.msk [tilespmem:v20+s11+$0x0], $0xffff;
	v16 =	vor.u32 v19, v16  }
0x189: {  	v20 =	vor.u32 v18, v21;
	_ =	sdelay $0x3  }
0x18a: {  	[tilespmem:v16+s21+$0x0] =	vst.idx.msk $0xffff, v17;
	v16 =	vshll.u32 v18, $0x7  }
0x18b: {  	v18 =	vor.u32 s0, v15;
	v17 =	vld.idx.msk [tilespmem:v20+s11+$0x0], $0xffff;
	v16 =	vor.u32 v19, v16  }
0x18c: {  	v20 =	vor.u32 v18, v21;
	_ =	sdelay $0x3  }
0x18d: {  	[tilespmem:v16+s21+$0x0] =	vst.idx.msk $0xffff, v17;
	v16 =	vshll.u32 v18, $0x7  }
0x18e: {  	v17 =	vld.idx.msk [tilespmem:v20+s11+$0x0], $0xffff;
	v16 =	vor.u32 v19, v16  }
0x18f: {  	s1 =	sadd.s32 s5, s30  }
0x190: {  	s12 =	sshll.u32 s1, $0x7  }
0x191: {  	s0 =	sshll.u32 s1, $0xA;
	s1 =	sand.u32 $0x3E80, s12  }
0x192: {  	s0 =	sand.u32 $0xFFE0000, s0;
	s1 =	sadd.s32 s2, s1  }
0x193: {  	p0 =	seq.s32 s26, $0x31;
	s0 =	sadd.s32 s0, s1;
	[tilespmem:v16+s21+$0x0] =	vst.idx.msk $0xffff, v17  }
0x194: {  	[hbm4b:s0+s17] =	stream.strided.scatter [tilespmem:s21], [sflag:$0x6], $0x2000, s18, s17, $0x38;
	[tilespmem:$0x1A400] =	vst v63  }
0x195: {  	s0 =	sshll.u32 @!p0 s26, $0x9  }
0x196: {  	s30 =	sand.u32 @!p0 $0x3FFFFE00, s0  }
0x197: {  	s12 =	simm.s32 @!p0 $0xA400;
	s1 =	simm.s32 @!p0 $0x80;
	s0 =	sadd.s32 @!p0 $0x280, s30  }
0x198: {  	[tilespmem:s12], [sflag:$0x2] =	stream.indirect.gather @!p0 [hbm4b:s4+s1], $0x80, s0, s1, $0xb8;
	[tilespmem:$0x1A400] =	vst v63  }
0x199: {  	s1 =	simm.s32 $0x0  }
0x19a: {  	s12 =	sand.u32 $0x70, s1  }
0x19b: {  	s0 =	sand.u32 $0x30, s1;
	v16 =	vor.u32 s12, v0  }
0x19c: {  	_ =	swait.ge [sflag:s22], $0x4000;
	v17 =	vor.u32 s0, v0;
	v19 =	vshll.u32 v16, $0x7  }
0x19d: {  	[sflag:s22] =	ssyncset.done $0x0;
	v18 =	vor.u32 v17, v19  }
0x19e: {  	[sflag:s22] =	ssyncadd.s32 $0xFFFFC000  }
0x19f: {  	_ =	swait.ge [sflag:s23], $0x2000  }
0x1a0: {  	[sflag:s23] =	ssyncset.done $0x0  }
0x1a1: {  	v17 =	vshll.u32 v17, $0x7;
	[sflag:s23] =	ssyncadd.s32 $0xFFFFE000  }
0x1a2: {  	v20 =	vor.u32 s0, v1;
	v17 =	vor.u32 v16, v17;
	v18 =	vld.idx.msk [tilespmem:v18+s13+$0x0], $0xffff  }
0x1a3: {  	v49 =	vor.u32 v20, v19;
	_ =	sdelay $0x3  }
0x1a4: {  	[tilespmem:v17+s16+$0x0] =	vst.idx.msk $0xffff, v18;
	v17 =	vshll.u32 v20, $0x7  }
0x1a5: {  	v20 =	vor.u32 s0, v2;
	v18 =	vld.idx.msk [tilespmem:v49+s13+$0x0], $0xffff;
	v17 =	vor.u32 v16, v17  }
0x1a6: {  	v50 =	vor.u32 v20, v19;
	_ =	sdelay $0x3  }
0x1a7: {  	[tilespmem:v17+s16+$0x0] =	vst.idx.msk $0xffff, v18;
	v17 =	vshll.u32 v20, $0x7  }
0x1a8: {  	v20 =	vor.u32 s0, v3;
	v18 =	vld.idx.msk [tilespmem:v50+s13+$0x0], $0xffff;
	v17 =	vor.u32 v16, v17  }
0x1a9: {  	v51 =	vor.u32 v20, v19;
	_ =	sdelay $0x3  }
0x1aa: {  	[tilespmem:v17+s16+$0x0] =	vst.idx.msk $0xffff, v18;
	v17 =	vshll.u32 v20, $0x7  }
0x1ab: {  	v20 =	vor.u32 s0, v4;
	v18 =	vld.idx.msk [tilespmem:v51+s13+$0x0], $0xffff;
	v17 =	vor.u32 v16, v17  }
0x1ac: {  	v52 =	vor.u32 v20, v19;
	_ =	sdelay $0x3  }
0x1ad: {  	[tilespmem:v17+s16+$0x0] =	vst.idx.msk $0xffff, v18;
	v17 =	vshll.u32 v20, $0x7  }
0x1ae: {  	v20 =	vor.u32 s0, v5;
	v18 =	vld.idx.msk [tilespmem:v52+s13+$0x0], $0xffff;
	v17 =	vor.u32 v16, v17  }
0x1af: {  	v53 =	vor.u32 v20, v19;
	_ =	sdelay $0x3  }
0x1b0: {  	[tilespmem:v17+s16+$0x0] =	vst.idx.msk $0xffff, v18;
	v17 =	vshll.u32 v20, $0x7  }
0x1b1: {  	v20 =	vor.u32 s0, v7;
	v18 =	vld.idx.msk [tilespmem:v53+s13+$0x0], $0xffff;
	v17 =	vor.u32 v16, v17  }
0x1b2: {  	v54 =	vor.u32 v20, v19;
	_ =	sdelay $0x3  }
0x1b3: {  	[tilespmem:v17+s16+$0x0] =	vst.idx.msk $0xffff, v18;
	v17 =	vshll.u32 v20, $0x7  }
0x1b4: {  	v20 =	vor.u32 s0, v8;
	v18 =	vld.idx.msk [tilespmem:v54+s13+$0x0], $0xffff;
	v17 =	vor.u32 v16, v17  }
0x1b5: {  	v55 =	vor.u32 v20, v19;
	_ =	sdelay $0x3  }
0x1b6: {  	[tilespmem:v17+s16+$0x0] =	vst.idx.msk $0xffff, v18;
	v17 =	vshll.u32 v20, $0x7  }
0x1b7: {  	v20 =	vor.u32 s0, v6;
	v18 =	vld.idx.msk [tilespmem:v55+s13+$0x0], $0xffff;
	v17 =	vor.u32 v16, v17  }
0x1b8: {  	v56 =	vor.u32 v20, v19;
	_ =	sdelay $0x3  }
0x1b9: {  	[tilespmem:v17+s16+$0x0] =	vst.idx.msk $0xffff, v18;
	v17 =	vshll.u32 v20, $0x7  }
0x1ba: {  	v20 =	vor.u32 s0, v9;
	v18 =	vld.idx.msk [tilespmem:v56+s13+$0x0], $0xffff;
	v17 =	vor.u32 v16, v17  }
0x1bb: {  	v57 =	vor.u32 v20, v19;
	_ =	sdelay $0x3  }
0x1bc: {  	[tilespmem:v17+s16+$0x0] =	vst.idx.msk $0xffff, v18;
	v17 =	vshll.u32 v20, $0x7  }
0x1bd: {  	v20 =	vor.u32 s0, v10;
	v18 =	vld.idx.msk [tilespmem:v57+s13+$0x0], $0xffff;
	v17 =	vor.u32 v16, v17  }
0x1be: {  	v58 =	vor.u32 v20, v19;
	_ =	sdelay $0x3  }
0x1bf: {  	[tilespmem:v17+s16+$0x0] =	vst.idx.msk $0xffff, v18;
	v17 =	vshll.u32 v20, $0x7  }
0x1c0: {  	v20 =	vor.u32 s0, v11;
	v18 =	vld.idx.msk [tilespmem:v58+s13+$0x0], $0xffff;
	v17 =	vor.u32 v16, v17  }
0x1c1: {  	v59 =	vor.u32 v20, v19;
	_ =	sdelay $0x3  }
0x1c2: {  	[tilespmem:v17+s16+$0x0] =	vst.idx.msk $0xffff, v18;
	v17 =	vshll.u32 v20, $0x7  }
0x1c3: {  	v20 =	vor.u32 s0, v12;
	v18 =	vld.idx.msk [tilespmem:v59+s13+$0x0], $0xffff;
	v17 =	vor.u32 v16, v17  }
0x1c4: {  	v60 =	vor.u32 v20, v19;
	_ =	sdelay $0x3  }
0x1c5: {  	[tilespmem:v17+s16+$0x0] =	vst.idx.msk $0xffff, v18;
	v17 =	vshll.u32 v20, $0x7  }
0x1c6: {  	v20 =	vor.u32 s0, v13;
	v18 =	vld.idx.msk [tilespmem:v60+s13+$0x0], $0xffff;
	v17 =	vor.u32 v16, v17  }
0x1c7: {  	v61 =	vor.u32 v20, v19;
	_ =	sdelay $0x3  }
0x1c8: {  	[tilespmem:v17+s16+$0x0] =	vst.idx.msk $0xffff, v18;
	v17 =	vshll.u32 v20, $0x7  }
0x1c9: {  	v20 =	vor.u32 s0, v14;
	v18 =	vld.idx.msk [tilespmem:v61+s13+$0x0], $0xffff;
	v17 =	vor.u32 v16, v17  }
0x1ca: {  	v62 =	vor.u32 v20, v19;
	_ =	sdelay $0x3  }
0x1cb: {  	[tilespmem:v17+s16+$0x0] =	vst.idx.msk $0xffff, v18;
	v17 =	vshll.u32 v20, $0x7  }
0x1cc: {  	v18 =	vor.u32 s0, v15;
	v20 =	vld.idx.msk [tilespmem:v62+s13+$0x0], $0xffff;
	v63 =	vor.u32 v16, v17  }
0x1cd: {  	v17 =	vor.u32 v18, v19;
	_ =	sdelay $0x2  }
0x1ce: {  	s29 =	sor.u32 $0x2, s29;
	s12 =	simm.s32 $0x10  }
0x1cf: {  	s31 =	simm.s32 $0x20;
	s1 =	simm.s32 $0x2;
	s12 =	sand.u32 $0x70, s12;
	[tilespmem:v63+s16+$0x0] =	vst.idx.msk $0xffff, v20  }
.LBB2_11:
0x1d0: {  	p1 =	sne.s32 s31, $0x1F0;
	s0 =	sand.u32 $0x30, s1;
	v19 =	vor.u32 s12, v0;
	v20 =	vld.idx.msk [tilespmem:v17+s13+$0x0], $0xffff;
	v18 =	vshll.u32 v18, $0x7  }
0x1d1: {  	v21 =	vor.u32 s0, v0;
	v17 =	vshll.u32 v19, $0x7;
	v18 =	vor.u32 v16, v18;
	v16 =	vmovc v19  }
0x1d2: {  	v19 =	vor.u32 v21, v17;
	_ =	sdelay $0x3  }
0x1d3: {  	[tilespmem:v18+s16+$0x0] =	vst.idx.msk $0xffff, v20  }
0x1d4: {  	v18 =	vld.idx.msk [tilespmem:v19+s13+$0x0], $0xffff;
	v19 =	vshll.u32 v21, $0x7  }
0x1d5: {  	v20 =	vor.u32 s0, v1;
	v19 =	vor.u32 v16, v19  }
0x1d6: {  	v21 =	vor.u32 v20, v17;
	_ =	sdelay $0x3  }
0x1d7: {  	[tilespmem:v19+s16+$0x0] =	vst.idx.msk $0xffff, v18  }
0x1d8: {  	v19 =	vshll.u32 v20, $0x7;
	v18 =	vld.idx.msk [tilespmem:v21+s13+$0x0], $0xffff  }
0x1d9: {  	v20 =	vor.u32 s0, v2;
	v19 =	vor.u32 v16, v19  }
0x1da: {  	v21 =	vor.u32 v20, v17;
	_ =	sdelay $0x3  }
0x1db: {  	[tilespmem:v19+s16+$0x0] =	vst.idx.msk $0xffff, v18  }
0x1dc: {  	v19 =	vshll.u32 v20, $0x7;
	v18 =	vld.idx.msk [tilespmem:v21+s13+$0x0], $0xffff  }
0x1dd: {  	v20 =	vor.u32 s0, v3;
	v19 =	vor.u32 v16, v19  }
0x1de: {  	v21 =	vor.u32 v20, v17;
	_ =	sdelay $0x3  }
0x1df: {  	[tilespmem:v19+s16+$0x0] =	vst.idx.msk $0xffff, v18  }
0x1e0: {  	v19 =	vshll.u32 v20, $0x7;
	v18 =	vld.idx.msk [tilespmem:v21+s13+$0x0], $0xffff  }
0x1e1: {  	v20 =	vor.u32 s0, v4;
	v19 =	vor.u32 v16, v19  }
0x1e2: {  	v21 =	vor.u32 v20, v17;
	_ =	sdelay $0x3  }
0x1e3: {  	[tilespmem:v19+s16+$0x0] =	vst.idx.msk $0xffff, v18  }
0x1e4: {  	v19 =	vshll.u32 v20, $0x7;
	v18 =	vld.idx.msk [tilespmem:v21+s13+$0x0], $0xffff  }
0x1e5: {  	v20 =	vor.u32 s0, v5;
	v19 =	vor.u32 v16, v19  }
0x1e6: {  	v21 =	vor.u32 v20, v17;
	_ =	sdelay $0x3  }
0x1e7: {  	[tilespmem:v19+s16+$0x0] =	vst.idx.msk $0xffff, v18  }
0x1e8: {  	v19 =	vshll.u32 v20, $0x7;
	v18 =	vld.idx.msk [tilespmem:v21+s13+$0x0], $0xffff  }
0x1e9: {  	v20 =	vor.u32 s0, v7;
	v19 =	vor.u32 v16, v19  }
0x1ea: {  	v21 =	vor.u32 v20, v17;
	_ =	sdelay $0x3  }
0x1eb: {  	[tilespmem:v19+s16+$0x0] =	vst.idx.msk $0xffff, v18  }
0x1ec: {  	v19 =	vshll.u32 v20, $0x7;
	v18 =	vld.idx.msk [tilespmem:v21+s13+$0x0], $0xffff  }
0x1ed: {  	v20 =	vor.u32 s0, v8;
	v19 =	vor.u32 v16, v19  }
0x1ee: {  	v21 =	vor.u32 v20, v17;
	_ =	sdelay $0x3  }
0x1ef: {  	[tilespmem:v19+s16+$0x0] =	vst.idx.msk $0xffff, v18  }
0x1f0: {  	v19 =	vshll.u32 v20, $0x7;
	v18 =	vld.idx.msk [tilespmem:v21+s13+$0x0], $0xffff  }
0x1f1: {  	v20 =	vor.u32 s0, v6;
	v19 =	vor.u32 v16, v19  }
0x1f2: {  	v21 =	vor.u32 v20, v17;
	_ =	sdelay $0x3  }
0x1f3: {  	[tilespmem:v19+s16+$0x0] =	vst.idx.msk $0xffff, v18  }
0x1f4: {  	v19 =	vshll.u32 v20, $0x7;
	v18 =	vld.idx.msk [tilespmem:v21+s13+$0x0], $0xffff  }
0x1f5: {  	v20 =	vor.u32 s0, v9;
	v19 =	vor.u32 v16, v19  }
0x1f6: {  	v21 =	vor.u32 v20, v17;
	_ =	sdelay $0x3  }
0x1f7: {  	[tilespmem:v19+s16+$0x0] =	vst.idx.msk $0xffff, v18  }
0x1f8: {  	v19 =	vshll.u32 v20, $0x7;
	v18 =	vld.idx.msk [tilespmem:v21+s13+$0x0], $0xffff  }
0x1f9: {  	v20 =	vor.u32 s0, v10;
	v19 =	vor.u32 v16, v19  }
0x1fa: {  	v21 =	vor.u32 v20, v17;
	_ =	sdelay $0x3  }
0x1fb: {  	[tilespmem:v19+s16+$0x0] =	vst.idx.msk $0xffff, v18  }
0x1fc: {  	v19 =	vshll.u32 v20, $0x7;
	v18 =	vld.idx.msk [tilespmem:v21+s13+$0x0], $0xffff  }
0x1fd: {  	v20 =	vor.u32 s0, v11;
	v19 =	vor.u32 v16, v19  }
0x1fe: {  	v21 =	vor.u32 v20, v17;
	_ =	sdelay $0x3  }
0x1ff: {  	[tilespmem:v19+s16+$0x0] =	vst.idx.msk $0xffff, v18  }
0x200: {  	v19 =	vshll.u32 v20, $0x7;
	v18 =	vld.idx.msk [tilespmem:v21+s13+$0x0], $0xffff  }
0x201: {  	v20 =	vor.u32 s0, v12;
	v19 =	vor.u32 v16, v19  }
0x202: {  	v21 =	vor.u32 v20, v17;
	_ =	sdelay $0x3  }
0x203: {  	[tilespmem:v19+s16+$0x0] =	vst.idx.msk $0xffff, v18  }
0x204: {  	v19 =	vshll.u32 v20, $0x7;
	v18 =	vld.idx.msk [tilespmem:v21+s13+$0x0], $0xffff  }
0x205: {  	v20 =	vor.u32 s0, v13;
	v19 =	vor.u32 v16, v19  }
0x206: {  	v21 =	vor.u32 v20, v17;
	_ =	sdelay $0x3  }
0x207: {  	[tilespmem:v19+s16+$0x0] =	vst.idx.msk $0xffff, v18  }
0x208: {  	v19 =	vshll.u32 v20, $0x7;
	v18 =	vld.idx.msk [tilespmem:v21+s13+$0x0], $0xffff  }
0x209: {  	v20 =	vor.u32 s0, v14;
	v19 =	vor.u32 v16, v19  }
0x20a: {  	v21 =	vor.u32 v20, v17;
	_ =	sdelay $0x3  }
0x20b: {  	[tilespmem:v19+s16+$0x0] =	vst.idx.msk $0xffff, v18  }
0x20c: {  	v18 =	vshll.u32 v20, $0x7;
	v19 =	vld.idx.msk [tilespmem:v21+s13+$0x0], $0xffff  }
0x20d: {  	v20 =	vor.u32 v16, v18;
	v18 =	vor.u32 s0, v15  }
.Ltmp5:
0x20e: {  	v17 =	vor.u32 v18, v17;
	(pc) =	sbr.rel @p1 .LBB2_11-.Ltmp5, $2  }
0x20f: {  	_ =	sdelay $0x2  }
0x210: {  	s12 =	sand.u32 $0x70, s31;
	s31 =	sadd.s32 $0x10, s31;
	s1 =	sadd.s32 $0x2, s1;
	[tilespmem:v20+s16+$0x0] =	vst.idx.msk $0xffff, v19  }
0x211: {  	_ =	sdelay $0x2  }
0x212: {  	s0 =	sand.u32 $0x30, s1;
	v19 =	vor.u32 s12, v0;
	v18 =	vshll.u32 v18, $0x7  }
0x213: {  	v17 =	vld.idx.msk [tilespmem:v17+s13+$0x0], $0xffff;
	v20 =	vor.u32 s0, v0;
	v21 =	vshll.u32 v19, $0x7;
	v16 =	vor.u32 v16, v18  }
0x214: {  	v18 =	vor.u32 v20, v21;
	_ =	sdelay $0x3  }
0x215: {  	[tilespmem:v16+s16+$0x0] =	vst.idx.msk $0xffff, v17;
	v16 =	vshll.u32 v20, $0x7  }
0x216: {  	v17 =	vld.idx.msk [tilespmem:v18+s13+$0x0], $0xffff;
	v16 =	vor.u32 v19, v16;
	v18 =	vor.u32 s0, v1  }
0x217: {  	v20 =	vor.u32 v18, v21;
	_ =	sdelay $0x3  }
0x218: {  	[tilespmem:v16+s16+$0x0] =	vst.idx.msk $0xffff, v17;
	v16 =	vshll.u32 v18, $0x7  }
0x219: {  	v18 =	vor.u32 s0, v2;
	v17 =	vld.idx.msk [tilespmem:v20+s13+$0x0], $0xffff;
	v16 =	vor.u32 v19, v16  }
0x21a: {  	v20 =	vor.u32 v18, v21;
	_ =	sdelay $0x3  }
0x21b: {  	[tilespmem:v16+s16+$0x0] =	vst.idx.msk $0xffff, v17;
	v16 =	vshll.u32 v18, $0x7  }
0x21c: {  	v18 =	vor.u32 s0, v3;
	v17 =	vld.idx.msk [tilespmem:v20+s13+$0x0], $0xffff;
	v16 =	vor.u32 v19, v16  }
0x21d: {  	v20 =	vor.u32 v18, v21;
	_ =	sdelay $0x3  }
0x21e: {  	[tilespmem:v16+s16+$0x0] =	vst.idx.msk $0xffff, v17;
	v16 =	vshll.u32 v18, $0x7  }
0x21f: {  	v18 =	vor.u32 s0, v4;
	v17 =	vld.idx.msk [tilespmem:v20+s13+$0x0], $0xffff;
	v16 =	vor.u32 v19, v16  }
0x220: {  	v20 =	vor.u32 v18, v21;
	_ =	sdelay $0x3  }
0x221: {  	[tilespmem:v16+s16+$0x0] =	vst.idx.msk $0xffff, v17;
	v16 =	vshll.u32 v18, $0x7  }
0x222: {  	v18 =	vor.u32 s0, v5;
	v17 =	vld.idx.msk [tilespmem:v20+s13+$0x0], $0xffff;
	v16 =	vor.u32 v19, v16  }
0x223: {  	v20 =	vor.u32 v18, v21;
	_ =	sdelay $0x3  }
0x224: {  	[tilespmem:v16+s16+$0x0] =	vst.idx.msk $0xffff, v17;
	v16 =	vshll.u32 v18, $0x7  }
0x225: {  	v18 =	vor.u32 s0, v7;
	v17 =	vld.idx.msk [tilespmem:v20+s13+$0x0], $0xffff;
	v16 =	vor.u32 v19, v16  }
0x226: {  	v20 =	vor.u32 v18, v21;
	_ =	sdelay $0x3  }
0x227: {  	[tilespmem:v16+s16+$0x0] =	vst.idx.msk $0xffff, v17;
	v16 =	vshll.u32 v18, $0x7  }
0x228: {  	v18 =	vor.u32 s0, v8;
	v17 =	vld.idx.msk [tilespmem:v20+s13+$0x0], $0xffff;
	v16 =	vor.u32 v19, v16  }
0x229: {  	v20 =	vor.u32 v18, v21;
	_ =	sdelay $0x3  }
0x22a: {  	[tilespmem:v16+s16+$0x0] =	vst.idx.msk $0xffff, v17;
	v16 =	vshll.u32 v18, $0x7  }
0x22b: {  	v18 =	vor.u32 s0, v6;
	v17 =	vld.idx.msk [tilespmem:v20+s13+$0x0], $0xffff;
	v16 =	vor.u32 v19, v16  }
0x22c: {  	v20 =	vor.u32 v18, v21;
	_ =	sdelay $0x3  }
0x22d: {  	[tilespmem:v16+s16+$0x0] =	vst.idx.msk $0xffff, v17;
	v16 =	vshll.u32 v18, $0x7  }
0x22e: {  	v18 =	vor.u32 s0, v9;
	v17 =	vld.idx.msk [tilespmem:v20+s13+$0x0], $0xffff;
	v16 =	vor.u32 v19, v16  }
0x22f: {  	v20 =	vor.u32 v18, v21;
	_ =	sdelay $0x3  }
0x230: {  	[tilespmem:v16+s16+$0x0] =	vst.idx.msk $0xffff, v17;
	v16 =	vshll.u32 v18, $0x7  }
0x231: {  	v18 =	vor.u32 s0, v10;
	v17 =	vld.idx.msk [tilespmem:v20+s13+$0x0], $0xffff;
	v16 =	vor.u32 v19, v16  }
0x232: {  	v20 =	vor.u32 v18, v21;
	_ =	sdelay $0x3  }
0x233: {  	[tilespmem:v16+s16+$0x0] =	vst.idx.msk $0xffff, v17;
	v16 =	vshll.u32 v18, $0x7  }
0x234: {  	v18 =	vor.u32 s0, v11;
	v17 =	vld.idx.msk [tilespmem:v20+s13+$0x0], $0xffff;
	v16 =	vor.u32 v19, v16  }
0x235: {  	v20 =	vor.u32 v18, v21;
	_ =	sdelay $0x3  }
0x236: {  	[tilespmem:v16+s16+$0x0] =	vst.idx.msk $0xffff, v17;
	v16 =	vshll.u32 v18, $0x7  }
0x237: {  	v18 =	vor.u32 s0, v12;
	v17 =	vld.idx.msk [tilespmem:v20+s13+$0x0], $0xffff;
	v16 =	vor.u32 v19, v16  }
0x238: {  	v20 =	vor.u32 v18, v21;
	_ =	sdelay $0x3  }
0x239: {  	[tilespmem:v16+s16+$0x0] =	vst.idx.msk $0xffff, v17;
	v16 =	vshll.u32 v18, $0x7  }
0x23a: {  	v18 =	vor.u32 s0, v13;
	v17 =	vld.idx.msk [tilespmem:v20+s13+$0x0], $0xffff;
	v16 =	vor.u32 v19, v16  }
0x23b: {  	v20 =	vor.u32 v18, v21;
	_ =	sdelay $0x3  }
0x23c: {  	[tilespmem:v16+s16+$0x0] =	vst.idx.msk $0xffff, v17;
	v16 =	vshll.u32 v18, $0x7  }
0x23d: {  	v18 =	vor.u32 s0, v14;
	v17 =	vld.idx.msk [tilespmem:v20+s13+$0x0], $0xffff;
	v16 =	vor.u32 v19, v16  }
0x23e: {  	v20 =	vor.u32 v18, v21;
	_ =	sdelay $0x3  }
0x23f: {  	[tilespmem:v16+s16+$0x0] =	vst.idx.msk $0xffff, v17;
	v16 =	vshll.u32 v18, $0x7  }
0x240: {  	v18 =	vor.u32 s0, v15;
	v17 =	vld.idx.msk [tilespmem:v20+s13+$0x0], $0xffff;
	v16 =	vor.u32 v19, v16  }
0x241: {  	v20 =	vor.u32 v18, v21;
	_ =	sdelay $0x3  }
0x242: {  	[tilespmem:v16+s16+$0x0] =	vst.idx.msk $0xffff, v17;
	v16 =	vshll.u32 v18, $0x7  }
0x243: {  	v17 =	vld.idx.msk [tilespmem:v20+s13+$0x0], $0xffff;
	v16 =	vor.u32 v19, v16  }
0x244: {  	s12 =	sadd.s32 s5, s29  }
0x245: {  	s31 =	sshll.u32 s12, $0x7  }
0x246: {  	s1 =	sand.u32 $0x3F00, s31;
	s0 =	sshll.u32 s12, $0xA  }
0x247: {  	s1 =	sadd.s32 s2, s1;
	s0 =	sand.u32 $0xFFE0000, s0  }
0x248: {  	s0 =	sadd.s32 s0, s1;
	[tilespmem:v16+s16+$0x0] =	vst.idx.msk $0xffff, v17  }
0x249: {  	[hbm4b:s0+s17] =	stream.strided.scatter [tilespmem:s16], [sflag:$0x5], $0x2000, s18, s17, $0x38;
	[tilespmem:$0x1A400] =	vst v63  }
0x24a: {  	s12 =	simm.s32 @!p0 $0xE400;
	s1 =	simm.s32 @!p0 $0x80;
	s0 =	sadd.s32 @!p0 $0x300, s30  }
0x24b: {  	[tilespmem:s12], [sflag:$0x3] =	stream.indirect.gather @!p0 [hbm4b:s4+s1], $0x80, s0, s1, $0xb8;
	[tilespmem:$0x1A400] =	vst v63  }
0x24c: {  	s12 =	simm.s32 $0x0  }
0x24d: {  	s30 =	sand.u32 $0x70, s12  }
0x24e: {  	s0 =	sand.u32 $0x30, s12;
	v16 =	vor.u32 s30, v0  }
0x24f: {  	_ =	swait.ge [sflag:s24], $0x4000;
	v17 =	vor.u32 s0, v0;
	v19 =	vshll.u32 v16, $0x7  }
0x250: {  	[sflag:s24] =	ssyncset.done $0x0;
	v18 =	vor.u32 v17, v19  }
0x251: {  	[sflag:s24] =	ssyncadd.s32 $0xFFFFC000  }
0x252: {  	_ =	swait.ge [sflag:s20], $0x2000  }
0x253: {  	[sflag:s20] =	ssyncset.done $0x0  }
0x254: {  	v17 =	vshll.u32 v17, $0x7;
	[sflag:s20] =	ssyncadd.s32 $0xFFFFE000  }
0x255: {  	v20 =	vor.u32 s0, v1;
	v17 =	vor.u32 v16, v17;
	v18 =	vld.idx.msk [tilespmem:v18+s14+$0x0], $0xffff  }
0x256: {  	v49 =	vor.u32 v20, v19;
	_ =	sdelay $0x3  }
0x257: {  	[tilespmem:v17+s21+$0x0] =	vst.idx.msk $0xffff, v18;
	v17 =	vshll.u32 v20, $0x7  }
0x258: {  	v20 =	vor.u32 s0, v2;
	v18 =	vld.idx.msk [tilespmem:v49+s14+$0x0], $0xffff;
	v17 =	vor.u32 v16, v17  }
0x259: {  	v50 =	vor.u32 v20, v19;
	_ =	sdelay $0x3  }
0x25a: {  	[tilespmem:v17+s21+$0x0] =	vst.idx.msk $0xffff, v18;
	v17 =	vshll.u32 v20, $0x7  }
0x25b: {  	v20 =	vor.u32 s0, v3;
	v18 =	vld.idx.msk [tilespmem:v50+s14+$0x0], $0xffff;
	v17 =	vor.u32 v16, v17  }
0x25c: {  	v51 =	vor.u32 v20, v19;
	_ =	sdelay $0x3  }
0x25d: {  	[tilespmem:v17+s21+$0x0] =	vst.idx.msk $0xffff, v18;
	v17 =	vshll.u32 v20, $0x7  }
0x25e: {  	v20 =	vor.u32 s0, v4;
	v18 =	vld.idx.msk [tilespmem:v51+s14+$0x0], $0xffff;
	v17 =	vor.u32 v16, v17  }
0x25f: {  	v52 =	vor.u32 v20, v19;
	_ =	sdelay $0x3  }
0x260: {  	[tilespmem:v17+s21+$0x0] =	vst.idx.msk $0xffff, v18;
	v17 =	vshll.u32 v20, $0x7  }
0x261: {  	v20 =	vor.u32 s0, v5;
	v18 =	vld.idx.msk [tilespmem:v52+s14+$0x0], $0xffff;
	v17 =	vor.u32 v16, v17  }
0x262: {  	v53 =	vor.u32 v20, v19;
	_ =	sdelay $0x3  }
0x263: {  	[tilespmem:v17+s21+$0x0] =	vst.idx.msk $0xffff, v18;
	v17 =	vshll.u32 v20, $0x7  }
0x264: {  	v20 =	vor.u32 s0, v7;
	v18 =	vld.idx.msk [tilespmem:v53+s14+$0x0], $0xffff;
	v17 =	vor.u32 v16, v17  }
0x265: {  	v54 =	vor.u32 v20, v19;
	_ =	sdelay $0x3  }
0x266: {  	[tilespmem:v17+s21+$0x0] =	vst.idx.msk $0xffff, v18;
	v17 =	vshll.u32 v20, $0x7  }
0x267: {  	v20 =	vor.u32 s0, v8;
	v18 =	vld.idx.msk [tilespmem:v54+s14+$0x0], $0xffff;
	v17 =	vor.u32 v16, v17  }
0x268: {  	v55 =	vor.u32 v20, v19;
	_ =	sdelay $0x3  }
0x269: {  	[tilespmem:v17+s21+$0x0] =	vst.idx.msk $0xffff, v18;
	v17 =	vshll.u32 v20, $0x7  }
0x26a: {  	v20 =	vor.u32 s0, v6;
	v18 =	vld.idx.msk [tilespmem:v55+s14+$0x0], $0xffff;
	v17 =	vor.u32 v16, v17  }
0x26b: {  	v56 =	vor.u32 v20, v19;
	_ =	sdelay $0x3  }
0x26c: {  	[tilespmem:v17+s21+$0x0] =	vst.idx.msk $0xffff, v18;
	v17 =	vshll.u32 v20, $0x7  }
0x26d: {  	v20 =	vor.u32 s0, v9;
	v18 =	vld.idx.msk [tilespmem:v56+s14+$0x0], $0xffff;
	v17 =	vor.u32 v16, v17  }
0x26e: {  	v57 =	vor.u32 v20, v19;
	_ =	sdelay $0x3  }
0x26f: {  	[tilespmem:v17+s21+$0x0] =	vst.idx.msk $0xffff, v18;
	v17 =	vshll.u32 v20, $0x7  }
0x270: {  	v20 =	vor.u32 s0, v10;
	v18 =	vld.idx.msk [tilespmem:v57+s14+$0x0], $0xffff;
	v17 =	vor.u32 v16, v17  }
0x271: {  	v58 =	vor.u32 v20, v19;
	_ =	sdelay $0x3  }
0x272: {  	[tilespmem:v17+s21+$0x0] =	vst.idx.msk $0xffff, v18;
	v17 =	vshll.u32 v20, $0x7  }
0x273: {  	v20 =	vor.u32 s0, v11;
	v18 =	vld.idx.msk [tilespmem:v58+s14+$0x0], $0xffff;
	v17 =	vor.u32 v16, v17  }
0x274: {  	v59 =	vor.u32 v20, v19;
	_ =	sdelay $0x3  }
0x275: {  	[tilespmem:v17+s21+$0x0] =	vst.idx.msk $0xffff, v18;
	v17 =	vshll.u32 v20, $0x7  }
0x276: {  	v20 =	vor.u32 s0, v12;
	v18 =	vld.idx.msk [tilespmem:v59+s14+$0x0], $0xffff;
	v17 =	vor.u32 v16, v17  }
0x277: {  	v60 =	vor.u32 v20, v19;
	_ =	sdelay $0x3  }
0x278: {  	[tilespmem:v17+s21+$0x0] =	vst.idx.msk $0xffff, v18;
	v17 =	vshll.u32 v20, $0x7  }
0x279: {  	v20 =	vor.u32 s0, v13;
	v18 =	vld.idx.msk [tilespmem:v60+s14+$0x0], $0xffff;
	v17 =	vor.u32 v16, v17  }
0x27a: {  	v61 =	vor.u32 v20, v19;
	_ =	sdelay $0x3  }
0x27b: {  	[tilespmem:v17+s21+$0x0] =	vst.idx.msk $0xffff, v18;
	v17 =	vshll.u32 v20, $0x7  }
0x27c: {  	v20 =	vor.u32 s0, v14;
	v18 =	vld.idx.msk [tilespmem:v61+s14+$0x0], $0xffff;
	v17 =	vor.u32 v16, v17  }
0x27d: {  	v62 =	vor.u32 v20, v19;
	_ =	sdelay $0x3  }
0x27e: {  	[tilespmem:v17+s21+$0x0] =	vst.idx.msk $0xffff, v18;
	v17 =	vshll.u32 v20, $0x7  }
0x27f: {  	v18 =	vor.u32 s0, v15;
	v20 =	vld.idx.msk [tilespmem:v62+s14+$0x0], $0xffff;
	v63 =	vor.u32 v16, v17  }
0x280: {  	v17 =	vor.u32 v18, v19;
	_ =	sdelay $0x2  }
0x281: {  	s31 =	simm.s32 $0x10  }
0x282: {  	s29 =	simm.s32 $0x20;
	s1 =	simm.s32 $0x2;
	s12 =	sand.u32 $0x70, s31;
	[tilespmem:v63+s21+$0x0] =	vst.idx.msk $0xffff, v20  }
.LBB2_13:
0x283: {  	p0 =	sne.s32 s29, $0x1F0;
	s0 =	sand.u32 $0x30, s1;
	v19 =	vor.u32 s12, v0;
	v20 =	vld.idx.msk [tilespmem:v17+s14+$0x0], $0xffff;
	v18 =	vshll.u32 v18, $0x7  }
0x284: {  	v21 =	vor.u32 s0, v0;
	v17 =	vshll.u32 v19, $0x7;
	v18 =	vor.u32 v16, v18;
	v16 =	vmovc v19  }
0x285: {  	v19 =	vor.u32 v21, v17;
	_ =	sdelay $0x3  }
0x286: {  	[tilespmem:v18+s21+$0x0] =	vst.idx.msk $0xffff, v20  }
0x287: {  	v18 =	vld.idx.msk [tilespmem:v19+s14+$0x0], $0xffff;
	v19 =	vshll.u32 v21, $0x7  }
0x288: {  	v20 =	vor.u32 s0, v1;
	v19 =	vor.u32 v16, v19  }
0x289: {  	v21 =	vor.u32 v20, v17;
	_ =	sdelay $0x3  }
0x28a: {  	[tilespmem:v19+s21+$0x0] =	vst.idx.msk $0xffff, v18  }
0x28b: {  	v19 =	vshll.u32 v20, $0x7;
	v18 =	vld.idx.msk [tilespmem:v21+s14+$0x0], $0xffff  }
0x28c: {  	v20 =	vor.u32 s0, v2;
	v19 =	vor.u32 v16, v19  }
0x28d: {  	v21 =	vor.u32 v20, v17;
	_ =	sdelay $0x3  }
0x28e: {  	[tilespmem:v19+s21+$0x0] =	vst.idx.msk $0xffff, v18  }
0x28f: {  	v19 =	vshll.u32 v20, $0x7;
	v18 =	vld.idx.msk [tilespmem:v21+s14+$0x0], $0xffff  }
0x290: {  	v20 =	vor.u32 s0, v3;
	v19 =	vor.u32 v16, v19  }
0x291: {  	v21 =	vor.u32 v20, v17;
	_ =	sdelay $0x3  }
0x292: {  	[tilespmem:v19+s21+$0x0] =	vst.idx.msk $0xffff, v18  }
0x293: {  	v19 =	vshll.u32 v20, $0x7;
	v18 =	vld.idx.msk [tilespmem:v21+s14+$0x0], $0xffff  }
0x294: {  	v20 =	vor.u32 s0, v4;
	v19 =	vor.u32 v16, v19  }
0x295: {  	v21 =	vor.u32 v20, v17;
	_ =	sdelay $0x3  }
0x296: {  	[tilespmem:v19+s21+$0x0] =	vst.idx.msk $0xffff, v18  }
0x297: {  	v19 =	vshll.u32 v20, $0x7;
	v18 =	vld.idx.msk [tilespmem:v21+s14+$0x0], $0xffff  }
0x298: {  	v20 =	vor.u32 s0, v5;
	v19 =	vor.u32 v16, v19  }
0x299: {  	v21 =	vor.u32 v20, v17;
	_ =	sdelay $0x3  }
0x29a: {  	[tilespmem:v19+s21+$0x0] =	vst.idx.msk $0xffff, v18  }
0x29b: {  	v19 =	vshll.u32 v20, $0x7;
	v18 =	vld.idx.msk [tilespmem:v21+s14+$0x0], $0xffff  }
0x29c: {  	v20 =	vor.u32 s0, v7;
	v19 =	vor.u32 v16, v19  }
0x29d: {  	v21 =	vor.u32 v20, v17;
	_ =	sdelay $0x3  }
0x29e: {  	[tilespmem:v19+s21+$0x0] =	vst.idx.msk $0xffff, v18  }
0x29f: {  	v19 =	vshll.u32 v20, $0x7;
	v18 =	vld.idx.msk [tilespmem:v21+s14+$0x0], $0xffff  }
0x2a0: {  	v20 =	vor.u32 s0, v8;
	v19 =	vor.u32 v16, v19  }
0x2a1: {  	v21 =	vor.u32 v20, v17;
	_ =	sdelay $0x3  }
0x2a2: {  	[tilespmem:v19+s21+$0x0] =	vst.idx.msk $0xffff, v18  }
0x2a3: {  	v19 =	vshll.u32 v20, $0x7;
	v18 =	vld.idx.msk [tilespmem:v21+s14+$0x0], $0xffff  }
0x2a4: {  	v20 =	vor.u32 s0, v6;
	v19 =	vor.u32 v16, v19  }
0x2a5: {  	v21 =	vor.u32 v20, v17;
	_ =	sdelay $0x3  }
0x2a6: {  	[tilespmem:v19+s21+$0x0] =	vst.idx.msk $0xffff, v18  }
0x2a7: {  	v19 =	vshll.u32 v20, $0x7;
	v18 =	vld.idx.msk [tilespmem:v21+s14+$0x0], $0xffff  }
0x2a8: {  	v20 =	vor.u32 s0, v9;
	v19 =	vor.u32 v16, v19  }
0x2a9: {  	v21 =	vor.u32 v20, v17;
	_ =	sdelay $0x3  }
0x2aa: {  	[tilespmem:v19+s21+$0x0] =	vst.idx.msk $0xffff, v18  }
0x2ab: {  	v19 =	vshll.u32 v20, $0x7;
	v18 =	vld.idx.msk [tilespmem:v21+s14+$0x0], $0xffff  }
0x2ac: {  	v20 =	vor.u32 s0, v10;
	v19 =	vor.u32 v16, v19  }
0x2ad: {  	v21 =	vor.u32 v20, v17;
	_ =	sdelay $0x3  }
0x2ae: {  	[tilespmem:v19+s21+$0x0] =	vst.idx.msk $0xffff, v18  }
0x2af: {  	v19 =	vshll.u32 v20, $0x7;
	v18 =	vld.idx.msk [tilespmem:v21+s14+$0x0], $0xffff  }
0x2b0: {  	v20 =	vor.u32 s0, v11;
	v19 =	vor.u32 v16, v19  }
0x2b1: {  	v21 =	vor.u32 v20, v17;
	_ =	sdelay $0x3  }
0x2b2: {  	[tilespmem:v19+s21+$0x0] =	vst.idx.msk $0xffff, v18  }
0x2b3: {  	v19 =	vshll.u32 v20, $0x7;
	v18 =	vld.idx.msk [tilespmem:v21+s14+$0x0], $0xffff  }
0x2b4: {  	v20 =	vor.u32 s0, v12;
	v19 =	vor.u32 v16, v19  }
0x2b5: {  	v21 =	vor.u32 v20, v17;
	_ =	sdelay $0x3  }
0x2b6: {  	[tilespmem:v19+s21+$0x0] =	vst.idx.msk $0xffff, v18  }
0x2b7: {  	v19 =	vshll.u32 v20, $0x7;
	v18 =	vld.idx.msk [tilespmem:v21+s14+$0x0], $0xffff  }
0x2b8: {  	v20 =	vor.u32 s0, v13;
	v19 =	vor.u32 v16, v19  }
0x2b9: {  	v21 =	vor.u32 v20, v17;
	_ =	sdelay $0x3  }
0x2ba: {  	[tilespmem:v19+s21+$0x0] =	vst.idx.msk $0xffff, v18  }
0x2bb: {  	v19 =	vshll.u32 v20, $0x7;
	v18 =	vld.idx.msk [tilespmem:v21+s14+$0x0], $0xffff  }
0x2bc: {  	v20 =	vor.u32 s0, v14;
	v19 =	vor.u32 v16, v19  }
0x2bd: {  	v21 =	vor.u32 v20, v17;
	_ =	sdelay $0x3  }
0x2be: {  	[tilespmem:v19+s21+$0x0] =	vst.idx.msk $0xffff, v18  }
0x2bf: {  	v18 =	vshll.u32 v20, $0x7;
	v19 =	vld.idx.msk [tilespmem:v21+s14+$0x0], $0xffff  }
0x2c0: {  	v20 =	vor.u32 v16, v18;
	v18 =	vor.u32 s0, v15  }
.Ltmp6:
0x2c1: {  	v17 =	vor.u32 v18, v17;
	(pc) =	sbr.rel @p0 .LBB2_13-.Ltmp6, $2  }
0x2c2: {  	_ =	sdelay $0x2  }
0x2c3: {  	s12 =	sand.u32 $0x70, s29;
	s29 =	sadd.s32 $0x10, s29;
	s1 =	sadd.s32 $0x2, s1;
	[tilespmem:v20+s21+$0x0] =	vst.idx.msk $0xffff, v19  }
0x2c4: {  	_ =	sdelay $0x2  }
0x2c5: {  	s0 =	sand.u32 $0x30, s1;
	v19 =	vor.u32 s12, v0;
	v18 =	vshll.u32 v18, $0x7  }
0x2c6: {  	v17 =	vld.idx.msk [tilespmem:v17+s14+$0x0], $0xffff;
	v20 =	vor.u32 s0, v0;
	v21 =	vshll.u32 v19, $0x7;
	v16 =	vor.u32 v16, v18  }
0x2c7: {  	v33 =	vor.u32 v20, v21;
	_ =	sdelay $0x3  }
0x2c8: {  	[tilespmem:v16+s21+$0x0] =	vst.idx.msk $0xffff, v17;
	v16 =	vshll.u32 v20, $0x7  }
0x2c9: {  	v34 =	vor.u32 s0, v1;
	v17 =	vld.idx.msk [tilespmem:v33+s14+$0x0], $0xffff;
	v16 =	vor.u32 v19, v16  }
0x2ca: {  	v35 =	vor.u32 v34, v21;
	_ =	sdelay $0x3  }
0x2cb: {  	[tilespmem:v16+s21+$0x0] =	vst.idx.msk $0xffff, v17;
	v16 =	vshll.u32 v34, $0x7  }
0x2cc: {  	v36 =	vor.u32 s0, v2;
	v17 =	vld.idx.msk [tilespmem:v35+s14+$0x0], $0xffff;
	v16 =	vor.u32 v19, v16  }
0x2cd: {  	v37 =	vor.u32 v36, v21;
	_ =	sdelay $0x3  }
0x2ce: {  	[tilespmem:v16+s21+$0x0] =	vst.idx.msk $0xffff, v17;
	v16 =	vshll.u32 v36, $0x7  }
0x2cf: {  	v38 =	vor.u32 s0, v3;
	v17 =	vld.idx.msk [tilespmem:v37+s14+$0x0], $0xffff;
	v16 =	vor.u32 v19, v16  }
0x2d0: {  	v39 =	vor.u32 v38, v21;
	_ =	sdelay $0x3  }
0x2d1: {  	[tilespmem:v16+s21+$0x0] =	vst.idx.msk $0xffff, v17;
	v16 =	vshll.u32 v38, $0x7  }
0x2d2: {  	v40 =	vor.u32 s0, v4;
	v17 =	vld.idx.msk [tilespmem:v39+s14+$0x0], $0xffff;
	v16 =	vor.u32 v19, v16  }
0x2d3: {  	v41 =	vor.u32 v40, v21;
	_ =	sdelay $0x3  }
0x2d4: {  	[tilespmem:v16+s21+$0x0] =	vst.idx.msk $0xffff, v17;
	v16 =	vshll.u32 v40, $0x7  }
0x2d5: {  	v42 =	vor.u32 s0, v5;
	v17 =	vld.idx.msk [tilespmem:v41+s14+$0x0], $0xffff;
	v16 =	vor.u32 v19, v16  }
0x2d6: {  	v43 =	vor.u32 v42, v21;
	_ =	sdelay $0x3  }
0x2d7: {  	[tilespmem:v16+s21+$0x0] =	vst.idx.msk $0xffff, v17;
	v16 =	vshll.u32 v42, $0x7  }
0x2d8: {  	v44 =	vor.u32 s0, v7;
	v17 =	vld.idx.msk [tilespmem:v43+s14+$0x0], $0xffff;
	v16 =	vor.u32 v19, v16  }
0x2d9: {  	v45 =	vor.u32 v44, v21;
	_ =	sdelay $0x3  }
0x2da: {  	[tilespmem:v16+s21+$0x0] =	vst.idx.msk $0xffff, v17;
	v16 =	vshll.u32 v44, $0x7  }
0x2db: {  	v46 =	vor.u32 s0, v8;
	v17 =	vld.idx.msk [tilespmem:v45+s14+$0x0], $0xffff;
	v16 =	vor.u32 v19, v16  }
0x2dc: {  	v47 =	vor.u32 v46, v21;
	_ =	sdelay $0x3  }
0x2dd: {  	[tilespmem:v16+s21+$0x0] =	vst.idx.msk $0xffff, v17;
	v16 =	vshll.u32 v46, $0x7  }
0x2de: {  	v48 =	vor.u32 s0, v6;
	v17 =	vld.idx.msk [tilespmem:v47+s14+$0x0], $0xffff;
	v16 =	vor.u32 v19, v16  }
0x2df: {  	v49 =	vor.u32 v48, v21;
	_ =	sdelay $0x3  }
0x2e0: {  	[tilespmem:v16+s21+$0x0] =	vst.idx.msk $0xffff, v17;
	v16 =	vshll.u32 v48, $0x7  }
0x2e1: {  	v50 =	vor.u32 s0, v9;
	v17 =	vld.idx.msk [tilespmem:v49+s14+$0x0], $0xffff;
	v16 =	vor.u32 v19, v16  }
0x2e2: {  	v51 =	vor.u32 v50, v21;
	_ =	sdelay $0x3  }
0x2e3: {  	[tilespmem:v16+s21+$0x0] =	vst.idx.msk $0xffff, v17;
	v16 =	vshll.u32 v50, $0x7  }
0x2e4: {  	v52 =	vor.u32 s0, v10;
	v17 =	vld.idx.msk [tilespmem:v51+s14+$0x0], $0xffff;
	v16 =	vor.u32 v19, v16  }
0x2e5: {  	v53 =	vor.u32 v52, v21;
	_ =	sdelay $0x3  }
0x2e6: {  	[tilespmem:v16+s21+$0x0] =	vst.idx.msk $0xffff, v17;
	v16 =	vshll.u32 v52, $0x7  }
0x2e7: {  	v54 =	vor.u32 s0, v11;
	v17 =	vld.idx.msk [tilespmem:v53+s14+$0x0], $0xffff;
	v16 =	vor.u32 v19, v16  }
0x2e8: {  	v55 =	vor.u32 v54, v21;
	_ =	sdelay $0x3  }
0x2e9: {  	[tilespmem:v16+s21+$0x0] =	vst.idx.msk $0xffff, v17;
	v16 =	vshll.u32 v54, $0x7  }
0x2ea: {  	v56 =	vor.u32 s0, v12;
	v17 =	vld.idx.msk [tilespmem:v55+s14+$0x0], $0xffff;
	v16 =	vor.u32 v19, v16  }
0x2eb: {  	v57 =	vor.u32 v56, v21;
	_ =	sdelay $0x3  }
0x2ec: {  	[tilespmem:v16+s21+$0x0] =	vst.idx.msk $0xffff, v17;
	v16 =	vshll.u32 v56, $0x7  }
0x2ed: {  	v58 =	vor.u32 s0, v13;
	v17 =	vld.idx.msk [tilespmem:v57+s14+$0x0], $0xffff;
	v16 =	vor.u32 v19, v16  }
0x2ee: {  	v59 =	vor.u32 v58, v21;
	_ =	sdelay $0x3  }
0x2ef: {  	[tilespmem:v16+s21+$0x0] =	vst.idx.msk $0xffff, v17;
	v16 =	vshll.u32 v58, $0x7  }
0x2f0: {  	v60 =	vor.u32 s0, v14;
	v17 =	vld.idx.msk [tilespmem:v59+s14+$0x0], $0xffff;
	v16 =	vor.u32 v19, v16  }
0x2f1: {  	v61 =	vor.u32 v60, v21;
	_ =	sdelay $0x3  }
0x2f2: {  	[tilespmem:v16+s21+$0x0] =	vst.idx.msk $0xffff, v17;
	v16 =	vshll.u32 v60, $0x7  }
0x2f3: {  	v62 =	vor.u32 s0, v15;
	v17 =	vld.idx.msk [tilespmem:v61+s14+$0x0], $0xffff;
	v16 =	vor.u32 v19, v16  }
0x2f4: {  	v63 =	vor.u32 v62, v21;
	_ =	sdelay $0x3  }
0x2f5: {  	[tilespmem:v16+s21+$0x0] =	vst.idx.msk $0xffff, v17;
	v16 =	vshll.u32 v62, $0x7  }
0x2f6: {  	s26 =	sadd.s32 $0x1, s26;
	v17 =	vld.idx.msk [tilespmem:v63+s14+$0x0], $0xffff;
	v16 =	vor.u32 v19, v16  }
0x2f7: {  	s30 =	sadd.s32 s5, s28;
	p0 =	sne.s32 s26, $0x32  }
.Ltmp7:
0x2f8: {  	s31 =	sshll.u32 s30, $0x7;
	(pc) =	sbr.rel @p0 .LBB2_2-.Ltmp7, $4  }
0x2f9: {  	s0 =	sshll.u32 s30, $0xA;
	s1 =	sand.u32 $0x3F80, s31  }
0x2fa: {  	s0 =	sand.u32 $0xFFE0000, s0;
	s1 =	sadd.s32 s2, s1  }
0x2fb: {  	s0 =	sadd.s32 s0, s1;
	[tilespmem:v16+s21+$0x0] =	vst.idx.msk $0xffff, v17  }
0x2fc: {  	[hbm4b:s0+s17] =	stream.strided.scatter [tilespmem:s21], [sflag:$0x6], $0x2000, s18, s17, $0x38;
	[tilespmem:$0x1A400] =	vst v63  }
0x2fd: {  	s25 =	sadd.s32 $0x1, s25  }
0x2fe: {  	_ =	swait.ge [sflag:s23], $0x2000;
	p0 =	sne.s32 s25, s7  }
.Ltmp8:
0x2ff: {  	[sflag:s23] =	ssyncset.done $0x0;
	(pc) =	sbr.rel @p0 .LBB2_1-.Ltmp8, $4  }
0x300: {  	[sflag:s23] =	ssyncadd.s32 $0xFFFFE000  }
0x301: {  	_ =	swait.ge [sflag:s20], $0x2000  }
0x302: {  	[sflag:s20] =	ssyncset.done $0x0  }
0x303: {  	[sflag:s20] =	ssyncadd.s32 $0xFFFFE000  }
0x304: {  	_ =	sfence.sel $0x180000  }
0x305: {  	[bflag:$0x0] =	sbarrier.arrive $0xFFFF  }
0x306: {  	_ =	strace $0x90000047  }
0x307: {  	s0 =	stileid.u32;
	[bflag:$0x2] =	sbarrier.arrive $0xFFFF  }
0x308: {  	p0 =	sne.s32 s0, $0x0;
	s0 =	rddreg [dreg:$0x2]  }
0x309: {  	s0 =	sadd.s32 @!p0 $0x100000, s0  }
0x30a: {  	[sflag:s0] =	ssyncadd.tile.s32 @!p0 $0x1;
	_ =	shalt  }
.Lfunc_end2:
_tile_overlayer_lowered:
.L_overlay_start_2:
0x30b: {  	(tag) =	ssettag $0x2  }
0x30c: {  	s0 =	rddreg [dreg:$0x0];
	s2 =	stileid.u32  }
0x30d: {  	s1 =	rddreg [dreg:$0x1];
	p0 =	sne.s32 s2, $0x0  }
0x30e: {  	s3 =	rddreg [dreg:$0x2];
	[bflag:$0x3] =	sbarrier.arrive $0xFFFF;
	s2 =	simm.s32 @!p0 $0x1C07  }
0x30f: {  	[timem:s3], [sflag:s2] =	dma.local @!p0 [hbm:s0], s1  }
0x310: {  	s0 =	simm.s32 @!p0 $0x7  }
0x311: {  	_ =	swait.ge @!p0 [sflag:s0], s1  }
0x312: {  	s1 =	ssub.s32 @!p0 $0x0, s1;
	[sflag:s0] =	ssyncset.done @!p0 $0x0  }
0x313: {  	[sflag:s0] =	ssyncadd.s32 @!p0 s1  }
0x314: {  	[bflag:$0x3] =	sbarrier.arrive $0xFFFF  }
0x315: {  	_ =	shalt  }

</sc_bundles>
